<compile_context>
chip_gen: v7x
topology: tpu7x:2x2x1
jax: 0.10.2.dev20260603
libtpu: 0.0.44.dev20260713+nightly
codegen_flags: <defaults>
</compile_context>

<pallas_src>
import functools

import jax
import jax.numpy as jnp
from jax import lax
from jax.experimental import pallas as pl
from jax.experimental.pallas import tpu as pltpu
from jax.experimental.pallas import tpu_sc as plsc

NC = 2
NS = 16
NW = NC * NS
D = 64
C = 128
L = 16


def _run(n_w, xf, emb, bias_f, interpret=False):
    n = xf.shape[0]
    n_chunks = n_w // C
    mesh = plsc.VectorSubcoreMesh(
        core_axis_name="c", subcore_axis_name="s", num_cores=NC, num_subcores=NS
    )

    @functools.partial(
        pl.kernel,
        out_type=jax.ShapeDtypeStruct((n, D), jnp.float32),
        mesh=mesh,
        scratch_types=[
            pltpu.VMEM((C,), jnp.int32),
            pltpu.VMEM((C,), jnp.int32),
            pltpu.VMEM((C,), jnp.float32),
            pltpu.VMEM((C,), jnp.float32),
            pltpu.VMEM((C, D), jnp.float32),
            pltpu.VMEM((C, D), jnp.float32),
            pltpu.VMEM((C, D), jnp.float32),
            pltpu.VMEM((C, D), jnp.float32),
            pltpu.SemaphoreType.DMA,
            pltpu.SemaphoreType.DMA,
            pltpu.SemaphoreType.DMA,
            pltpu.SemaphoreType.DMA,
        ],
        interpret=interpret,
        compiler_params=pltpu.CompilerParams(use_tc_tiling_on_sc=False),
    )
    def run(xf_hbm, emb_hbm, bias_hbm, out_hbm,
            idx0, idx1, bia0, bia1, row0, row1, obu0, obu1,
            gs0, gs1, os0, os1):
        idx_v = (idx0, idx1)
        bias_v = (bia0, bia1)
        rows_v = (row0, row1)
        obuf_v = (obu0, obu1)
        gsem = (gs0, gs1)
        osem = (os0, os1)

        wid = lax.axis_index("s") * NC + lax.axis_index("c")
        base = wid * n_w

        def gather_copies(par):
            return [
                pltpu.make_async_copy(
                    emb_hbm.at[idx_v[par]], rows_v[par], gsem[par]),
                pltpu.make_async_copy(
                    bias_hbm.at[idx_v[par]], bias_v[par], gsem[par]),
            ]

        def fire(c, par):
            m0 = base + c * C
            pltpu.sync_copy(xf_hbm.at[pl.ds(m0, C)], idx_v[par])
            for cp in gather_copies(par):
                cp.start()

        def out_copy(c, par):
            m0 = base + c * C
            return pltpu.make_async_copy(
                obuf_v[par], out_hbm.at[pl.ds(m0, C)], osem[par])

        def compute(par):
            def row_body(r16, _):
                bv16 = bias_v[par][pl.ds(r16 * L, L)]
                for j in range(L):
                    r = r16 * L + j
                    bv = jnp.broadcast_to(bv16[j], (L,))
                    for q in range(D // L):
                        obuf_v[par][r, pl.ds(q * L, L)] = (
                            rows_v[par][r, pl.ds(q * L, L)] + bv)
                return 0

            lax.fori_loop(0, C // L, row_body, 0, unroll=False)

        fire(0, 0)

        def chunk(c, par):
            @pl.when(c < n_chunks - 1)
            def _():
                fire(c + 1, 1 - par)

            for cp in gather_copies(par):
                cp.wait()

            @pl.when(c >= 2)
            def _():
                out_copy(c - 2, par).wait()

            compute(par)
            out_copy(c, par).start()

        def pair_body(h, _):
            chunk(2 * h, 0)
            chunk(2 * h + 1, 1)
            return 0

        lax.fori_loop(0, n_chunks // 2, pair_body, 0, unroll=False)
        out_copy(n_chunks - 2, 0).wait()
        out_copy(n_chunks - 1, 1).wait()

    return run(xf, emb, bias_f)


def kernel(x, embedding_weight, bias_weight):
    b, f = x.shape
    n = b * f
    d = embedding_weight.shape[1]
    assert n % NW == 0 and (n // NW) % (2 * C) == 0 and d == D
    xf = x.reshape(n)
    bias_flat = bias_weight.reshape(-1)
    out = _run(n // NW, xf, embedding_weight, bias_flat)
    return out.reshape(b, f, D)

# --- scband reference (transcript-rebuilt; emitter-appended) ---
"""Pipeline reference for scband-vec-embedding-45835890983165 (READ-ONLY COPY).

The authoritative reference and input builder live on the scoring server;
editing this copy changes nothing except your own understanding.
"""

import jax, jax.numpy as jnp
import numpy as np

IN_FEATURES = 1000000
OUT_FEATURES = 64

def setup_inputs(seed: int = 0) -> dict:
    key = jax.random.key(seed)
    k1, k2, k3 = jax.random.split(key, 3)
    x = jax.random.randint(k1, (16384, 26), 0, IN_FEATURES, dtype=jnp.int64 if jax.config.jax_enable_x64 else jnp.int32).astype(jnp.int32)
    embedding_weight = jax.random.normal(k2, (IN_FEATURES, OUT_FEATURES), dtype=jnp.float32)
    bias_weight = jax.random.normal(k3, (IN_FEATURES, 1), dtype=jnp.float32)
    return {"x": x, "embedding_weight": embedding_weight, "bias_weight": bias_weight}

def reference(x, embedding_weight, bias_weight):
    # embeds = Embedding(in_features, out_features)(x)
    embeds = jnp.take(embedding_weight, x, axis=0)          # [B, F, D]
    # biases = Embedding(in_features, 1)(x)
    biases = jnp.take(bias_weight, x, axis=0)                # [B, F, 1]
    pred = embeds + biases                                   # broadcast over last dim
    return pred

if __name__ == "__main__":
    import jax
    _d = setup_inputs()
    print(jax.jit(kernel)(*tuple(_d.values())))

</pallas_src>

<mosaic_0001>
#map = affine_map<(d0, d1) -> (0)>
#map1 = affine_map<(d0, d1) -> (0, 0)>
module attributes {stable_mosaic.version = 14 : i64} {
  func.func @run(%arg0: i32, %arg1: i32, %arg2: memref<425984xi32, #tpu.memory_space<hbm>>, %arg3: memref<1000000x64xf32, #tpu.memory_space<hbm>>, %arg4: memref<1000000xf32, #tpu.memory_space<hbm>>, %arg5: memref<425984x64xf32, #tpu.memory_space<hbm>>, %arg6: memref<128xi32, #tpu.memory_space<vmem>>, %arg7: memref<128xi32, #tpu.memory_space<vmem>>, %arg8: memref<128xf32, #tpu.memory_space<vmem>>, %arg9: memref<128xf32, #tpu.memory_space<vmem>>, %arg10: memref<128x64xf32, #tpu.memory_space<vmem>>, %arg11: memref<128x64xf32, #tpu.memory_space<vmem>>, %arg12: memref<128x64xf32, #tpu.memory_space<vmem>>, %arg13: memref<128x64xf32, #tpu.memory_space<vmem>>, %arg14: memref<!tpu.dma_semaphore, #tpu.memory_space<semaphore_mem>>, %arg15: memref<!tpu.dma_semaphore, #tpu.memory_space<semaphore_mem>>, %arg16: memref<!tpu.dma_semaphore, #tpu.memory_space<semaphore_mem>>, %arg17: memref<!tpu.dma_semaphore, #tpu.memory_space<semaphore_mem>>) attributes {dimension_semantics = [#tpu.dimension_semantics<core_parallel>, #tpu.dimension_semantics<subcore_parallel>], iteration_bounds = array<i64: 2, 16>, scalar_prefetch = 0 : i64, scratch_operands = 12 : i64, tpu.core_type = #tpu.core_type<sc_vector_subcore>, window_params = [{transform_indices = #map}, {transform_indices = #map1}, {transform_indices = #map}, {transform_indices = #map1}]} {
    %mul3A = arith.constant 2 : i32
    %mul3A_0 = arith.muli %arg1, %mul3A : i32
    %add3A = arith.addi %mul3A_0, %arg0 : i32
    %mul3A_1 = arith.constant 13312 : i32
    %mul3A_2 = arith.muli %add3A, %mul3A_1 : i32
    %add3A_3 = arith.constant 0 : i32
    %add3A_4 = arith.addi %mul3A_2, %add3A_3 : i32
    "tpu.region"() ({
      %run_scoped3A = tpu.sem_alloc : memref<!tpu.dma_semaphore, #tpu.memory_space<semaphore_mem>>
      %dma_start3A_26 = tpu.memref_slice %arg2[%add3A_4] : memref<425984xi32, #tpu.memory_space<hbm>> -> memref<128xi32, #tpu.memory_space<hbm>>
      %dma_start3A_27 = tpu.memref_slice %arg2[%add3A_4] : memref<425984xi32, #tpu.memory_space<hbm>> -> memref<128xi32, #tpu.memory_space<hbm>>
      tpu.enqueue_dma source(%dma_start3A_27 : memref<128xi32, #tpu.memory_space<hbm>>) target(%arg6 : memref<128xi32, #tpu.memory_space<vmem>>) target_semaphore(%run_scoped3A : memref<!tpu.dma_semaphore, #tpu.memory_space<semaphore_mem>>)
      %dma_wait3A_28 = tpu.memref_slice %arg2[%add3A_4] : memref<425984xi32, #tpu.memory_space<hbm>> -> memref<128xi32, #tpu.memory_space<hbm>>
      %dma_wait3A_29 = tpu.memref_slice %arg2[%add3A_4] : memref<425984xi32, #tpu.memory_space<hbm>> -> memref<128xi32, #tpu.memory_space<hbm>>
      tpu.wait_dma2 semaphore(%run_scoped3A : memref<!tpu.dma_semaphore, #tpu.memory_space<semaphore_mem>>) src(%dma_wait3A_29 : memref<128xi32, #tpu.memory_space<hbm>>) dst(%arg6 : memref<128xi32, #tpu.memory_space<vmem>>)
      tpu.yield
    }) : () -> ()
    %dma_start3A = arith.constant 0 : i32
    %dma_start3A_5 = arith.constant 0 : i32
    %dma_start3A_6 = tpu.memref_slice %arg3[%dma_start3A, %dma_start3A_5] : memref<1000000x64xf32, #tpu.memory_space<hbm>> -> memref<1000000x64xf32, #tpu.memory_space<hbm>>
    tpu.enqueue_indirect_dma source(%dma_start3A_6 : memref<1000000x64xf32, #tpu.memory_space<hbm>>) target(%arg10 : memref<128x64xf32, #tpu.memory_space<vmem>>) offsets(%arg6 : memref<128xi32, #tpu.memory_space<vmem>>) semaphore(%arg14 : memref<!tpu.dma_semaphore, #tpu.memory_space<semaphore_mem>>)
    %dma_start3A_7 = arith.constant 0 : i32
    %dma_start3A_8 = tpu.memref_slice %arg4[%dma_start3A_7] : memref<1000000xf32, #tpu.memory_space<hbm>> -> memref<1000000xf32, #tpu.memory_space<hbm>>
    tpu.enqueue_indirect_dma source(%dma_start3A_8 : memref<1000000xf32, #tpu.memory_space<hbm>>) target(%arg8 : memref<128xf32, #tpu.memory_space<vmem>>) offsets(%arg6 : memref<128xi32, #tpu.memory_space<vmem>>) semaphore(%arg14 : memref<!tpu.dma_semaphore, #tpu.memory_space<semaphore_mem>>)
    %scan3A = arith.constant 0 : i32
    %scan3A_9 = arith.constant 0 : i32
    %scan3A_10 = arith.constant 52 : i32
    %scan3A_11 = arith.addi %scan3A_9, %scan3A_10 : i32
    %scan3A_12 = arith.constant 1 : i32
    %scan3A_13 = scf.for %scan3A_26 = %scan3A_9 to %scan3A_11 step %scan3A_12 iter_args(%scan3A_27 = %scan3A) -> (i32)  : i32 {
      %mul3A_28 = arith.constant 2 : i32
      %mul3A_29 = arith.muli %mul3A_28, %scan3A_26 : i32
      %lt3A = arith.constant 103 : i32
      %lt3A_30 = arith.cmpi slt, %mul3A_29, %lt3A : i32
      %convert_element_type3A = arith.extui %lt3A_30 : i1 to i32
      %cond3A = arith.constant 0 : i32
      %cond3A_31 = arith.cmpi ne, %convert_element_type3A, %cond3A : i32
      scf.if %cond3A_31 {
        %add3A_89 = arith.constant 1 : i32
        %add3A_90 = arith.addi %mul3A_29, %add3A_89 : i32
        %mul3A_91 = arith.constant 128 : i32
        %mul3A_92 = arith.muli %add3A_90, %mul3A_91 : i32
        %add3A_93 = arith.addi %mul3A_2, %mul3A_92 : i32
        "tpu.region"() ({
          %run_scoped3A = tpu.sem_alloc : memref<!tpu.dma_semaphore, #tpu.memory_space<semaphore_mem>>
          %dma_start3A_99 = tpu.memref_slice %arg2[%add3A_93] : memref<425984xi32, #tpu.memory_space<hbm>> -> memref<128xi32, #tpu.memory_space<hbm>>
          %dma_start3A_100 = tpu.memref_slice %arg2[%add3A_93] : memref<425984xi32, #tpu.memory_space<hbm>> -> memref<128xi32, #tpu.memory_space<hbm>>
          tpu.enqueue_dma source(%dma_start3A_100 : memref<128xi32, #tpu.memory_space<hbm>>) target(%arg7 : memref<128xi32, #tpu.memory_space<vmem>>) target_semaphore(%run_scoped3A : memref<!tpu.dma_semaphore, #tpu.memory_space<semaphore_mem>>)
          %dma_wait3A_101 = tpu.memref_slice %arg2[%add3A_93] : memref<425984xi32, #tpu.memory_space<hbm>> -> memref<128xi32, #tpu.memory_space<hbm>>
          %dma_wait3A_102 = tpu.memref_slice %arg2[%add3A_93] : memref<425984xi32, #tpu.memory_space<hbm>> -> memref<128xi32, #tpu.memory_space<hbm>>
          tpu.wait_dma2 semaphore(%run_scoped3A : memref<!tpu.dma_semaphore, #tpu.memory_space<semaphore_mem>>) src(%dma_wait3A_102 : memref<128xi32, #tpu.memory_space<hbm>>) dst(%arg7 : memref<128xi32, #tpu.memory_space<vmem>>)
          tpu.yield
        }) : () -> ()
        %dma_start3A_94 = arith.constant 0 : i32
        %dma_start3A_95 = arith.constant 0 : i32
        %dma_start3A_96 = tpu.memref_slice %arg3[%dma_start3A_94, %dma_start3A_95] : memref<1000000x64xf32, #tpu.memory_space<hbm>> -> memref<1000000x64xf32, #tpu.memory_space<hbm>>
        tpu.enqueue_indirect_dma source(%dma_start3A_96 : memref<1000000x64xf32, #tpu.memory_space<hbm>>) target(%arg11 : memref<128x64xf32, #tpu.memory_space<vmem>>) offsets(%arg7 : memref<128xi32, #tpu.memory_space<vmem>>) semaphore(%arg15 : memref<!tpu.dma_semaphore, #tpu.memory_space<semaphore_mem>>)
        %dma_start3A_97 = arith.constant 0 : i32
        %dma_start3A_98 = tpu.memref_slice %arg4[%dma_start3A_97] : memref<1000000xf32, #tpu.memory_space<hbm>> -> memref<1000000xf32, #tpu.memory_space<hbm>>
        tpu.enqueue_indirect_dma source(%dma_start3A_98 : memref<1000000xf32, #tpu.memory_space<hbm>>) target(%arg9 : memref<128xf32, #tpu.memory_space<vmem>>) offsets(%arg7 : memref<128xi32, #tpu.memory_space<vmem>>) semaphore(%arg15 : memref<!tpu.dma_semaphore, #tpu.memory_space<semaphore_mem>>)
      } else {
      }
      %dma_wait3A_32 = arith.constant 0 : i32
      %dma_wait3A_33 = arith.constant 0 : i32
      %dma_wait3A_34 = tpu.memref_slice %arg3[%dma_wait3A_32, %dma_wait3A_33] : memref<1000000x64xf32, #tpu.memory_space<hbm>> -> memref<1000000x64xf32, #tpu.memory_space<hbm>>
      tpu.wait_indirect_dma semaphore(%arg14 : memref<!tpu.dma_semaphore, #tpu.memory_space<semaphore_mem>>) src(%dma_wait3A_34 : memref<1000000x64xf32, #tpu.memory_space<hbm>>) dst(%arg10 : memref<128x64xf32, #tpu.memory_space<vmem>>)
      %dma_wait3A_35 = arith.constant 0 : i32
      %dma_wait3A_36 = tpu.memref_slice %arg4[%dma_wait3A_35] : memref<1000000xf32, #tpu.memory_space<hbm>> -> memref<1000000xf32, #tpu.memory_space<hbm>>
      tpu.wait_indirect_dma semaphore(%arg14 : memref<!tpu.dma_semaphore, #tpu.memory_space<semaphore_mem>>) src(%dma_wait3A_36 : memref<1000000xf32, #tpu.memory_space<hbm>>) dst(%arg8 : memref<128xf32, #tpu.memory_space<vmem>>)
      %ge3A = arith.constant 2 : i32
      %ge3A_37 = arith.cmpi sge, %mul3A_29, %ge3A : i32
      %convert_element_type3A_38 = arith.extui %ge3A_37 : i1 to i32
      %cond3A_39 = arith.constant 0 : i32
      %cond3A_40 = arith.cmpi ne, %convert_element_type3A_38, %cond3A_39 : i32
      scf.if %cond3A_40 {
        %sub3A = arith.constant 2 : i32
        %sub3A_89 = arith.subi %mul3A_29, %sub3A : i32
        %mul3A_90 = arith.constant 128 : i32
        %mul3A_91 = arith.muli %sub3A_89, %mul3A_90 : i32
        %add3A_92 = arith.addi %mul3A_2, %mul3A_91 : i32
        %dma_wait3A_93 = arith.constant 0 : i32
        %dma_wait3A_94 = tpu.memref_slice %arg5[%add3A_92, %dma_wait3A_93] : memref<425984x64xf32, #tpu.memory_space<hbm>> -> memref<128x64xf32, #tpu.memory_space<hbm>>
        %dma_wait3A_95 = arith.constant 0 : i32
        %dma_wait3A_96 = tpu.memref_slice %arg5[%add3A_92, %dma_wait3A_95] : memref<425984x64xf32, #tpu.memory_space<hbm>> -> memref<128x64xf32, #tpu.memory_space<hbm>>
        tpu.wait_dma2 semaphore(%arg16 : memref<!tpu.dma_semaphore, #tpu.memory_space<semaphore_mem>>) src(%arg12 : memref<128x64xf32, #tpu.memory_space<vmem>>) dst(%dma_wait3A_96 : memref<128x64xf32, #tpu.memory_space<hbm>>)
      } else {
      }
      %scan3A_41 = arith.constant 0 : i32
      %scan3A_42 = arith.constant 0 : i32
      %scan3A_43 = arith.constant 8 : i32
      %scan3A_44 = arith.addi %scan3A_42, %scan3A_43 : i32
      %scan3A_45 = arith.constant 1 : i32
      %scan3A_46 = scf.for %scan3A_89 = %scan3A_42 to %scan3A_44 step %scan3A_45 iter_args(%scan3A_90 = %scan3A_41) -> (i32)  : i32 {
        %mul3A_91 = arith.constant 16 : i32
        %mul3A_92 = arith.muli %scan3A_89, %mul3A_91 : i32
        %get3A = arith.index_cast %mul3A_92 : i32 to index
        %get3A_93 = tpu.vector_load %arg8[%get3A] {strides = array<i32>} : memref<128xf32, #tpu.memory_space<vmem>>, vector<16xf32>,
        %get3A_94 = vector.shape_cast %get3A_93 : vector<16xf32> to vector<16xf32>
        %mul3A_95 = arith.constant 16 : i32
        %mul3A_96 = arith.muli %scan3A_89, %mul3A_95 : i32
        %add3A_97 = arith.constant 0 : i32
        %add3A_98 = arith.addi %mul3A_96, %add3A_97 : i32
        %slice3A = vector.extract_strided_slice %get3A_94 {offsets = [0], sizes = [1], strides = [1]} : vector<16xf32> to vector<1xf32>
        %squeeze3A = vector.extract %slice3A[0] : f32 from vector<1xf32>
        %broadcast_in_dim3A = vector.broadcast %squeeze3A : f32 to vector<16xf32>
        %get3A_99 = arith.index_cast %add3A_98 : i32 to index
        %get3A_100 = arith.constant 0 : index
        %get3A_101 = tpu.vector_load %arg10[%get3A_99, %get3A_100] {strides = array<i32>} : memref<128x64xf32, #tpu.memory_space<vmem>>, vector<1x16xf32>,
        %get3A_102 = vector.shape_cast %get3A_101 : vector<1x16xf32> to vector<16xf32>
        %add3A_103 = arith.addf %get3A_102, %broadcast_in_dim3A : vector<16xf32>
        %swap3A = arith.index_cast %add3A_98 : i32 to index
        %swap3A_104 = arith.constant 0 : index
        %swap3A_105 = tpu.vector_load %arg12[%swap3A, %swap3A_104] {strides = array<i32>} : memref<128x64xf32, #tpu.memory_space<vmem>>, vector<1x16xf32>,
        %swap3A_106 = vector.shape_cast %swap3A_105 : vector<1x16xf32> to vector<16xf32>
        %swap3A_107 = vector.shape_cast %add3A_103 : vector<16xf32> to vector<1x16xf32>
        tpu.vector_store %arg12[%swap3A, %swap3A_104], %swap3A_107 {strides = array<i32>} : memref<128x64xf32, #tpu.memory_space<vmem>>, vector<1x16xf32>,
        %get3A_108 = arith.index_cast %add3A_98 : i32 to index
        %get3A_109 = arith.constant 16 : index
        %get3A_110 = tpu.vector_load %arg10[%get3A_108, %get3A_109] {strides = array<i32>} : memref<128x64xf32, #tpu.memory_space<vmem>>, vector<1x16xf32>,
        %get3A_111 = vector.shape_cast %get3A_110 : vector<1x16xf32> to vector<16xf32>
        %add3A_112 = arith.addf %get3A_111, %broadcast_in_dim3A : vector<16xf32>
        %swap3A_113 = arith.index_cast %add3A_98 : i32 to index
        %swap3A_114 = arith.constant 16 : index
        %swap3A_115 = tpu.vector_load %arg12[%swap3A_113, %swap3A_114] {strides = array<i32>} : memref<128x64xf32, #tpu.memory_space<vmem>>, vector<1x16xf32>,
        %swap3A_116 = vector.shape_cast %swap3A_115 : vector<1x16xf32> to vector<16xf32>
        %swap3A_117 = vector.shape_cast %add3A_112 : vector<16xf32> to vector<1x16xf32>
        tpu.vector_store %arg12[%swap3A_113, %swap3A_114], %swap3A_117 {strides = array<i32>} : memref<128x64xf32, #tpu.memory_space<vmem>>, vector<1x16xf32>,
        %get3A_118 = arith.index_cast %add3A_98 : i32 to index
        %get3A_119 = arith.constant 32 : index
        %get3A_120 = tpu.vector_load %arg10[%get3A_118, %get3A_119] {strides = array<i32>} : memref<128x64xf32, #tpu.memory_space<vmem>>, vector<1x16xf32>,
        %get3A_121 = vector.shape_cast %get3A_120 : vector<1x16xf32> to vector<16xf32>
        %add3A_122 = arith.addf %get3A_121, %broadcast_in_dim3A : vector<16xf32>
        %swap3A_123 = arith.index_cast %add3A_98 : i32 to index
        %swap3A_124 = arith.constant 32 : index
        %swap3A_125 = tpu.vector_load %arg12[%swap3A_123, %swap3A_124] {strides = array<i32>} : memref<128x64xf32, #tpu.memory_space<vmem>>, vector<1x16xf32>,
        %swap3A_126 = vector.shape_cast %swap3A_125 : vector<1x16xf32> to vector<16xf32>
        %swap3A_127 = vector.shape_cast %add3A_122 : vector<16xf32> to vector<1x16xf32>
        tpu.vector_store %arg12[%swap3A_123, %swap3A_124], %swap3A_127 {strides = array<i32>} : memref<128x64xf32, #tpu.memory_space<vmem>>, vector<1x16xf32>,
        %get3A_128 = arith.index_cast %add3A_98 : i32 to index
        %get3A_129 = arith.constant 48 : index
        %get3A_130 = tpu.vector_load %arg10[%get3A_128, %get3A_129] {strides = array<i32>} : memref<128x64xf32, #tpu.memory_space<vmem>>, vector<1x16xf32>,
        %get3A_131 = vector.shape_cast %get3A_130 : vector<1x16xf32> to vector<16xf32>
        %add3A_132 = arith.addf %get3A_131, %broadcast_in_dim3A : vector<16xf32>
        %swap3A_133 = arith.index_cast %add3A_98 : i32 to index
        %swap3A_134 = arith.constant 48 : index
        %swap3A_135 = tpu.vector_load %arg12[%swap3A_133, %swap3A_134] {strides = array<i32>} : memref<128x64xf32, #tpu.memory_space<vmem>>, vector<1x16xf32>,
        %swap3A_136 = vector.shape_cast %swap3A_135 : vector<1x16xf32> to vector<16xf32>
        %swap3A_137 = vector.shape_cast %add3A_132 : vector<16xf32> to vector<1x16xf32>
        tpu.vector_store %arg12[%swap3A_133, %swap3A_134], %swap3A_137 {strides = array<i32>} : memref<128x64xf32, #tpu.memory_space<vmem>>, vector<1x16xf32>,
        %mul3A_138 = arith.constant 16 : i32
        %mul3A_139 = arith.muli %scan3A_89, %mul3A_138 : i32
        %add3A_140 = arith.constant 1 : i32
        %add3A_141 = arith.addi %mul3A_139, %add3A_140 : i32
        %slice3A_142 = vector.extract_strided_slice %get3A_94 {offsets = [1], sizes = [1], strides = [1]} : vector<16xf32> to vector<1xf32>
        %squeeze3A_143 = vector.extract %slice3A_142[0] : f32 from vector<1xf32>
        %broadcast_in_dim3A_144 = vector.broadcast %squeeze3A_143 : f32 to vector<16xf32>
        %get3A_145 = arith.index_cast %add3A_141 : i32 to index
        %get3A_146 = arith.constant 0 : index
        %get3A_147 = tpu.vector_load %arg10[%get3A_145, %get3A_146] {strides = array<i32>} : memref<128x64xf32, #tpu.memory_space<vmem>>, vector<1x16xf32>,
        %get3A_148 = vector.shape_cast %get3A_147 : vector<1x16xf32> to vector<16xf32>
        %add3A_149 = arith.addf %get3A_148, %broadcast_in_dim3A_144 : vector<16xf32>
        %swap3A_150 = arith.index_cast %add3A_141 : i32 to index
        %swap3A_151 = arith.constant 0 : index
        %swap3A_152 = tpu.vector_load %arg12[%swap3A_150, %swap3A_151] {strides = array<i32>} : memref<128x64xf32, #tpu.memory_space<vmem>>, vector<1x16xf32>,
        %swap3A_153 = vector.shape_cast %swap3A_152 : vector<1x16xf32> to vector<16xf32>
        %swap3A_154 = vector.shape_cast %add3A_149 : vector<16xf32> to vector<1x16xf32>
        tpu.vector_store %arg12[%swap3A_150, %swap3A_151], %swap3A_154 {strides = array<i32>} : memref<128x64xf32, #tpu.memory_space<vmem>>, vector<1x16xf32>,
        %get3A_155 = arith.index_cast %add3A_141 : i32 to index
        %get3A_156 = arith.constant 16 : index
        %get3A_157 = tpu.vector_load %arg10[%get3A_155, %get3A_156] {strides = array<i32>} : memref<128x64xf32, #tpu.memory_space<vmem>>, vector<1x16xf32>,
        %get3A_158 = vector.shape_cast %get3A_157 : vector<1x16xf32> to vector<16xf32>
        %add3A_159 = arith.addf %get3A_158, %broadcast_in_dim3A_144 : vector<16xf32>
        %swap3A_160 = arith.index_cast %add3A_141 : i32 to index
        %swap3A_161 = arith.constant 16 : index
        %swap3A_162 = tpu.vector_load %arg12[%swap3A_160, %swap3A_161] {strides = array<i32>} : memref<128x64xf32, #tpu.memory_space<vmem>>, vector<1x16xf32>,
        %swap3A_163 = vector.shape_cast %swap3A_162 : vector<1x16xf32> to vector<16xf32>
        %swap3A_164 = vector.shape_cast %add3A_159 : vector<16xf32> to vector<1x16xf32>
        tpu.vector_store %arg12[%swap3A_160, %swap3A_161], %swap3A_164 {strides = array<i32>} : memref<128x64xf32, #tpu.memory_space<vmem>>, vector<1x16xf32>,
        %get3A_165 = arith.index_cast %add3A_141 : i32 to index
        %get3A_166 = arith.constant 32 : index
        %get3A_167 = tpu.vector_load %arg10[%get3A_165, %get3A_166] {strides = array<i32>} : memref<128x64xf32, #tpu.memory_space<vmem>>, vector<1x16xf32>,
        %get3A_168 = vector.shape_cast %get3A_167 : vector<1x16xf32> to vector<16xf32>
        %add3A_169 = arith.addf %get3A_168, %broadcast_in_dim3A_144 : vector<16xf32>
        %swap3A_170 = arith.index_cast %add3A_141 : i32 to index
        %swap3A_171 = arith.constant 32 : index
        %swap3A_172 = tpu.vector_load %arg12[%swap3A_170, %swap3A_171] {strides = array<i32>} : memref<128x64xf32, #tpu.memory_space<vmem>>, vector<1x16xf32>,
        %swap3A_173 = vector.shape_cast %swap3A_172 : vector<1x16xf32> to vector<16xf32>
        %swap3A_174 = vector.shape_cast %add3A_169 : vector<16xf32> to vector<1x16xf32>
        tpu.vector_store %arg12[%swap3A_170, %swap3A_171], %swap3A_174 {strides = array<i32>} : memref<128x64xf32, #tpu.memory_space<vmem>>, vector<1x16xf32>,
        %get3A_175 = arith.index_cast %add3A_141 : i32 to index
        %get3A_176 = arith.constant 48 : index
        %get3A_177 = tpu.vector_load %arg10[%get3A_175, %get3A_176] {strides = array<i32>} : memref<128x64xf32, #tpu.memory_space<vmem>>, vector<1x16xf32>,
        %get3A_178 = vector.shape_cast %get3A_177 : vector<1x16xf32> to vector<16xf32>
        %add3A_179 = arith.addf %get3A_178, %broadcast_in_dim3A_144 : vector<16xf32>
        %swap3A_180 = arith.index_cast %add3A_141 : i32 to index
        %swap3A_181 = arith.constant 48 : index
        %swap3A_182 = tpu.vector_load %arg12[%swap3A_180, %swap3A_181] {strides = array<i32>} : memref<128x64xf32, #tpu.memory_space<vmem>>, vector<1x16xf32>,
        %swap3A_183 = vector.shape_cast %swap3A_182 : vector<1x16xf32> to vector<16xf32>
        %swap3A_184 = vector.shape_cast %add3A_179 : vector<16xf32> to vector<1x16xf32>
        tpu.vector_store %arg12[%swap3A_180, %swap3A_181], %swap3A_184 {strides = array<i32>} : memref<128x64xf32, #tpu.memory_space<vmem>>, vector<1x16xf32>,
        %mul3A_185 = arith.constant 16 : i32
        %mul3A_186 = arith.muli %scan3A_89, %mul3A_185 : i32
        %add3A_187 = arith.constant 2 : i32
        %add3A_188 = arith.addi %mul3A_186, %add3A_187 : i32
        %slice3A_189 = vector.extract_strided_slice %get3A_94 {offsets = [2], sizes = [1], strides = [1]} : vector<16xf32> to vector<1xf32>
        %squeeze3A_190 = vector.extract %slice3A_189[0] : f32 from vector<1xf32>
        %broadcast_in_dim3A_191 = vector.broadcast %squeeze3A_190 : f32 to vector<16xf32>
        %get3A_192 = arith.index_cast %add3A_188 : i32 to index
        %get3A_193 = arith.constant 0 : index
        %get3A_194 = tpu.vector_load %arg10[%get3A_192, %get3A_193] {strides = array<i32>} : memref<128x64xf32, #tpu.memory_space<vmem>>, vector<1x16xf32>,
        %get3A_195 = vector.shape_cast %get3A_194 : vector<1x16xf32> to vector<16xf32>
        %add3A_196 = arith.addf %get3A_195, %broadcast_in_dim3A_191 : vector<16xf32>
        %swap3A_197 = arith.index_cast %add3A_188 : i32 to index
        %swap3A_198 = arith.constant 0 : index
        %swap3A_199 = tpu.vector_load %arg12[%swap3A_197, %swap3A_198] {strides = array<i32>} : memref<128x64xf32, #tpu.memory_space<vmem>>, vector<1x16xf32>,
        %swap3A_200 = vector.shape_cast %swap3A_199 : vector<1x16xf32> to vector<16xf32>
        %swap3A_201 = vector.shape_cast %add3A_196 : vector<16xf32> to vector<1x16xf32>
        tpu.vector_store %arg12[%swap3A_197, %swap3A_198], %swap3A_201 {strides = array<i32>} : memref<128x64xf32, #tpu.memory_space<vmem>>, vector<1x16xf32>,
        %get3A_202 = arith.index_cast %add3A_188 : i32 to index
        %get3A_203 = arith.constant 16 : index
        %get3A_204 = tpu.vector_load %arg10[%get3A_202, %get3A_203] {strides = array<i32>} : memref<128x64xf32, #tpu.memory_space<vmem>>, vector<1x16xf32>,
        %get3A_205 = vector.shape_cast %get3A_204 : vector<1x16xf32> to vector<16xf32>
        %add3A_206 = arith.addf %get3A_205, %broadcast_in_dim3A_191 : vector<16xf32>
        %swap3A_207 = arith.index_cast %add3A_188 : i32 to index
        %swap3A_208 = arith.constant 16 : index
        %swap3A_209 = tpu.vector_load %arg12[%swap3A_207, %swap3A_208] {strides = array<i32>} : memref<128x64xf32, #tpu.memory_space<vmem>>, vector<1x16xf32>,
        %swap3A_210 = vector.shape_cast %swap3A_209 : vector<1x16xf32> to vector<16xf32>
        %swap3A_211 = vector.shape_cast %add3A_206 : vector<16xf32> to vector<1x16xf32>
        tpu.vector_store %arg12[%swap3A_207, %swap3A_208], %swap3A_211 {strides = array<i32>} : memref<128x64xf32, #tpu.memory_space<vmem>>, vector<1x16xf32>,
        %get3A_212 = arith.index_cast %add3A_188 : i32 to index
        %get3A_213 = arith.constant 32 : index
        %get3A_214 = tpu.vector_load %arg10[%get3A_212, %get3A_213] {strides = array<i32>} : memref<128x64xf32, #tpu.memory_space<vmem>>, vector<1x16xf32>,
        %get3A_215 = vector.shape_cast %get3A_214 : vector<1x16xf32> to vector<16xf32>
        %add3A_216 = arith.addf %get3A_215, %broadcast_in_dim3A_191 : vector<16xf32>
        %swap3A_217 = arith.index_cast %add3A_188 : i32 to index
        %swap3A_218 = arith.constant 32 : index
        %swap3A_219 = tpu.vector_load %arg12[%swap3A_217, %swap3A_218] {strides = array<i32>} : memref<128x64xf32, #tpu.memory_space<vmem>>, vector<1x16xf32>,
        %swap3A_220 = vector.shape_cast %swap3A_219 : vector<1x16xf32> to vector<16xf32>
        %swap3A_221 = vector.shape_cast %add3A_216 : vector<16xf32> to vector<1x16xf32>
        tpu.vector_store %arg12[%swap3A_217, %swap3A_218], %swap3A_221 {strides = array<i32>} : memref<128x64xf32, #tpu.memory_space<vmem>>, vector<1x16xf32>,
        %get3A_222 = arith.index_cast %add3A_188 : i32 to index
        %get3A_223 = arith.constant 48 : index
        %get3A_224 = tpu.vector_load %arg10[%get3A_222, %get3A_223] {strides = array<i32>} : memref<128x64xf32, #tpu.memory_space<vmem>>, vector<1x16xf32>,
        %get3A_225 = vector.shape_cast %get3A_224 : vector<1x16xf32> to vector<16xf32>
        %add3A_226 = arith.addf %get3A_225, %broadcast_in_dim3A_191 : vector<16xf32>
        %swap3A_227 = arith.index_cast %add3A_188 : i32 to index
        %swap3A_228 = arith.constant 48 : index
        %swap3A_229 = tpu.vector_load %arg12[%swap3A_227, %swap3A_228] {strides = array<i32>} : memref<128x64xf32, #tpu.memory_space<vmem>>, vector<1x16xf32>,
        %swap3A_230 = vector.shape_cast %swap3A_229 : vector<1x16xf32> to vector<16xf32>
        %swap3A_231 = vector.shape_cast %add3A_226 : vector<16xf32> to vector<1x16xf32>
        tpu.vector_store %arg12[%swap3A_227, %swap3A_228], %swap3A_231 {strides = array<i32>} : memref<128x64xf32, #tpu.memory_space<vmem>>, vector<1x16xf32>,
        %mul3A_232 = arith.constant 16 : i32
        %mul3A_233 = arith.muli %scan3A_89, %mul3A_232 : i32
        %add3A_234 = arith.constant 3 : i32
        %add3A_235 = arith.addi %mul3A_233, %add3A_234 : i32
        %slice3A_236 = vector.extract_strided_slice %get3A_94 {offsets = [3], sizes = [1], strides = [1]} : vector<16xf32> to vector<1xf32>
        %squeeze3A_237 = vector.extract %slice3A_236[0] : f32 from vector<1xf32>
        %broadcast_in_dim3A_238 = vector.broadcast %squeeze3A_237 : f32 to vector<16xf32>
        %get3A_239 = arith.index_cast %add3A_235 : i32 to index
        %get3A_240 = arith.constant 0 : index
        %get3A_241 = tpu.vector_load %arg10[%get3A_239, %get3A_240] {strides = array<i32>} : memref<128x64xf32, #tpu.memory_space<vmem>>, vector<1x16xf32>,
        %get3A_242 = vector.shape_cast %get3A_241 : vector<1x16xf32> to vector<16xf32>
        %add3A_243 = arith.addf %get3A_242, %broadcast_in_dim3A_238 : vector<16xf32>
        %swap3A_244 = arith.index_cast %add3A_235 : i32 to index
        %swap3A_245 = arith.constant 0 : index
        %swap3A_246 = tpu.vector_load %arg12[%swap3A_244, %swap3A_245] {strides = array<i32>} : memref<128x64xf32, #tpu.memory_space<vmem>>, vector<1x16xf32>,
        %swap3A_247 = vector.shape_cast %swap3A_246 : vector<1x16xf32> to vector<16xf32>
        %swap3A_248 = vector.shape_cast %add3A_243 : vector<16xf32> to vector<1x16xf32>
        tpu.vector_store %arg12[%swap3A_244, %swap3A_245], %swap3A_248 {strides = array<i32>} : memref<128x64xf32, #tpu.memory_space<vmem>>, vector<1x16xf32>,
        %get3A_249 = arith.index_cast %add3A_235 : i32 to index
        %get3A_250 = arith.constant 16 : index
        %get3A_251 = tpu.vector_load %arg10[%get3A_249, %get3A_250] {strides = array<i32>} : memref<128x64xf32, #tpu.memory_space<vmem>>, vector<1x16xf32>,
        %get3A_252 = vector.shape_cast %get3A_251 : vector<1x16xf32> to vector<16xf32>
        %add3A_253 = arith.addf %get3A_252, %broadcast_in_dim3A_238 : vector<16xf32>
        %swap3A_254 = arith.index_cast %add3A_235 : i32 to index
        %swap3A_255 = arith.constant 16 : index
        %swap3A_256 = tpu.vector_load %arg12[%swap3A_254, %swap3A_255] {strides = array<i32>} : memref<128x64xf32, #tpu.memory_space<vmem>>, vector<1x16xf32>,
        %swap3A_257 = vector.shape_cast %swap3A_256 : vector<1x16xf32> to vector<16xf32>
        %swap3A_258 = vector.shape_cast %add3A_253 : vector<16xf32> to vector<1x16xf32>
        tpu.vector_store %arg12[%swap3A_254, %swap3A_255], %swap3A_258 {strides = array<i32>} : memref<128x64xf32, #tpu.memory_space<vmem>>, vector<1x16xf32>,
        %get3A_259 = arith.index_cast %add3A_235 : i32 to index
        %get3A_260 = arith.constant 32 : index
        %get3A_261 = tpu.vector_load %arg10[%get3A_259, %get3A_260] {strides = array<i32>} : memref<128x64xf32, #tpu.memory_space<vmem>>, vector<1x16xf32>,
        %get3A_262 = vector.shape_cast %get3A_261 : vector<1x16xf32> to vector<16xf32>
        %add3A_263 = arith.addf %get3A_262, %broadcast_in_dim3A_238 : vector<16xf32>
        %swap3A_264 = arith.index_cast %add3A_235 : i32 to index
        %swap3A_265 = arith.constant 32 : index
        %swap3A_266 = tpu.vector_load %arg12[%swap3A_264, %swap3A_265] {strides = array<i32>} : memref<128x64xf32, #tpu.memory_space<vmem>>, vector<1x16xf32>,
        %swap3A_267 = vector.shape_cast %swap3A_266 : vector<1x16xf32> to vector<16xf32>
        %swap3A_268 = vector.shape_cast %add3A_263 : vector<16xf32> to vector<1x16xf32>
        tpu.vector_store %arg12[%swap3A_264, %swap3A_265], %swap3A_268 {strides = array<i32>} : memref<128x64xf32, #tpu.memory_space<vmem>>, vector<1x16xf32>,
        %get3A_269 = arith.index_cast %add3A_235 : i32 to index
        %get3A_270 = arith.constant 48 : index
        %get3A_271 = tpu.vector_load %arg10[%get3A_269, %get3A_270] {strides = array<i32>} : memref<128x64xf32, #tpu.memory_space<vmem>>, vector<1x16xf32>,
        %get3A_272 = vector.shape_cast %get3A_271 : vector<1x16xf32> to vector<16xf32>
        %add3A_273 = arith.addf %get3A_272, %broadcast_in_dim3A_238 : vector<16xf32>
        %swap3A_274 = arith.index_cast %add3A_235 : i32 to index
        %swap3A_275 = arith.constant 48 : index
        %swap3A_276 = tpu.vector_load %arg12[%swap3A_274, %swap3A_275] {strides = array<i32>} : memref<128x64xf32, #tpu.memory_space<vmem>>, vector<1x16xf32>,
        %swap3A_277 = vector.shape_cast %swap3A_276 : vector<1x16xf32> to vector<16xf32>
        %swap3A_278 = vector.shape_cast %add3A_273 : vector<16xf32> to vector<1x16xf32>
        tpu.vector_store %arg12[%swap3A_274, %swap3A_275], %swap3A_278 {strides = array<i32>} : memref<128x64xf32, #tpu.memory_space<vmem>>, vector<1x16xf32>,
        %mul3A_279 = arith.constant 16 : i32
        %mul3A_280 = arith.muli %scan3A_89, %mul3A_279 : i32
        %add3A_281 = arith.constant 4 : i32
        %add3A_282 = arith.addi %mul3A_280, %add3A_281 : i32
        %slice3A_283 = vector.extract_strided_slice %get3A_94 {offsets = [4], sizes = [1], strides = [1]} : vector<16xf32> to vector<1xf32>
        %squeeze3A_284 = vector.extract %slice3A_283[0] : f32 from vector<1xf32>
        %broadcast_in_dim3A_285 = vector.broadcast %squeeze3A_284 : f32 to vector<16xf32>
        %get3A_286 = arith.index_cast %add3A_282 : i32 to index
        %get3A_287 = arith.constant 0 : index
        %get3A_288 = tpu.vector_load %arg10[%get3A_286, %get3A_287] {strides = array<i32>} : memref<128x64xf32, #tpu.memory_space<vmem>>, vector<1x16xf32>,
        %get3A_289 = vector.shape_cast %get3A_288 : vector<1x16xf32> to vector<16xf32>
        %add3A_290 = arith.addf %get3A_289, %broadcast_in_dim3A_285 : vector<16xf32>
        %swap3A_291 = arith.index_cast %add3A_282 : i32 to index
        %swap3A_292 = arith.constant 0 : index
        %swap3A_293 = tpu.vector_load %arg12[%swap3A_291, %swap3A_292] {strides = array<i32>} : memref<128x64xf32, #tpu.memory_space<vmem>>, vector<1x16xf32>,
        %swap3A_294 = vector.shape_cast %swap3A_293 : vector<1x16xf32> to vector<16xf32>
        %swap3A_295 = vector.shape_cast %add3A_290 : vector<16xf32> to vector<1x16xf32>
        tpu.vector_store %arg12[%swap3A_291, %swap3A_292], %swap3A_295 {strides = array<i32>} : memref<128x64xf32, #tpu.memory_space<vmem>>, vector<1x16xf32>,
        %get3A_296 = arith.index_cast %add3A_282 : i32 to index
        %get3A_297 = arith.constant 16 : index
        %get3A_298 = tpu.vector_load %arg10[%get3A_296, %get3A_297] {strides = array<i32>} : memref<128x64xf32, #tpu.memory_space<vmem>>, vector<1x16xf32>,
        %get3A_299 = vector.shape_cast %get3A_298 : vector<1x16xf32> to vector<16xf32>
        %add3A_300 = arith.addf %get3A_299, %broadcast_in_dim3A_285 : vector<16xf32>
        %swap3A_301 = arith.index_cast %add3A_282 : i32 to index
        %swap3A_302 = arith.constant 16 : index
        %swap3A_303 = tpu.vector_load %arg12[%swap3A_301, %swap3A_302] {strides = array<i32>} : memref<128x64xf32, #tpu.memory_space<vmem>>, vector<1x16xf32>,
        %swap3A_304 = vector.shape_cast %swap3A_303 : vector<1x16xf32> to vector<16xf32>
        %swap3A_305 = vector.shape_cast %add3A_300 : vector<16xf32> to vector<1x16xf32>
        tpu.vector_store %arg12[%swap3A_301, %swap3A_302], %swap3A_305 {strides = array<i32>} : memref<128x64xf32, #tpu.memory_space<vmem>>, vector<1x16xf32>,
        %get3A_306 = arith.index_cast %add3A_282 : i32 to index
        %get3A_307 = arith.constant 32 : index
        %get3A_308 = tpu.vector_load %arg10[%get3A_306, %get3A_307] {strides = array<i32>} : memref<128x64xf32, #tpu.memory_space<vmem>>, vector<1x16xf32>,
        %get3A_309 = vector.shape_cast %get3A_308 : vector<1x16xf32> to vector<16xf32>
        %add3A_310 = arith.addf %get3A_309, %broadcast_in_dim3A_285 : vector<16xf32>
        %swap3A_311 = arith.index_cast %add3A_282 : i32 to index
        %swap3A_312 = arith.constant 32 : index
        %swap3A_313 = tpu.vector_load %arg12[%swap3A_311, %swap3A_312] {strides = array<i32>} : memref<128x64xf32, #tpu.memory_space<vmem>>, vector<1x16xf32>,
        %swap3A_314 = vector.shape_cast %swap3A_313 : vector<1x16xf32> to vector<16xf32>
        %swap3A_315 = vector.shape_cast %add3A_310 : vector<16xf32> to vector<1x16xf32>
        tpu.vector_store %arg12[%swap3A_311, %swap3A_312], %swap3A_315 {strides = array<i32>} : memref<128x64xf32, #tpu.memory_space<vmem>>, vector<1x16xf32>,
        %get3A_316 = arith.index_cast %add3A_282 : i32 to index
        %get3A_317 = arith.constant 48 : index
        %get3A_318 = tpu.vector_load %arg10[%get3A_316, %get3A_317] {strides = array<i32>} : memref<128x64xf32, #tpu.memory_space<vmem>>, vector<1x16xf32>,
        %get3A_319 = vector.shape_cast %get3A_318 : vector<1x16xf32> to vector<16xf32>
        %add3A_320 = arith.addf %get3A_319, %broadcast_in_dim3A_285 : vector<16xf32>
        %swap3A_321 = arith.index_cast %add3A_282 : i32 to index
        %swap3A_322 = arith.constant 48 : index
        %swap3A_323 = tpu.vector_load %arg12[%swap3A_321, %swap3A_322] {strides = array<i32>} : memref<128x64xf32, #tpu.memory_space<vmem>>, vector<1x16xf32>,
        %swap3A_324 = vector.shape_cast %swap3A_323 : vector<1x16xf32> to vector<16xf32>
        %swap3A_325 = vector.shape_cast %add3A_320 : vector<16xf32> to vector<1x16xf32>
        tpu.vector_store %arg12[%swap3A_321, %swap3A_322], %swap3A_325 {strides = array<i32>} : memref<128x64xf32, #tpu.memory_space<vmem>>, vector<1x16xf32>,
        %mul3A_326 = arith.constant 16 : i32
        %mul3A_327 = arith.muli %scan3A_89, %mul3A_326 : i32
        %add3A_328 = arith.constant 5 : i32
        %add3A_329 = arith.addi %mul3A_327, %add3A_328 : i32
        %slice3A_330 = vector.extract_strided_slice %get3A_94 {offsets = [5], sizes = [1], strides = [1]} : vector<16xf32> to vector<1xf32>
        %squeeze3A_331 = vector.extract %slice3A_330[0] : f32 from vector<1xf32>
        %broadcast_in_dim3A_332 = vector.broadcast %squeeze3A_331 : f32 to vector<16xf32>
        %get3A_333 = arith.index_cast %add3A_329 : i32 to index
        %get3A_334 = arith.constant 0 : index
        %get3A_335 = tpu.vector_load %arg10[%get3A_333, %get3A_334] {strides = array<i32>} : memref<128x64xf32, #tpu.memory_space<vmem>>, vector<1x16xf32>,
        %get3A_336 = vector.shape_cast %get3A_335 : vector<1x16xf32> to vector<16xf32>
        %add3A_337 = arith.addf %get3A_336, %broadcast_in_dim3A_332 : vector<16xf32>
        %swap3A_338 = arith.index_cast %add3A_329 : i32 to index
        %swap3A_339 = arith.constant 0 : index
        %swap3A_340 = tpu.vector_load %arg12[%swap3A_338, %swap3A_339] {strides = array<i32>} : memref<128x64xf32, #tpu.memory_space<vmem>>, vector<1x16xf32>,
        %swap3A_341 = vector.shape_cast %swap3A_340 : vector<1x16xf32> to vector<16xf32>
        %swap3A_342 = vector.shape_cast %add3A_337 : vector<16xf32> to vector<1x16xf32>
        tpu.vector_store %arg12[%swap3A_338, %swap3A_339], %swap3A_342 {strides = array<i32>} : memref<128x64xf32, #tpu.memory_space<vmem>>, vector<1x16xf32>,
        %get3A_343 = arith.index_cast %add3A_329 : i32 to index
        %get3A_344 = arith.constant 16 : index
        %get3A_345 = tpu.vector_load %arg10[%get3A_343, %get3A_344] {strides = array<i32>} : memref<128x64xf32, #tpu.memory_space<vmem>>, vector<1x16xf32>,
        %get3A_346 = vector.shape_cast %get3A_345 : vector<1x16xf32> to vector<16xf32>
        %add3A_347 = arith.addf %get3A_346, %broadcast_in_dim3A_332 : vector<16xf32>
        %swap3A_348 = arith.index_cast %add3A_329 : i32 to index
        %swap3A_349 = arith.constant 16 : index
        %swap3A_350 = tpu.vector_load %arg12[%swap3A_348, %swap3A_349] {strides = array<i32>} : memref<128x64xf32, #tpu.memory_space<vmem>>, vector<1x16xf32>,
        %swap3A_351 = vector.shape_cast %swap3A_350 : vector<1x16xf32> to vector<16xf32>
        %swap3A_352 = vector.shape_cast %add3A_347 : vector<16xf32> to vector<1x16xf32>
        tpu.vector_store %arg12[%swap3A_348, %swap3A_349], %swap3A_352 {strides = array<i32>} : memref<128x64xf32, #tpu.memory_space<vmem>>, vector<1x16xf32>,
        %get3A_353 = arith.index_cast %add3A_329 : i32 to index
        %get3A_354 = arith.constant 32 : index
        %get3A_355 = tpu.vector_load %arg10[%get3A_353, %get3A_354] {strides = array<i32>} : memref<128x64xf32, #tpu.memory_space<vmem>>, vector<1x16xf32>,
        %get3A_356 = vector.shape_cast %get3A_355 : vector<1x16xf32> to vector<16xf32>
        %add3A_357 = arith.addf %get3A_356, %broadcast_in_dim3A_332 : vector<16xf32>
        %swap3A_358 = arith.index_cast %add3A_329 : i32 to index
        %swap3A_359 = arith.constant 32 : index
        %swap3A_360 = tpu.vector_load %arg12[%swap3A_358, %swap3A_359] {strides = array<i32>} : memref<128x64xf32, #tpu.memory_space<vmem>>, vector<1x16xf32>,
        %swap3A_361 = vector.shape_cast %swap3A_360 : vector<1x16xf32> to vector<16xf32>
        %swap3A_362 = vector.shape_cast %add3A_357 : vector<16xf32> to vector<1x16xf32>
        tpu.vector_store %arg12[%swap3A_358, %swap3A_359], %swap3A_362 {strides = array<i32>} : memref<128x64xf32, #tpu.memory_space<vmem>>, vector<1x16xf32>,
        %get3A_363 = arith.index_cast %add3A_329 : i32 to index
        %get3A_364 = arith.constant 48 : index
        %get3A_365 = tpu.vector_load %arg10[%get3A_363, %get3A_364] {strides = array<i32>} : memref<128x64xf32, #tpu.memory_space<vmem>>, vector<1x16xf32>,
        %get3A_366 = vector.shape_cast %get3A_365 : vector<1x16xf32> to vector<16xf32>
        %add3A_367 = arith.addf %get3A_366, %broadcast_in_dim3A_332 : vector<16xf32>
        %swap3A_368 = arith.index_cast %add3A_329 : i32 to index
        %swap3A_369 = arith.constant 48 : index
        %swap3A_370 = tpu.vector_load %arg12[%swap3A_368, %swap3A_369] {strides = array<i32>} : memref<128x64xf32, #tpu.memory_space<vmem>>, vector<1x16xf32>,
        %swap3A_371 = vector.shape_cast %swap3A_370 : vector<1x16xf32> to vector<16xf32>
        %swap3A_372 = vector.shape_cast %add3A_367 : vector<16xf32> to vector<1x16xf32>
        tpu.vector_store %arg12[%swap3A_368, %swap3A_369], %swap3A_372 {strides = array<i32>} : memref<128x64xf32, #tpu.memory_space<vmem>>, vector<1x16xf32>,
        %mul3A_373 = arith.constant 16 : i32
        %mul3A_374 = arith.muli %scan3A_89, %mul3A_373 : i32
        %add3A_375 = arith.constant 6 : i32
        %add3A_376 = arith.addi %mul3A_374, %add3A_375 : i32
        %slice3A_377 = vector.extract_strided_slice %get3A_94 {offsets = [6], sizes = [1], strides = [1]} : vector<16xf32> to vector<1xf32>
        %squeeze3A_378 = vector.extract %slice3A_377[0] : f32 from vector<1xf32>
        %broadcast_in_dim3A_379 = vector.broadcast %squeeze3A_378 : f32 to vector<16xf32>
        %get3A_380 = arith.index_cast %add3A_376 : i32 to index
        %get3A_381 = arith.constant 0 : index
        %get3A_382 = tpu.vector_load %arg10[%get3A_380, %get3A_381] {strides = array<i32>} : memref<128x64xf32, #tpu.memory_space<vmem>>, vector<1x16xf32>,
        %get3A_383 = vector.shape_cast %get3A_382 : vector<1x16xf32> to vector<16xf32>
        %add3A_384 = arith.addf %get3A_383, %broadcast_in_dim3A_379 : vector<16xf32>
        %swap3A_385 = arith.index_cast %add3A_376 : i32 to index
        %swap3A_386 = arith.constant 0 : index
        %swap3A_387 = tpu.vector_load %arg12[%swap3A_385, %swap3A_386] {strides = array<i32>} : memref<128x64xf32, #tpu.memory_space<vmem>>, vector<1x16xf32>,
        %swap3A_388 = vector.shape_cast %swap3A_387 : vector<1x16xf32> to vector<16xf32>
        %swap3A_389 = vector.shape_cast %add3A_384 : vector<16xf32> to vector<1x16xf32>
        tpu.vector_store %arg12[%swap3A_385, %swap3A_386], %swap3A_389 {strides = array<i32>} : memref<128x64xf32, #tpu.memory_space<vmem>>, vector<1x16xf32>,
        %get3A_390 = arith.index_cast %add3A_376 : i32 to index
        %get3A_391 = arith.constant 16 : index
        %get3A_392 = tpu.vector_load %arg10[%get3A_390, %get3A_391] {strides = array<i32>} : memref<128x64xf32, #tpu.memory_space<vmem>>, vector<1x16xf32>,
        %get3A_393 = vector.shape_cast %get3A_392 : vector<1x16xf32> to vector<16xf32>
        %add3A_394 = arith.addf %get3A_393, %broadcast_in_dim3A_379 : vector<16xf32>
        %swap3A_395 = arith.index_cast %add3A_376 : i32 to index
        %swap3A_396 = arith.constant 16 : index
        %swap3A_397 = tpu.vector_load %arg12[%swap3A_395, %swap3A_396] {strides = array<i32>} : memref<128x64xf32, #tpu.memory_space<vmem>>, vector<1x16xf32>,
        %swap3A_398 = vector.shape_cast %swap3A_397 : vector<1x16xf32> to vector<16xf32>
        %swap3A_399 = vector.shape_cast %add3A_394 : vector<16xf32> to vector<1x16xf32>
        tpu.vector_store %arg12[%swap3A_395, %swap3A_396], %swap3A_399 {strides = array<i32>} : memref<128x64xf32, #tpu.memory_space<vmem>>, vector<1x16xf32>,
        %get3A_400 = arith.index_cast %add3A_376 : i32 to index
        %get3A_401 = arith.constant 32 : index
        %get3A_402 = tpu.vector_load %arg10[%get3A_400, %get3A_401] {strides = array<i32>} : memref<128x64xf32, #tpu.memory_space<vmem>>, vector<1x16xf32>,
        %get3A_403 = vector.shape_cast %get3A_402 : vector<1x16xf32> to vector<16xf32>
        %add3A_404 = arith.addf %get3A_403, %broadcast_in_dim3A_379 : vector<16xf32>
        %swap3A_405 = arith.index_cast %add3A_376 : i32 to index
        %swap3A_406 = arith.constant 32 : index
        %swap3A_407 = tpu.vector_load %arg12[%swap3A_405, %swap3A_406] {strides = array<i32>} : memref<128x64xf32, #tpu.memory_space<vmem>>, vector<1x16xf32>,
        %swap3A_408 = vector.shape_cast %swap3A_407 : vector<1x16xf32> to vector<16xf32>
        %swap3A_409 = vector.shape_cast %add3A_404 : vector<16xf32> to vector<1x16xf32>
        tpu.vector_store %arg12[%swap3A_405, %swap3A_406], %swap3A_409 {strides = array<i32>} : memref<128x64xf32, #tpu.memory_space<vmem>>, vector<1x16xf32>,
        %get3A_410 = arith.index_cast %add3A_376 : i32 to index
        %get3A_411 = arith.constant 48 : index
        %get3A_412 = tpu.vector_load %arg10[%get3A_410, %get3A_411] {strides = array<i32>} : memref<128x64xf32, #tpu.memory_space<vmem>>, vector<1x16xf32>,
        %get3A_413 = vector.shape_cast %get3A_412 : vector<1x16xf32> to vector<16xf32>
        %add3A_414 = arith.addf %get3A_413, %broadcast_in_dim3A_379 : vector<16xf32>
        %swap3A_415 = arith.index_cast %add3A_376 : i32 to index
        %swap3A_416 = arith.constant 48 : index
        %swap3A_417 = tpu.vector_load %arg12[%swap3A_415, %swap3A_416] {strides = array<i32>} : memref<128x64xf32, #tpu.memory_space<vmem>>, vector<1x16xf32>,
        %swap3A_418 = vector.shape_cast %swap3A_417 : vector<1x16xf32> to vector<16xf32>
        %swap3A_419 = vector.shape_cast %add3A_414 : vector<16xf32> to vector<1x16xf32>
        tpu.vector_store %arg12[%swap3A_415, %swap3A_416], %swap3A_419 {strides = array<i32>} : memref<128x64xf32, #tpu.memory_space<vmem>>, vector<1x16xf32>,
        %mul3A_420 = arith.constant 16 : i32
        %mul3A_421 = arith.muli %scan3A_89, %mul3A_420 : i32
        %add3A_422 = arith.constant 7 : i32
        %add3A_423 = arith.addi %mul3A_421, %add3A_422 : i32
        %slice3A_424 = vector.extract_strided_slice %get3A_94 {offsets = [7], sizes = [1], strides = [1]} : vector<16xf32> to vector<1xf32>
        %squeeze3A_425 = vector.extract %slice3A_424[0] : f32 from vector<1xf32>
        %broadcast_in_dim3A_426 = vector.broadcast %squeeze3A_425 : f32 to vector<16xf32>
        %get3A_427 = arith.index_cast %add3A_423 : i32 to index
        %get3A_428 = arith.constant 0 : index
        %get3A_429 = tpu.vector_load %arg10[%get3A_427, %get3A_428] {strides = array<i32>} : memref<128x64xf32, #tpu.memory_space<vmem>>, vector<1x16xf32>,
        %get3A_430 = vector.shape_cast %get3A_429 : vector<1x16xf32> to vector<16xf32>
        %add3A_431 = arith.addf %get3A_430, %broadcast_in_dim3A_426 : vector<16xf32>
        %swap3A_432 = arith.index_cast %add3A_423 : i32 to index
        %swap3A_433 = arith.constant 0 : index
        %swap3A_434 = tpu.vector_load %arg12[%swap3A_432, %swap3A_433] {strides = array<i32>} : memref<128x64xf32, #tpu.memory_space<vmem>>, vector<1x16xf32>,
        %swap3A_435 = vector.shape_cast %swap3A_434 : vector<1x16xf32> to vector<16xf32>
        %swap3A_436 = vector.shape_cast %add3A_431 : vector<16xf32> to vector<1x16xf32>
        tpu.vector_store %arg12[%swap3A_432, %swap3A_433], %swap3A_436 {strides = array<i32>} : memref<128x64xf32, #tpu.memory_space<vmem>>, vector<1x16xf32>,
        %get3A_437 = arith.index_cast %add3A_423 : i32 to index
        %get3A_438 = arith.constant 16 : index
        %get3A_439 = tpu.vector_load %arg10[%get3A_437, %get3A_438] {strides = array<i32>} : memref<128x64xf32, #tpu.memory_space<vmem>>, vector<1x16xf32>,
        %get3A_440 = vector.shape_cast %get3A_439 : vector<1x16xf32> to vector<16xf32>
        %add3A_441 = arith.addf %get3A_440, %broadcast_in_dim3A_426 : vector<16xf32>
        %swap3A_442 = arith.index_cast %add3A_423 : i32 to index
        %swap3A_443 = arith.constant 16 : index
        %swap3A_444 = tpu.vector_load %arg12[%swap3A_442, %swap3A_443] {strides = array<i32>} : memref<128x64xf32, #tpu.memory_space<vmem>>, vector<1x16xf32>,
        %swap3A_445 = vector.shape_cast %swap3A_444 : vector<1x16xf32> to vector<16xf32>
        %swap3A_446 = vector.shape_cast %add3A_441 : vector<16xf32> to vector<1x16xf32>
        tpu.vector_store %arg12[%swap3A_442, %swap3A_443], %swap3A_446 {strides = array<i32>} : memref<128x64xf32, #tpu.memory_space<vmem>>, vector<1x16xf32>,
        %get3A_447 = arith.index_cast %add3A_423 : i32 to index
        %get3A_448 = arith.constant 32 : index
        %get3A_449 = tpu.vector_load %arg10[%get3A_447, %get3A_448] {strides = array<i32>} : memref<128x64xf32, #tpu.memory_space<vmem>>, vector<1x16xf32>,
        %get3A_450 = vector.shape_cast %get3A_449 : vector<1x16xf32> to vector<16xf32>
        %add3A_451 = arith.addf %get3A_450, %broadcast_in_dim3A_426 : vector<16xf32>
        %swap3A_452 = arith.index_cast %add3A_423 : i32 to index
        %swap3A_453 = arith.constant 32 : index
        %swap3A_454 = tpu.vector_load %arg12[%swap3A_452, %swap3A_453] {strides = array<i32>} : memref<128x64xf32, #tpu.memory_space<vmem>>, vector<1x16xf32>,
        %swap3A_455 = vector.shape_cast %swap3A_454 : vector<1x16xf32> to vector<16xf32>
        %swap3A_456 = vector.shape_cast %add3A_451 : vector<16xf32> to vector<1x16xf32>
        tpu.vector_store %arg12[%swap3A_452, %swap3A_453], %swap3A_456 {strides = array<i32>} : memref<128x64xf32, #tpu.memory_space<vmem>>, vector<1x16xf32>,
        %get3A_457 = arith.index_cast %add3A_423 : i32 to index
        %get3A_458 = arith.constant 48 : index
        %get3A_459 = tpu.vector_load %arg10[%get3A_457, %get3A_458] {strides = array<i32>} : memref<128x64xf32, #tpu.memory_space<vmem>>, vector<1x16xf32>,
        %get3A_460 = vector.shape_cast %get3A_459 : vector<1x16xf32> to vector<16xf32>
        %add3A_461 = arith.addf %get3A_460, %broadcast_in_dim3A_426 : vector<16xf32>
        %swap3A_462 = arith.index_cast %add3A_423 : i32 to index
        %swap3A_463 = arith.constant 48 : index
        %swap3A_464 = tpu.vector_load %arg12[%swap3A_462, %swap3A_463] {strides = array<i32>} : memref<128x64xf32, #tpu.memory_space<vmem>>, vector<1x16xf32>,
        %swap3A_465 = vector.shape_cast %swap3A_464 : vector<1x16xf32> to vector<16xf32>
        %swap3A_466 = vector.shape_cast %add3A_461 : vector<16xf32> to vector<1x16xf32>
        tpu.vector_store %arg12[%swap3A_462, %swap3A_463], %swap3A_466 {strides = array<i32>} : memref<128x64xf32, #tpu.memory_space<vmem>>, vector<1x16xf32>,
        %mul3A_467 = arith.constant 16 : i32
        %mul3A_468 = arith.muli %scan3A_89, %mul3A_467 : i32
        %add3A_469 = arith.constant 8 : i32
        %add3A_470 = arith.addi %mul3A_468, %add3A_469 : i32
        %slice3A_471 = vector.extract_strided_slice %get3A_94 {offsets = [8], sizes = [1], strides = [1]} : vector<16xf32> to vector<1xf32>
        %squeeze3A_472 = vector.extract %slice3A_471[0] : f32 from vector<1xf32>
        %broadcast_in_dim3A_473 = vector.broadcast %squeeze3A_472 : f32 to vector<16xf32>
        %get3A_474 = arith.index_cast %add3A_470 : i32 to index
        %get3A_475 = arith.constant 0 : index
        %get3A_476 = tpu.vector_load %arg10[%get3A_474, %get3A_475] {strides = array<i32>} : memref<128x64xf32, #tpu.memory_space<vmem>>, vector<1x16xf32>,
        %get3A_477 = vector.shape_cast %get3A_476 : vector<1x16xf32> to vector<16xf32>
        %add3A_478 = arith.addf %get3A_477, %broadcast_in_dim3A_473 : vector<16xf32>
        %swap3A_479 = arith.index_cast %add3A_470 : i32 to index
        %swap3A_480 = arith.constant 0 : index
        %swap3A_481 = tpu.vector_load %arg12[%swap3A_479, %swap3A_480] {strides = array<i32>} : memref<128x64xf32, #tpu.memory_space<vmem>>, vector<1x16xf32>,
        %swap3A_482 = vector.shape_cast %swap3A_481 : vector<1x16xf32> to vector<16xf32>
        %swap3A_483 = vector.shape_cast %add3A_478 : vector<16xf32> to vector<1x16xf32>
        tpu.vector_store %arg12[%swap3A_479, %swap3A_480], %swap3A_483 {strides = array<i32>} : memref<128x64xf32, #tpu.memory_space<vmem>>, vector<1x16xf32>,
        %get3A_484 = arith.index_cast %add3A_470 : i32 to index
        %get3A_485 = arith.constant 16 : index
        %get3A_486 = tpu.vector_load %arg10[%get3A_484, %get3A_485] {strides = array<i32>} : memref<128x64xf32, #tpu.memory_space<vmem>>, vector<1x16xf32>,
        %get3A_487 = vector.shape_cast %get3A_486 : vector<1x16xf32> to vector<16xf32>
        %add3A_488 = arith.addf %get3A_487, %broadcast_in_dim3A_473 : vector<16xf32>
        %swap3A_489 = arith.index_cast %add3A_470 : i32 to index
        %swap3A_490 = arith.constant 16 : index
        %swap3A_491 = tpu.vector_load %arg12[%swap3A_489, %swap3A_490] {strides = array<i32>} : memref<128x64xf32, #tpu.memory_space<vmem>>, vector<1x16xf32>,
        %swap3A_492 = vector.shape_cast %swap3A_491 : vector<1x16xf32> to vector<16xf32>
        %swap3A_493 = vector.shape_cast %add3A_488 : vector<16xf32> to vector<1x16xf32>
        tpu.vector_store %arg12[%swap3A_489, %swap3A_490], %swap3A_493 {strides = array<i32>} : memref<128x64xf32, #tpu.memory_space<vmem>>, vector<1x16xf32>,
        %get3A_494 = arith.index_cast %add3A_470 : i32 to index
        %get3A_495 = arith.constant 32 : index
        %get3A_496 = tpu.vector_load %arg10[%get3A_494, %get3A_495] {strides = array<i32>} : memref<128x64xf32, #tpu.memory_space<vmem>>, vector<1x16xf32>,
        %get3A_497 = vector.shape_cast %get3A_496 : vector<1x16xf32> to vector<16xf32>
        %add3A_498 = arith.addf %get3A_497, %broadcast_in_dim3A_473 : vector<16xf32>
        %swap3A_499 = arith.index_cast %add3A_470 : i32 to index
        %swap3A_500 = arith.constant 32 : index
        %swap3A_501 = tpu.vector_load %arg12[%swap3A_499, %swap3A_500] {strides = array<i32>} : memref<128x64xf32, #tpu.memory_space<vmem>>, vector<1x16xf32>,
        %swap3A_502 = vector.shape_cast %swap3A_501 : vector<1x16xf32> to vector<16xf32>
        %swap3A_503 = vector.shape_cast %add3A_498 : vector<16xf32> to vector<1x16xf32>
        tpu.vector_store %arg12[%swap3A_499, %swap3A_500], %swap3A_503 {strides = array<i32>} : memref<128x64xf32, #tpu.memory_space<vmem>>, vector<1x16xf32>,
        %get3A_504 = arith.index_cast %add3A_470 : i32 to index
        %get3A_505 = arith.constant 48 : index
        %get3A_506 = tpu.vector_load %arg10[%get3A_504, %get3A_505] {strides = array<i32>} : memref<128x64xf32, #tpu.memory_space<vmem>>, vector<1x16xf32>,
        %get3A_507 = vector.shape_cast %get3A_506 : vector<1x16xf32> to vector<16xf32>
        %add3A_508 = arith.addf %get3A_507, %broadcast_in_dim3A_473 : vector<16xf32>
        %swap3A_509 = arith.index_cast %add3A_470 : i32 to index
        %swap3A_510 = arith.constant 48 : index
        %swap3A_511 = tpu.vector_load %arg12[%swap3A_509, %swap3A_510] {strides = array<i32>} : memref<128x64xf32, #tpu.memory_space<vmem>>, vector<1x16xf32>,
        %swap3A_512 = vector.shape_cast %swap3A_511 : vector<1x16xf32> to vector<16xf32>
        %swap3A_513 = vector.shape_cast %add3A_508 : vector<16xf32> to vector<1x16xf32>
        tpu.vector_store %arg12[%swap3A_509, %swap3A_510], %swap3A_513 {strides = array<i32>} : memref<128x64xf32, #tpu.memory_space<vmem>>, vector<1x16xf32>,
        %mul3A_514 = arith.constant 16 : i32
        %mul3A_515 = arith.muli %scan3A_89, %mul3A_514 : i32
        %add3A_516 = arith.constant 9 : i32
        %add3A_517 = arith.addi %mul3A_515, %add3A_516 : i32
        %slice3A_518 = vector.extract_strided_slice %get3A_94 {offsets = [9], sizes = [1], strides = [1]} : vector<16xf32> to vector<1xf32>
        %squeeze3A_519 = vector.extract %slice3A_518[0] : f32 from vector<1xf32>
        %broadcast_in_dim3A_520 = vector.broadcast %squeeze3A_519 : f32 to vector<16xf32>
        %get3A_521 = arith.index_cast %add3A_517 : i32 to index
        %get3A_522 = arith.constant 0 : index
        %get3A_523 = tpu.vector_load %arg10[%get3A_521, %get3A_522] {strides = array<i32>} : memref<128x64xf32, #tpu.memory_space<vmem>>, vector<1x16xf32>,
        %get3A_524 = vector.shape_cast %get3A_523 : vector<1x16xf32> to vector<16xf32>
        %add3A_525 = arith.addf %get3A_524, %broadcast_in_dim3A_520 : vector<16xf32>
        %swap3A_526 = arith.index_cast %add3A_517 : i32 to index
        %swap3A_527 = arith.constant 0 : index
        %swap3A_528 = tpu.vector_load %arg12[%swap3A_526, %swap3A_527] {strides = array<i32>} : memref<128x64xf32, #tpu.memory_space<vmem>>, vector<1x16xf32>,
        %swap3A_529 = vector.shape_cast %swap3A_528 : vector<1x16xf32> to vector<16xf32>
        %swap3A_530 = vector.shape_cast %add3A_525 : vector<16xf32> to vector<1x16xf32>
        tpu.vector_store %arg12[%swap3A_526, %swap3A_527], %swap3A_530 {strides = array<i32>} : memref<128x64xf32, #tpu.memory_space<vmem>>, vector<1x16xf32>,
        %get3A_531 = arith.index_cast %add3A_517 : i32 to index
        %get3A_532 = arith.constant 16 : index
        %get3A_533 = tpu.vector_load %arg10[%get3A_531, %get3A_532] {strides = array<i32>} : memref<128x64xf32, #tpu.memory_space<vmem>>, vector<1x16xf32>,
        %get3A_534 = vector.shape_cast %get3A_533 : vector<1x16xf32> to vector<16xf32>
        %add3A_535 = arith.addf %get3A_534, %broadcast_in_dim3A_520 : vector<16xf32>
        %swap3A_536 = arith.index_cast %add3A_517 : i32 to index
        %swap3A_537 = arith.constant 16 : index
        %swap3A_538 = tpu.vector_load %arg12[%swap3A_536, %swap3A_537] {strides = array<i32>} : memref<128x64xf32, #tpu.memory_space<vmem>>, vector<1x16xf32>,
        %swap3A_539 = vector.shape_cast %swap3A_538 : vector<1x16xf32> to vector<16xf32>
        %swap3A_540 = vector.shape_cast %add3A_535 : vector<16xf32> to vector<1x16xf32>
        tpu.vector_store %arg12[%swap3A_536, %swap3A_537], %swap3A_540 {strides = array<i32>} : memref<128x64xf32, #tpu.memory_space<vmem>>, vector<1x16xf32>,
        %get3A_541 = arith.index_cast %add3A_517 : i32 to index
        %get3A_542 = arith.constant 32 : index
        %get3A_543 = tpu.vector_load %arg10[%get3A_541, %get3A_542] {strides = array<i32>} : memref<128x64xf32, #tpu.memory_space<vmem>>, vector<1x16xf32>,
        %get3A_544 = vector.shape_cast %get3A_543 : vector<1x16xf32> to vector<16xf32>
        %add3A_545 = arith.addf %get3A_544, %broadcast_in_dim3A_520 : vector<16xf32>
        %swap3A_546 = arith.index_cast %add3A_517 : i32 to index
        %swap3A_547 = arith.constant 32 : index
        %swap3A_548 = tpu.vector_load %arg12[%swap3A_546, %swap3A_547] {strides = array<i32>} : memref<128x64xf32, #tpu.memory_space<vmem>>, vector<1x16xf32>,
        %swap3A_549 = vector.shape_cast %swap3A_548 : vector<1x16xf32> to vector<16xf32>
        %swap3A_550 = vector.shape_cast %add3A_545 : vector<16xf32> to vector<1x16xf32>
        tpu.vector_store %arg12[%swap3A_546, %swap3A_547], %swap3A_550 {strides = array<i32>} : memref<128x64xf32, #tpu.memory_space<vmem>>, vector<1x16xf32>,
        %get3A_551 = arith.index_cast %add3A_517 : i32 to index
        %get3A_552 = arith.constant 48 : index
        %get3A_553 = tpu.vector_load %arg10[%get3A_551, %get3A_552] {strides = array<i32>} : memref<128x64xf32, #tpu.memory_space<vmem>>, vector<1x16xf32>,
        %get3A_554 = vector.shape_cast %get3A_553 : vector<1x16xf32> to vector<16xf32>
        %add3A_555 = arith.addf %get3A_554, %broadcast_in_dim3A_520 : vector<16xf32>
        %swap3A_556 = arith.index_cast %add3A_517 : i32 to index
        %swap3A_557 = arith.constant 48 : index
        %swap3A_558 = tpu.vector_load %arg12[%swap3A_556, %swap3A_557] {strides = array<i32>} : memref<128x64xf32, #tpu.memory_space<vmem>>, vector<1x16xf32>,
        %swap3A_559 = vector.shape_cast %swap3A_558 : vector<1x16xf32> to vector<16xf32>
        %swap3A_560 = vector.shape_cast %add3A_555 : vector<16xf32> to vector<1x16xf32>
        tpu.vector_store %arg12[%swap3A_556, %swap3A_557], %swap3A_560 {strides = array<i32>} : memref<128x64xf32, #tpu.memory_space<vmem>>, vector<1x16xf32>,
        %mul3A_561 = arith.constant 16 : i32
        %mul3A_562 = arith.muli %scan3A_89, %mul3A_561 : i32
        %add3A_563 = arith.constant 10 : i32
        %add3A_564 = arith.addi %mul3A_562, %add3A_563 : i32
        %slice3A_565 = vector.extract_strided_slice %get3A_94 {offsets = [10], sizes = [1], strides = [1]} : vector<16xf32> to vector<1xf32>
        %squeeze3A_566 = vector.extract %slice3A_565[0] : f32 from vector<1xf32>
        %broadcast_in_dim3A_567 = vector.broadcast %squeeze3A_566 : f32 to vector<16xf32>
        %get3A_568 = arith.index_cast %add3A_564 : i32 to index
        %get3A_569 = arith.constant 0 : index
        %get3A_570 = tpu.vector_load %arg10[%get3A_568, %get3A_569] {strides = array<i32>} : memref<128x64xf32, #tpu.memory_space<vmem>>, vector<1x16xf32>,
        %get3A_571 = vector.shape_cast %get3A_570 : vector<1x16xf32> to vector<16xf32>
        %add3A_572 = arith.addf %get3A_571, %broadcast_in_dim3A_567 : vector<16xf32>
        %swap3A_573 = arith.index_cast %add3A_564 : i32 to index
        %swap3A_574 = arith.constant 0 : index
        %swap3A_575 = tpu.vector_load %arg12[%swap3A_573, %swap3A_574] {strides = array<i32>} : memref<128x64xf32, #tpu.memory_space<vmem>>, vector<1x16xf32>,
        %swap3A_576 = vector.shape_cast %swap3A_575 : vector<1x16xf32> to vector<16xf32>
        %swap3A_577 = vector.shape_cast %add3A_572 : vector<16xf32> to vector<1x16xf32>
        tpu.vector_store %arg12[%swap3A_573, %swap3A_574], %swap3A_577 {strides = array<i32>} : memref<128x64xf32, #tpu.memory_space<vmem>>, vector<1x16xf32>,
        %get3A_578 = arith.index_cast %add3A_564 : i32 to index
        %get3A_579 = arith.constant 16 : index
        %get3A_580 = tpu.vector_load %arg10[%get3A_578, %get3A_579] {strides = array<i32>} : memref<128x64xf32, #tpu.memory_space<vmem>>, vector<1x16xf32>,
        %get3A_581 = vector.shape_cast %get3A_580 : vector<1x16xf32> to vector<16xf32>
        %add3A_582 = arith.addf %get3A_581, %broadcast_in_dim3A_567 : vector<16xf32>
        %swap3A_583 = arith.index_cast %add3A_564 : i32 to index
        %swap3A_584 = arith.constant 16 : index
        %swap3A_585 = tpu.vector_load %arg12[%swap3A_583, %swap3A_584] {strides = array<i32>} : memref<128x64xf32, #tpu.memory_space<vmem>>, vector<1x16xf32>,
        %swap3A_586 = vector.shape_cast %swap3A_585 : vector<1x16xf32> to vector<16xf32>
        %swap3A_587 = vector.shape_cast %add3A_582 : vector<16xf32> to vector<1x16xf32>
        tpu.vector_store %arg12[%swap3A_583, %swap3A_584], %swap3A_587 {strides = array<i32>} : memref<128x64xf32, #tpu.memory_space<vmem>>, vector<1x16xf32>,
        %get3A_588 = arith.index_cast %add3A_564 : i32 to index
        %get3A_589 = arith.constant 32 : index
        %get3A_590 = tpu.vector_load %arg10[%get3A_588, %get3A_589] {strides = array<i32>} : memref<128x64xf32, #tpu.memory_space<vmem>>, vector<1x16xf32>,
        %get3A_591 = vector.shape_cast %get3A_590 : vector<1x16xf32> to vector<16xf32>
        %add3A_592 = arith.addf %get3A_591, %broadcast_in_dim3A_567 : vector<16xf32>
        %swap3A_593 = arith.index_cast %add3A_564 : i32 to index
        %swap3A_594 = arith.constant 32 : index
        %swap3A_595 = tpu.vector_load %arg12[%swap3A_593, %swap3A_594] {strides = array<i32>} : memref<128x64xf32, #tpu.memory_space<vmem>>, vector<1x16xf32>,
        %swap3A_596 = vector.shape_cast %swap3A_595 : vector<1x16xf32> to vector<16xf32>
        %swap3A_597 = vector.shape_cast %add3A_592 : vector<16xf32> to vector<1x16xf32>
        tpu.vector_store %arg12[%swap3A_593, %swap3A_594], %swap3A_597 {strides = array<i32>} : memref<128x64xf32, #tpu.memory_space<vmem>>, vector<1x16xf32>,
        %get3A_598 = arith.index_cast %add3A_564 : i32 to index
        %get3A_599 = arith.constant 48 : index
        %get3A_600 = tpu.vector_load %arg10[%get3A_598, %get3A_599] {strides = array<i32>} : memref<128x64xf32, #tpu.memory_space<vmem>>, vector<1x16xf32>,
        %get3A_601 = vector.shape_cast %get3A_600 : vector<1x16xf32> to vector<16xf32>
        %add3A_602 = arith.addf %get3A_601, %broadcast_in_dim3A_567 : vector<16xf32>
        %swap3A_603 = arith.index_cast %add3A_564 : i32 to index
        %swap3A_604 = arith.constant 48 : index
        %swap3A_605 = tpu.vector_load %arg12[%swap3A_603, %swap3A_604] {strides = array<i32>} : memref<128x64xf32, #tpu.memory_space<vmem>>, vector<1x16xf32>,
        %swap3A_606 = vector.shape_cast %swap3A_605 : vector<1x16xf32> to vector<16xf32>
        %swap3A_607 = vector.shape_cast %add3A_602 : vector<16xf32> to vector<1x16xf32>
        tpu.vector_store %arg12[%swap3A_603, %swap3A_604], %swap3A_607 {strides = array<i32>} : memref<128x64xf32, #tpu.memory_space<vmem>>, vector<1x16xf32>,
        %mul3A_608 = arith.constant 16 : i32
        %mul3A_609 = arith.muli %scan3A_89, %mul3A_608 : i32
        %add3A_610 = arith.constant 11 : i32
        %add3A_611 = arith.addi %mul3A_609, %add3A_610 : i32
        %slice3A_612 = vector.extract_strided_slice %get3A_94 {offsets = [11], sizes = [1], strides = [1]} : vector<16xf32> to vector<1xf32>
        %squeeze3A_613 = vector.extract %slice3A_612[0] : f32 from vector<1xf32>
        %broadcast_in_dim3A_614 = vector.broadcast %squeeze3A_613 : f32 to vector<16xf32>
        %get3A_615 = arith.index_cast %add3A_611 : i32 to index
        %get3A_616 = arith.constant 0 : index
        %get3A_617 = tpu.vector_load %arg10[%get3A_615, %get3A_616] {strides = array<i32>} : memref<128x64xf32, #tpu.memory_space<vmem>>, vector<1x16xf32>,
        %get3A_618 = vector.shape_cast %get3A_617 : vector<1x16xf32> to vector<16xf32>
        %add3A_619 = arith.addf %get3A_618, %broadcast_in_dim3A_614 : vector<16xf32>
        %swap3A_620 = arith.index_cast %add3A_611 : i32 to index
        %swap3A_621 = arith.constant 0 : index
        %swap3A_622 = tpu.vector_load %arg12[%swap3A_620, %swap3A_621] {strides = array<i32>} : memref<128x64xf32, #tpu.memory_space<vmem>>, vector<1x16xf32>,
        %swap3A_623 = vector.shape_cast %swap3A_622 : vector<1x16xf32> to vector<16xf32>
        %swap3A_624 = vector.shape_cast %add3A_619 : vector<16xf32> to vector<1x16xf32>
        tpu.vector_store %arg12[%swap3A_620, %swap3A_621], %swap3A_624 {strides = array<i32>} : memref<128x64xf32, #tpu.memory_space<vmem>>, vector<1x16xf32>,
        %get3A_625 = arith.index_cast %add3A_611 : i32 to index
        %get3A_626 = arith.constant 16 : index
        %get3A_627 = tpu.vector_load %arg10[%get3A_625, %get3A_626] {strides = array<i32>} : memref<128x64xf32, #tpu.memory_space<vmem>>, vector<1x16xf32>,
        %get3A_628 = vector.shape_cast %get3A_627 : vector<1x16xf32> to vector<16xf32>
        %add3A_629 = arith.addf %get3A_628, %broadcast_in_dim3A_614 : vector<16xf32>
        %swap3A_630 = arith.index_cast %add3A_611 : i32 to index
        %swap3A_631 = arith.constant 16 : index
        %swap3A_632 = tpu.vector_load %arg12[%swap3A_630, %swap3A_631] {strides = array<i32>} : memref<128x64xf32, #tpu.memory_space<vmem>>, vector<1x16xf32>,
        %swap3A_633 = vector.shape_cast %swap3A_632 : vector<1x16xf32> to vector<16xf32>
        %swap3A_634 = vector.shape_cast %add3A_629 : vector<16xf32> to vector<1x16xf32>
        tpu.vector_store %arg12[%swap3A_630, %swap3A_631], %swap3A_634 {strides = array<i32>} : memref<128x64xf32, #tpu.memory_space<vmem>>, vector<1x16xf32>,
        %get3A_635 = arith.index_cast %add3A_611 : i32 to index
        %get3A_636 = arith.constant 32 : index
        %get3A_637 = tpu.vector_load %arg10[%get3A_635, %get3A_636] {strides = array<i32>} : memref<128x64xf32, #tpu.memory_space<vmem>>, vector<1x16xf32>,
        %get3A_638 = vector.shape_cast %get3A_637 : vector<1x16xf32> to vector<16xf32>
        %add3A_639 = arith.addf %get3A_638, %broadcast_in_dim3A_614 : vector<16xf32>
        %swap3A_640 = arith.index_cast %add3A_611 : i32 to index
        %swap3A_641 = arith.constant 32 : index
        %swap3A_642 = tpu.vector_load %arg12[%swap3A_640, %swap3A_641] {strides = array<i32>} : memref<128x64xf32, #tpu.memory_space<vmem>>, vector<1x16xf32>,
        %swap3A_643 = vector.shape_cast %swap3A_642 : vector<1x16xf32> to vector<16xf32>
        %swap3A_644 = vector.shape_cast %add3A_639 : vector<16xf32> to vector<1x16xf32>
        tpu.vector_store %arg12[%swap3A_640, %swap3A_641], %swap3A_644 {strides = array<i32>} : memref<128x64xf32, #tpu.memory_space<vmem>>, vector<1x16xf32>,
        %get3A_645 = arith.index_cast %add3A_611 : i32 to index
        %get3A_646 = arith.constant 48 : index
        %get3A_647 = tpu.vector_load %arg10[%get3A_645, %get3A_646] {strides = array<i32>} : memref<128x64xf32, #tpu.memory_space<vmem>>, vector<1x16xf32>,
        %get3A_648 = vector.shape_cast %get3A_647 : vector<1x16xf32> to vector<16xf32>
        %add3A_649 = arith.addf %get3A_648, %broadcast_in_dim3A_614 : vector<16xf32>
        %swap3A_650 = arith.index_cast %add3A_611 : i32 to index
        %swap3A_651 = arith.constant 48 : index
        %swap3A_652 = tpu.vector_load %arg12[%swap3A_650, %swap3A_651] {strides = array<i32>} : memref<128x64xf32, #tpu.memory_space<vmem>>, vector<1x16xf32>,
        %swap3A_653 = vector.shape_cast %swap3A_652 : vector<1x16xf32> to vector<16xf32>
        %swap3A_654 = vector.shape_cast %add3A_649 : vector<16xf32> to vector<1x16xf32>
        tpu.vector_store %arg12[%swap3A_650, %swap3A_651], %swap3A_654 {strides = array<i32>} : memref<128x64xf32, #tpu.memory_space<vmem>>, vector<1x16xf32>,
        %mul3A_655 = arith.constant 16 : i32
        %mul3A_656 = arith.muli %scan3A_89, %mul3A_655 : i32
        %add3A_657 = arith.constant 12 : i32
        %add3A_658 = arith.addi %mul3A_656, %add3A_657 : i32
        %slice3A_659 = vector.extract_strided_slice %get3A_94 {offsets = [12], sizes = [1], strides = [1]} : vector<16xf32> to vector<1xf32>
        %squeeze3A_660 = vector.extract %slice3A_659[0] : f32 from vector<1xf32>
        %broadcast_in_dim3A_661 = vector.broadcast %squeeze3A_660 : f32 to vector<16xf32>
        %get3A_662 = arith.index_cast %add3A_658 : i32 to index
        %get3A_663 = arith.constant 0 : index
        %get3A_664 = tpu.vector_load %arg10[%get3A_662, %get3A_663] {strides = array<i32>} : memref<128x64xf32, #tpu.memory_space<vmem>>, vector<1x16xf32>,
        %get3A_665 = vector.shape_cast %get3A_664 : vector<1x16xf32> to vector<16xf32>
        %add3A_666 = arith.addf %get3A_665, %broadcast_in_dim3A_661 : vector<16xf32>
        %swap3A_667 = arith.index_cast %add3A_658 : i32 to index
        %swap3A_668 = arith.constant 0 : index
        %swap3A_669 = tpu.vector_load %arg12[%swap3A_667, %swap3A_668] {strides = array<i32>} : memref<128x64xf32, #tpu.memory_space<vmem>>, vector<1x16xf32>,
        %swap3A_670 = vector.shape_cast %swap3A_669 : vector<1x16xf32> to vector<16xf32>
        %swap3A_671 = vector.shape_cast %add3A_666 : vector<16xf32> to vector<1x16xf32>
        tpu.vector_store %arg12[%swap3A_667, %swap3A_668], %swap3A_671 {strides = array<i32>} : memref<128x64xf32, #tpu.memory_space<vmem>>, vector<1x16xf32>,
        %get3A_672 = arith.index_cast %add3A_658 : i32 to index
        %get3A_673 = arith.constant 16 : index
        %get3A_674 = tpu.vector_load %arg10[%get3A_672, %get3A_673] {strides = array<i32>} : memref<128x64xf32, #tpu.memory_space<vmem>>, vector<1x16xf32>,
        %get3A_675 = vector.shape_cast %get3A_674 : vector<1x16xf32> to vector<16xf32>
        %add3A_676 = arith.addf %get3A_675, %broadcast_in_dim3A_661 : vector<16xf32>
        %swap3A_677 = arith.index_cast %add3A_658 : i32 to index
        %swap3A_678 = arith.constant 16 : index
        %swap3A_679 = tpu.vector_load %arg12[%swap3A_677, %swap3A_678] {strides = array<i32>} : memref<128x64xf32, #tpu.memory_space<vmem>>, vector<1x16xf32>,
        %swap3A_680 = vector.shape_cast %swap3A_679 : vector<1x16xf32> to vector<16xf32>
        %swap3A_681 = vector.shape_cast %add3A_676 : vector<16xf32> to vector<1x16xf32>
        tpu.vector_store %arg12[%swap3A_677, %swap3A_678], %swap3A_681 {strides = array<i32>} : memref<128x64xf32, #tpu.memory_space<vmem>>, vector<1x16xf32>,
        %get3A_682 = arith.index_cast %add3A_658 : i32 to index
        %get3A_683 = arith.constant 32 : index
        %get3A_684 = tpu.vector_load %arg10[%get3A_682, %get3A_683] {strides = array<i32>} : memref<128x64xf32, #tpu.memory_space<vmem>>, vector<1x16xf32>,
        %get3A_685 = vector.shape_cast %get3A_684 : vector<1x16xf32> to vector<16xf32>
        %add3A_686 = arith.addf %get3A_685, %broadcast_in_dim3A_661 : vector<16xf32>
        %swap3A_687 = arith.index_cast %add3A_658 : i32 to index
        %swap3A_688 = arith.constant 32 : index
        %swap3A_689 = tpu.vector_load %arg12[%swap3A_687, %swap3A_688] {strides = array<i32>} : memref<128x64xf32, #tpu.memory_space<vmem>>, vector<1x16xf32>,
        %swap3A_690 = vector.shape_cast %swap3A_689 : vector<1x16xf32> to vector<16xf32>
        %swap3A_691 = vector.shape_cast %add3A_686 : vector<16xf32> to vector<1x16xf32>
        tpu.vector_store %arg12[%swap3A_687, %swap3A_688], %swap3A_691 {strides = array<i32>} : memref<128x64xf32, #tpu.memory_space<vmem>>, vector<1x16xf32>,
        %get3A_692 = arith.index_cast %add3A_658 : i32 to index
        %get3A_693 = arith.constant 48 : index
        %get3A_694 = tpu.vector_load %arg10[%get3A_692, %get3A_693] {strides = array<i32>} : memref<128x64xf32, #tpu.memory_space<vmem>>, vector<1x16xf32>,
        %get3A_695 = vector.shape_cast %get3A_694 : vector<1x16xf32> to vector<16xf32>
        %add3A_696 = arith.addf %get3A_695, %broadcast_in_dim3A_661 : vector<16xf32>
        %swap3A_697 = arith.index_cast %add3A_658 : i32 to index
        %swap3A_698 = arith.constant 48 : index
        %swap3A_699 = tpu.vector_load %arg12[%swap3A_697, %swap3A_698] {strides = array<i32>} : memref<128x64xf32, #tpu.memory_space<vmem>>, vector<1x16xf32>,
        %swap3A_700 = vector.shape_cast %swap3A_699 : vector<1x16xf32> to vector<16xf32>
        %swap3A_701 = vector.shape_cast %add3A_696 : vector<16xf32> to vector<1x16xf32>
        tpu.vector_store %arg12[%swap3A_697, %swap3A_698], %swap3A_701 {strides = array<i32>} : memref<128x64xf32, #tpu.memory_space<vmem>>, vector<1x16xf32>,
        %mul3A_702 = arith.constant 16 : i32
        %mul3A_703 = arith.muli %scan3A_89, %mul3A_702 : i32
        %add3A_704 = arith.constant 13 : i32
        %add3A_705 = arith.addi %mul3A_703, %add3A_704 : i32
        %slice3A_706 = vector.extract_strided_slice %get3A_94 {offsets = [13], sizes = [1], strides = [1]} : vector<16xf32> to vector<1xf32>
        %squeeze3A_707 = vector.extract %slice3A_706[0] : f32 from vector<1xf32>
        %broadcast_in_dim3A_708 = vector.broadcast %squeeze3A_707 : f32 to vector<16xf32>
        %get3A_709 = arith.index_cast %add3A_705 : i32 to index
        %get3A_710 = arith.constant 0 : index
        %get3A_711 = tpu.vector_load %arg10[%get3A_709, %get3A_710] {strides = array<i32>} : memref<128x64xf32, #tpu.memory_space<vmem>>, vector<1x16xf32>,
        %get3A_712 = vector.shape_cast %get3A_711 : vector<1x16xf32> to vector<16xf32>
        %add3A_713 = arith.addf %get3A_712, %broadcast_in_dim3A_708 : vector<16xf32>
        %swap3A_714 = arith.index_cast %add3A_705 : i32 to index
        %swap3A_715 = arith.constant 0 : index
        %swap3A_716 = tpu.vector_load %arg12[%swap3A_714, %swap3A_715] {strides = array<i32>} : memref<128x64xf32, #tpu.memory_space<vmem>>, vector<1x16xf32>,
        %swap3A_717 = vector.shape_cast %swap3A_716 : vector<1x16xf32> to vector<16xf32>
        %swap3A_718 = vector.shape_cast %add3A_713 : vector<16xf32> to vector<1x16xf32>
        tpu.vector_store %arg12[%swap3A_714, %swap3A_715], %swap3A_718 {strides = array<i32>} : memref<128x64xf32, #tpu.memory_space<vmem>>, vector<1x16xf32>,
        %get3A_719 = arith.index_cast %add3A_705 : i32 to index
        %get3A_720 = arith.constant 16 : index
        %get3A_721 = tpu.vector_load %arg10[%get3A_719, %get3A_720] {strides = array<i32>} : memref<128x64xf32, #tpu.memory_space<vmem>>, vector<1x16xf32>,
        %get3A_722 = vector.shape_cast %get3A_721 : vector<1x16xf32> to vector<16xf32>
        %add3A_723 = arith.addf %get3A_722, %broadcast_in_dim3A_708 : vector<16xf32>
        %swap3A_724 = arith.index_cast %add3A_705 : i32 to index
        %swap3A_725 = arith.constant 16 : index
        %swap3A_726 = tpu.vector_load %arg12[%swap3A_724, %swap3A_725] {strides = array<i32>} : memref<128x64xf32, #tpu.memory_space<vmem>>, vector<1x16xf32>,
        %swap3A_727 = vector.shape_cast %swap3A_726 : vector<1x16xf32> to vector<16xf32>
        %swap3A_728 = vector.shape_cast %add3A_723 : vector<16xf32> to vector<1x16xf32>
        tpu.vector_store %arg12[%swap3A_724, %swap3A_725], %swap3A_728 {strides = array<i32>} : memref<128x64xf32, #tpu.memory_space<vmem>>, vector<1x16xf32>,
        %get3A_729 = arith.index_cast %add3A_705 : i32 to index
        %get3A_730 = arith.constant 32 : index
        %get3A_731 = tpu.vector_load %arg10[%get3A_729, %get3A_730] {strides = array<i32>} : memref<128x64xf32, #tpu.memory_space<vmem>>, vector<1x16xf32>,
        %get3A_732 = vector.shape_cast %get3A_731 : vector<1x16xf32> to vector<16xf32>
        %add3A_733 = arith.addf %get3A_732, %broadcast_in_dim3A_708 : vector<16xf32>
        %swap3A_734 = arith.index_cast %add3A_705 : i32 to index
        %swap3A_735 = arith.constant 32 : index
        %swap3A_736 = tpu.vector_load %arg12[%swap3A_734, %swap3A_735] {strides = array<i32>} : memref<128x64xf32, #tpu.memory_space<vmem>>, vector<1x16xf32>,
        %swap3A_737 = vector.shape_cast %swap3A_736 : vector<1x16xf32> to vector<16xf32>
        %swap3A_738 = vector.shape_cast %add3A_733 : vector<16xf32> to vector<1x16xf32>
        tpu.vector_store %arg12[%swap3A_734, %swap3A_735], %swap3A_738 {strides = array<i32>} : memref<128x64xf32, #tpu.memory_space<vmem>>, vector<1x16xf32>,
        %get3A_739 = arith.index_cast %add3A_705 : i32 to index
        %get3A_740 = arith.constant 48 : index
        %get3A_741 = tpu.vector_load %arg10[%get3A_739, %get3A_740] {strides = array<i32>} : memref<128x64xf32, #tpu.memory_space<vmem>>, vector<1x16xf32>,
        %get3A_742 = vector.shape_cast %get3A_741 : vector<1x16xf32> to vector<16xf32>
        %add3A_743 = arith.addf %get3A_742, %broadcast_in_dim3A_708 : vector<16xf32>
        %swap3A_744 = arith.index_cast %add3A_705 : i32 to index
        %swap3A_745 = arith.constant 48 : index
        %swap3A_746 = tpu.vector_load %arg12[%swap3A_744, %swap3A_745] {strides = array<i32>} : memref<128x64xf32, #tpu.memory_space<vmem>>, vector<1x16xf32>,
        %swap3A_747 = vector.shape_cast %swap3A_746 : vector<1x16xf32> to vector<16xf32>
        %swap3A_748 = vector.shape_cast %add3A_743 : vector<16xf32> to vector<1x16xf32>
        tpu.vector_store %arg12[%swap3A_744, %swap3A_745], %swap3A_748 {strides = array<i32>} : memref<128x64xf32, #tpu.memory_space<vmem>>, vector<1x16xf32>,
        %mul3A_749 = arith.constant 16 : i32
        %mul3A_750 = arith.muli %scan3A_89, %mul3A_749 : i32
        %add3A_751 = arith.constant 14 : i32
        %add3A_752 = arith.addi %mul3A_750, %add3A_751 : i32
        %slice3A_753 = vector.extract_strided_slice %get3A_94 {offsets = [14], sizes = [1], strides = [1]} : vector<16xf32> to vector<1xf32>
        %squeeze3A_754 = vector.extract %slice3A_753[0] : f32 from vector<1xf32>
        %broadcast_in_dim3A_755 = vector.broadcast %squeeze3A_754 : f32 to vector<16xf32>
        %get3A_756 = arith.index_cast %add3A_752 : i32 to index
        %get3A_757 = arith.constant 0 : index
        %get3A_758 = tpu.vector_load %arg10[%get3A_756, %get3A_757] {strides = array<i32>} : memref<128x64xf32, #tpu.memory_space<vmem>>, vector<1x16xf32>,
        %get3A_759 = vector.shape_cast %get3A_758 : vector<1x16xf32> to vector<16xf32>
        %add3A_760 = arith.addf %get3A_759, %broadcast_in_dim3A_755 : vector<16xf32>
        %swap3A_761 = arith.index_cast %add3A_752 : i32 to index
        %swap3A_762 = arith.constant 0 : index
        %swap3A_763 = tpu.vector_load %arg12[%swap3A_761, %swap3A_762] {strides = array<i32>} : memref<128x64xf32, #tpu.memory_space<vmem>>, vector<1x16xf32>,
        %swap3A_764 = vector.shape_cast %swap3A_763 : vector<1x16xf32> to vector<16xf32>
        %swap3A_765 = vector.shape_cast %add3A_760 : vector<16xf32> to vector<1x16xf32>
        tpu.vector_store %arg12[%swap3A_761, %swap3A_762], %swap3A_765 {strides = array<i32>} : memref<128x64xf32, #tpu.memory_space<vmem>>, vector<1x16xf32>,
        %get3A_766 = arith.index_cast %add3A_752 : i32 to index
        %get3A_767 = arith.constant 16 : index
        %get3A_768 = tpu.vector_load %arg10[%get3A_766, %get3A_767] {strides = array<i32>} : memref<128x64xf32, #tpu.memory_space<vmem>>, vector<1x16xf32>,
        %get3A_769 = vector.shape_cast %get3A_768 : vector<1x16xf32> to vector<16xf32>
        %add3A_770 = arith.addf %get3A_769, %broadcast_in_dim3A_755 : vector<16xf32>
        %swap3A_771 = arith.index_cast %add3A_752 : i32 to index
        %swap3A_772 = arith.constant 16 : index
        %swap3A_773 = tpu.vector_load %arg12[%swap3A_771, %swap3A_772] {strides = array<i32>} : memref<128x64xf32, #tpu.memory_space<vmem>>, vector<1x16xf32>,
        %swap3A_774 = vector.shape_cast %swap3A_773 : vector<1x16xf32> to vector<16xf32>
        %swap3A_775 = vector.shape_cast %add3A_770 : vector<16xf32> to vector<1x16xf32>
        tpu.vector_store %arg12[%swap3A_771, %swap3A_772], %swap3A_775 {strides = array<i32>} : memref<128x64xf32, #tpu.memory_space<vmem>>, vector<1x16xf32>,
        %get3A_776 = arith.index_cast %add3A_752 : i32 to index
        %get3A_777 = arith.constant 32 : index
        %get3A_778 = tpu.vector_load %arg10[%get3A_776, %get3A_777] {strides = array<i32>} : memref<128x64xf32, #tpu.memory_space<vmem>>, vector<1x16xf32>,
        %get3A_779 = vector.shape_cast %get3A_778 : vector<1x16xf32> to vector<16xf32>
        %add3A_780 = arith.addf %get3A_779, %broadcast_in_dim3A_755 : vector<16xf32>
        %swap3A_781 = arith.index_cast %add3A_752 : i32 to index
        %swap3A_782 = arith.constant 32 : index
        %swap3A_783 = tpu.vector_load %arg12[%swap3A_781, %swap3A_782] {strides = array<i32>} : memref<128x64xf32, #tpu.memory_space<vmem>>, vector<1x16xf32>,
        %swap3A_784 = vector.shape_cast %swap3A_783 : vector<1x16xf32> to vector<16xf32>
        %swap3A_785 = vector.shape_cast %add3A_780 : vector<16xf32> to vector<1x16xf32>
        tpu.vector_store %arg12[%swap3A_781, %swap3A_782], %swap3A_785 {strides = array<i32>} : memref<128x64xf32, #tpu.memory_space<vmem>>, vector<1x16xf32>,
        %get3A_786 = arith.index_cast %add3A_752 : i32 to index
        %get3A_787 = arith.constant 48 : index
        %get3A_788 = tpu.vector_load %arg10[%get3A_786, %get3A_787] {strides = array<i32>} : memref<128x64xf32, #tpu.memory_space<vmem>>, vector<1x16xf32>,
        %get3A_789 = vector.shape_cast %get3A_788 : vector<1x16xf32> to vector<16xf32>
        %add3A_790 = arith.addf %get3A_789, %broadcast_in_dim3A_755 : vector<16xf32>
        %swap3A_791 = arith.index_cast %add3A_752 : i32 to index
        %swap3A_792 = arith.constant 48 : index
        %swap3A_793 = tpu.vector_load %arg12[%swap3A_791, %swap3A_792] {strides = array<i32>} : memref<128x64xf32, #tpu.memory_space<vmem>>, vector<1x16xf32>,
        %swap3A_794 = vector.shape_cast %swap3A_793 : vector<1x16xf32> to vector<16xf32>
        %swap3A_795 = vector.shape_cast %add3A_790 : vector<16xf32> to vector<1x16xf32>
        tpu.vector_store %arg12[%swap3A_791, %swap3A_792], %swap3A_795 {strides = array<i32>} : memref<128x64xf32, #tpu.memory_space<vmem>>, vector<1x16xf32>,
        %mul3A_796 = arith.constant 16 : i32
        %mul3A_797 = arith.muli %scan3A_89, %mul3A_796 : i32
        %add3A_798 = arith.constant 15 : i32
        %add3A_799 = arith.addi %mul3A_797, %add3A_798 : i32
        %slice3A_800 = vector.extract_strided_slice %get3A_94 {offsets = [15], sizes = [1], strides = [1]} : vector<16xf32> to vector<1xf32>
        %squeeze3A_801 = vector.extract %slice3A_800[0] : f32 from vector<1xf32>
        %broadcast_in_dim3A_802 = vector.broadcast %squeeze3A_801 : f32 to vector<16xf32>
        %get3A_803 = arith.index_cast %add3A_799 : i32 to index
        %get3A_804 = arith.constant 0 : index
        %get3A_805 = tpu.vector_load %arg10[%get3A_803, %get3A_804] {strides = array<i32>} : memref<128x64xf32, #tpu.memory_space<vmem>>, vector<1x16xf32>,
        %get3A_806 = vector.shape_cast %get3A_805 : vector<1x16xf32> to vector<16xf32>
        %add3A_807 = arith.addf %get3A_806, %broadcast_in_dim3A_802 : vector<16xf32>
        %swap3A_808 = arith.index_cast %add3A_799 : i32 to index
        %swap3A_809 = arith.constant 0 : index
        %swap3A_810 = tpu.vector_load %arg12[%swap3A_808, %swap3A_809] {strides = array<i32>} : memref<128x64xf32, #tpu.memory_space<vmem>>, vector<1x16xf32>,
        %swap3A_811 = vector.shape_cast %swap3A_810 : vector<1x16xf32> to vector<16xf32>
        %swap3A_812 = vector.shape_cast %add3A_807 : vector<16xf32> to vector<1x16xf32>
        tpu.vector_store %arg12[%swap3A_808, %swap3A_809], %swap3A_812 {strides = array<i32>} : memref<128x64xf32, #tpu.memory_space<vmem>>, vector<1x16xf32>,
        %get3A_813 = arith.index_cast %add3A_799 : i32 to index
        %get3A_814 = arith.constant 16 : index
        %get3A_815 = tpu.vector_load %arg10[%get3A_813, %get3A_814] {strides = array<i32>} : memref<128x64xf32, #tpu.memory_space<vmem>>, vector<1x16xf32>,
        %get3A_816 = vector.shape_cast %get3A_815 : vector<1x16xf32> to vector<16xf32>
        %add3A_817 = arith.addf %get3A_816, %broadcast_in_dim3A_802 : vector<16xf32>
        %swap3A_818 = arith.index_cast %add3A_799 : i32 to index
        %swap3A_819 = arith.constant 16 : index
        %swap3A_820 = tpu.vector_load %arg12[%swap3A_818, %swap3A_819] {strides = array<i32>} : memref<128x64xf32, #tpu.memory_space<vmem>>, vector<1x16xf32>,
        %swap3A_821 = vector.shape_cast %swap3A_820 : vector<1x16xf32> to vector<16xf32>
        %swap3A_822 = vector.shape_cast %add3A_817 : vector<16xf32> to vector<1x16xf32>
        tpu.vector_store %arg12[%swap3A_818, %swap3A_819], %swap3A_822 {strides = array<i32>} : memref<128x64xf32, #tpu.memory_space<vmem>>, vector<1x16xf32>,
        %get3A_823 = arith.index_cast %add3A_799 : i32 to index
        %get3A_824 = arith.constant 32 : index
        %get3A_825 = tpu.vector_load %arg10[%get3A_823, %get3A_824] {strides = array<i32>} : memref<128x64xf32, #tpu.memory_space<vmem>>, vector<1x16xf32>,
        %get3A_826 = vector.shape_cast %get3A_825 : vector<1x16xf32> to vector<16xf32>
        %add3A_827 = arith.addf %get3A_826, %broadcast_in_dim3A_802 : vector<16xf32>
        %swap3A_828 = arith.index_cast %add3A_799 : i32 to index
        %swap3A_829 = arith.constant 32 : index
        %swap3A_830 = tpu.vector_load %arg12[%swap3A_828, %swap3A_829] {strides = array<i32>} : memref<128x64xf32, #tpu.memory_space<vmem>>, vector<1x16xf32>,
        %swap3A_831 = vector.shape_cast %swap3A_830 : vector<1x16xf32> to vector<16xf32>
        %swap3A_832 = vector.shape_cast %add3A_827 : vector<16xf32> to vector<1x16xf32>
        tpu.vector_store %arg12[%swap3A_828, %swap3A_829], %swap3A_832 {strides = array<i32>} : memref<128x64xf32, #tpu.memory_space<vmem>>, vector<1x16xf32>,
        %get3A_833 = arith.index_cast %add3A_799 : i32 to index
        %get3A_834 = arith.constant 48 : index
        %get3A_835 = tpu.vector_load %arg10[%get3A_833, %get3A_834] {strides = array<i32>} : memref<128x64xf32, #tpu.memory_space<vmem>>, vector<1x16xf32>,
        %get3A_836 = vector.shape_cast %get3A_835 : vector<1x16xf32> to vector<16xf32>
        %add3A_837 = arith.addf %get3A_836, %broadcast_in_dim3A_802 : vector<16xf32>
        %swap3A_838 = arith.index_cast %add3A_799 : i32 to index
        %swap3A_839 = arith.constant 48 : index
        %swap3A_840 = tpu.vector_load %arg12[%swap3A_838, %swap3A_839] {strides = array<i32>} : memref<128x64xf32, #tpu.memory_space<vmem>>, vector<1x16xf32>,
        %swap3A_841 = vector.shape_cast %swap3A_840 : vector<1x16xf32> to vector<16xf32>
        %swap3A_842 = vector.shape_cast %add3A_837 : vector<16xf32> to vector<1x16xf32>
        tpu.vector_store %arg12[%swap3A_838, %swap3A_839], %swap3A_842 {strides = array<i32>} : memref<128x64xf32, #tpu.memory_space<vmem>>, vector<1x16xf32>,
        %scan3A_843 = arith.constant 0 : i32
        scf.yield %scan3A_843 : i32
      }
      %scan3A_47 = arith.constant 8 : i32
      %mul3A_48 = arith.constant 128 : i32
      %mul3A_49 = arith.muli %mul3A_29, %mul3A_48 : i32
      %add3A_50 = arith.addi %mul3A_2, %mul3A_49 : i32
      %dma_start3A_51 = arith.constant 0 : i32
      %dma_start3A_52 = tpu.memref_slice %arg5[%add3A_50, %dma_start3A_51] : memref<425984x64xf32, #tpu.memory_space<hbm>> -> memref<128x64xf32, #tpu.memory_space<hbm>>
      %dma_start3A_53 = arith.constant 0 : i32
      %dma_start3A_54 = tpu.memref_slice %arg5[%add3A_50, %dma_start3A_53] : memref<425984x64xf32, #tpu.memory_space<hbm>> -> memref<128x64xf32, #tpu.memory_space<hbm>>
      tpu.enqueue_dma source(%arg12 : memref<128x64xf32, #tpu.memory_space<vmem>>) target(%dma_start3A_54 : memref<128x64xf32, #tpu.memory_space<hbm>>) target_semaphore(%arg16 : memref<!tpu.dma_semaphore, #tpu.memory_space<semaphore_mem>>)
      %mul3A_55 = arith.constant 2 : i32
      %mul3A_56 = arith.muli %mul3A_55, %scan3A_26 : i32
      %add3A_57 = arith.constant 1 : i32
      %add3A_58 = arith.addi %mul3A_56, %add3A_57 : i32
      %lt3A_59 = arith.constant 103 : i32
      %lt3A_60 = arith.cmpi slt, %add3A_58, %lt3A_59 : i32
      %convert_element_type3A_61 = arith.extui %lt3A_60 : i1 to i32
      %cond3A_62 = arith.constant 0 : i32
      %cond3A_63 = arith.cmpi ne, %convert_element_type3A_61, %cond3A_62 : i32
      scf.if %cond3A_63 {
        %add3A_89 = arith.constant 1 : i32
        %add3A_90 = arith.addi %add3A_58, %add3A_89 : i32
        %mul3A_91 = arith.constant 128 : i32
        %mul3A_92 = arith.muli %add3A_90, %mul3A_91 : i32
        %add3A_93 = arith.addi %mul3A_2, %mul3A_92 : i32
        "tpu.region"() ({
          %run_scoped3A = tpu.sem_alloc : memref<!tpu.dma_semaphore, #tpu.memory_space<semaphore_mem>>
          %dma_start3A_99 = tpu.memref_slice %arg2[%add3A_93] : memref<425984xi32, #tpu.memory_space<hbm>> -> memref<128xi32, #tpu.memory_space<hbm>>
          %dma_start3A_100 = tpu.memref_slice %arg2[%add3A_93] : memref<425984xi32, #tpu.memory_space<hbm>> -> memref<128xi32, #tpu.memory_space<hbm>>
          tpu.enqueue_dma source(%dma_start3A_100 : memref<128xi32, #tpu.memory_space<hbm>>) target(%arg6 : memref<128xi32, #tpu.memory_space<vmem>>) target_semaphore(%run_scoped3A : memref<!tpu.dma_semaphore, #tpu.memory_space<semaphore_mem>>)
          %dma_wait3A_101 = tpu.memref_slice %arg2[%add3A_93] : memref<425984xi32, #tpu.memory_space<hbm>> -> memref<128xi32, #tpu.memory_space<hbm>>
          %dma_wait3A_102 = tpu.memref_slice %arg2[%add3A_93] : memref<425984xi32, #tpu.memory_space<hbm>> -> memref<128xi32, #tpu.memory_space<hbm>>
          tpu.wait_dma2 semaphore(%run_scoped3A : memref<!tpu.dma_semaphore, #tpu.memory_space<semaphore_mem>>) src(%dma_wait3A_102 : memref<128xi32, #tpu.memory_space<hbm>>) dst(%arg6 : memref<128xi32, #tpu.memory_space<vmem>>)
          tpu.yield
        }) : () -> ()
        %dma_start3A_94 = arith.constant 0 : i32
        %dma_start3A_95 = arith.constant 0 : i32
        %dma_start3A_96 = tpu.memref_slice %arg3[%dma_start3A_94, %dma_start3A_95] : memref<1000000x64xf32, #tpu.memory_space<hbm>> -> memref<1000000x64xf32, #tpu.memory_space<hbm>>
        tpu.enqueue_indirect_dma source(%dma_start3A_96 : memref<1000000x64xf32, #tpu.memory_space<hbm>>) target(%arg10 : memref<128x64xf32, #tpu.memory_space<vmem>>) offsets(%arg6 : memref<128xi32, #tpu.memory_space<vmem>>) semaphore(%arg14 : memref<!tpu.dma_semaphore, #tpu.memory_space<semaphore_mem>>)
        %dma_start3A_97 = arith.constant 0 : i32
        %dma_start3A_98 = tpu.memref_slice %arg4[%dma_start3A_97] : memref<1000000xf32, #tpu.memory_space<hbm>> -> memref<1000000xf32, #tpu.memory_space<hbm>>
        tpu.enqueue_indirect_dma source(%dma_start3A_98 : memref<1000000xf32, #tpu.memory_space<hbm>>) target(%arg8 : memref<128xf32, #tpu.memory_space<vmem>>) offsets(%arg6 : memref<128xi32, #tpu.memory_space<vmem>>) semaphore(%arg14 : memref<!tpu.dma_semaphore, #tpu.memory_space<semaphore_mem>>)
      } else {
      }
      %dma_wait3A_64 = arith.constant 0 : i32
      %dma_wait3A_65 = arith.constant 0 : i32
      %dma_wait3A_66 = tpu.memref_slice %arg3[%dma_wait3A_64, %dma_wait3A_65] : memref<1000000x64xf32, #tpu.memory_space<hbm>> -> memref<1000000x64xf32, #tpu.memory_space<hbm>>
      tpu.wait_indirect_dma semaphore(%arg15 : memref<!tpu.dma_semaphore, #tpu.memory_space<semaphore_mem>>) src(%dma_wait3A_66 : memref<1000000x64xf32, #tpu.memory_space<hbm>>) dst(%arg11 : memref<128x64xf32, #tpu.memory_space<vmem>>)
      %dma_wait3A_67 = arith.constant 0 : i32
      %dma_wait3A_68 = tpu.memref_slice %arg4[%dma_wait3A_67] : memref<1000000xf32, #tpu.memory_space<hbm>> -> memref<1000000xf32, #tpu.memory_space<hbm>>
      tpu.wait_indirect_dma semaphore(%arg15 : memref<!tpu.dma_semaphore, #tpu.memory_space<semaphore_mem>>) src(%dma_wait3A_68 : memref<1000000xf32, #tpu.memory_space<hbm>>) dst(%arg9 : memref<128xf32, #tpu.memory_space<vmem>>)
      %ge3A_69 = arith.constant 2 : i32
      %ge3A_70 = arith.cmpi sge, %add3A_58, %ge3A_69 : i32
      %convert_element_type3A_71 = arith.extui %ge3A_70 : i1 to i32
      %cond3A_72 = arith.constant 0 : i32
      %cond3A_73 = arith.cmpi ne, %convert_element_type3A_71, %cond3A_72 : i32
      scf.if %cond3A_73 {
        %sub3A = arith.constant 2 : i32
        %sub3A_89 = arith.subi %add3A_58, %sub3A : i32
        %mul3A_90 = arith.constant 128 : i32
        %mul3A_91 = arith.muli %sub3A_89, %mul3A_90 : i32
        %add3A_92 = arith.addi %mul3A_2, %mul3A_91 : i32
        %dma_wait3A_93 = arith.constant 0 : i32
        %dma_wait3A_94 = tpu.memref_slice %arg5[%add3A_92, %dma_wait3A_93] : memref<425984x64xf32, #tpu.memory_space<hbm>> -> memref<128x64xf32, #tpu.memory_space<hbm>>
        %dma_wait3A_95 = arith.constant 0 : i32
        %dma_wait3A_96 = tpu.memref_slice %arg5[%add3A_92, %dma_wait3A_95] : memref<425984x64xf32, #tpu.memory_space<hbm>> -> memref<128x64xf32, #tpu.memory_space<hbm>>
        tpu.wait_dma2 semaphore(%arg17 : memref<!tpu.dma_semaphore, #tpu.memory_space<semaphore_mem>>) src(%arg13 : memref<128x64xf32, #tpu.memory_space<vmem>>) dst(%dma_wait3A_96 : memref<128x64xf32, #tpu.memory_space<hbm>>)
      } else {
      }
      %scan3A_74 = arith.constant 0 : i32
      %scan3A_75 = arith.constant 0 : i32
      %scan3A_76 = arith.constant 8 : i32
      %scan3A_77 = arith.addi %scan3A_75, %scan3A_76 : i32
      %scan3A_78 = arith.constant 1 : i32
      %scan3A_79 = scf.for %scan3A_89 = %scan3A_75 to %scan3A_77 step %scan3A_78 iter_args(%scan3A_90 = %scan3A_74) -> (i32)  : i32 {
        %mul3A_91 = arith.constant 16 : i32
        %mul3A_92 = arith.muli %scan3A_89, %mul3A_91 : i32
        %get3A = arith.index_cast %mul3A_92 : i32 to index
        %get3A_93 = tpu.vector_load %arg9[%get3A] {strides = array<i32>} : memref<128xf32, #tpu.memory_space<vmem>>, vector<16xf32>,
        %get3A_94 = vector.shape_cast %get3A_93 : vector<16xf32> to vector<16xf32>
        %mul3A_95 = arith.constant 16 : i32
        %mul3A_96 = arith.muli %scan3A_89, %mul3A_95 : i32
        %add3A_97 = arith.constant 0 : i32
        %add3A_98 = arith.addi %mul3A_96, %add3A_97 : i32
        %slice3A = vector.extract_strided_slice %get3A_94 {offsets = [0], sizes = [1], strides = [1]} : vector<16xf32> to vector<1xf32>
        %squeeze3A = vector.extract %slice3A[0] : f32 from vector<1xf32>
        %broadcast_in_dim3A = vector.broadcast %squeeze3A : f32 to vector<16xf32>
        %get3A_99 = arith.index_cast %add3A_98 : i32 to index
        %get3A_100 = arith.constant 0 : index
        %get3A_101 = tpu.vector_load %arg11[%get3A_99, %get3A_100] {strides = array<i32>} : memref<128x64xf32, #tpu.memory_space<vmem>>, vector<1x16xf32>,
        %get3A_102 = vector.shape_cast %get3A_101 : vector<1x16xf32> to vector<16xf32>
        %add3A_103 = arith.addf %get3A_102, %broadcast_in_dim3A : vector<16xf32>
        %swap3A = arith.index_cast %add3A_98 : i32 to index
        %swap3A_104 = arith.constant 0 : index
        %swap3A_105 = tpu.vector_load %arg13[%swap3A, %swap3A_104] {strides = array<i32>} : memref<128x64xf32, #tpu.memory_space<vmem>>, vector<1x16xf32>,
        %swap3A_106 = vector.shape_cast %swap3A_105 : vector<1x16xf32> to vector<16xf32>
        %swap3A_107 = vector.shape_cast %add3A_103 : vector<16xf32> to vector<1x16xf32>
        tpu.vector_store %arg13[%swap3A, %swap3A_104], %swap3A_107 {strides = array<i32>} : memref<128x64xf32, #tpu.memory_space<vmem>>, vector<1x16xf32>,
        %get3A_108 = arith.index_cast %add3A_98 : i32 to index
        %get3A_109 = arith.constant 16 : index
        %get3A_110 = tpu.vector_load %arg11[%get3A_108, %get3A_109] {strides = array<i32>} : memref<128x64xf32, #tpu.memory_space<vmem>>, vector<1x16xf32>,
        %get3A_111 = vector.shape_cast %get3A_110 : vector<1x16xf32> to vector<16xf32>
        %add3A_112 = arith.addf %get3A_111, %broadcast_in_dim3A : vector<16xf32>
        %swap3A_113 = arith.index_cast %add3A_98 : i32 to index
        %swap3A_114 = arith.constant 16 : index
        %swap3A_115 = tpu.vector_load %arg13[%swap3A_113, %swap3A_114] {strides = array<i32>} : memref<128x64xf32, #tpu.memory_space<vmem>>, vector<1x16xf32>,
        %swap3A_116 = vector.shape_cast %swap3A_115 : vector<1x16xf32> to vector<16xf32>
        %swap3A_117 = vector.shape_cast %add3A_112 : vector<16xf32> to vector<1x16xf32>
        tpu.vector_store %arg13[%swap3A_113, %swap3A_114], %swap3A_117 {strides = array<i32>} : memref<128x64xf32, #tpu.memory_space<vmem>>, vector<1x16xf32>,
        %get3A_118 = arith.index_cast %add3A_98 : i32 to index
        %get3A_119 = arith.constant 32 : index
        %get3A_120 = tpu.vector_load %arg11[%get3A_118, %get3A_119] {strides = array<i32>} : memref<128x64xf32, #tpu.memory_space<vmem>>, vector<1x16xf32>,
        %get3A_121 = vector.shape_cast %get3A_120 : vector<1x16xf32> to vector<16xf32>
        %add3A_122 = arith.addf %get3A_121, %broadcast_in_dim3A : vector<16xf32>
        %swap3A_123 = arith.index_cast %add3A_98 : i32 to index
        %swap3A_124 = arith.constant 32 : index
        %swap3A_125 = tpu.vector_load %arg13[%swap3A_123, %swap3A_124] {strides = array<i32>} : memref<128x64xf32, #tpu.memory_space<vmem>>, vector<1x16xf32>,
        %swap3A_126 = vector.shape_cast %swap3A_125 : vector<1x16xf32> to vector<16xf32>
        %swap3A_127 = vector.shape_cast %add3A_122 : vector<16xf32> to vector<1x16xf32>
        tpu.vector_store %arg13[%swap3A_123, %swap3A_124], %swap3A_127 {strides = array<i32>} : memref<128x64xf32, #tpu.memory_space<vmem>>, vector<1x16xf32>,
        %get3A_128 = arith.index_cast %add3A_98 : i32 to index
        %get3A_129 = arith.constant 48 : index
        %get3A_130 = tpu.vector_load %arg11[%get3A_128, %get3A_129] {strides = array<i32>} : memref<128x64xf32, #tpu.memory_space<vmem>>, vector<1x16xf32>,
        %get3A_131 = vector.shape_cast %get3A_130 : vector<1x16xf32> to vector<16xf32>
        %add3A_132 = arith.addf %get3A_131, %broadcast_in_dim3A : vector<16xf32>
        %swap3A_133 = arith.index_cast %add3A_98 : i32 to index
        %swap3A_134 = arith.constant 48 : index
        %swap3A_135 = tpu.vector_load %arg13[%swap3A_133, %swap3A_134] {strides = array<i32>} : memref<128x64xf32, #tpu.memory_space<vmem>>, vector<1x16xf32>,
        %swap3A_136 = vector.shape_cast %swap3A_135 : vector<1x16xf32> to vector<16xf32>
        %swap3A_137 = vector.shape_cast %add3A_132 : vector<16xf32> to vector<1x16xf32>
        tpu.vector_store %arg13[%swap3A_133, %swap3A_134], %swap3A_137 {strides = array<i32>} : memref<128x64xf32, #tpu.memory_space<vmem>>, vector<1x16xf32>,
        %mul3A_138 = arith.constant 16 : i32
        %mul3A_139 = arith.muli %scan3A_89, %mul3A_138 : i32
        %add3A_140 = arith.constant 1 : i32
        %add3A_141 = arith.addi %mul3A_139, %add3A_140 : i32
        %slice3A_142 = vector.extract_strided_slice %get3A_94 {offsets = [1], sizes = [1], strides = [1]} : vector<16xf32> to vector<1xf32>
        %squeeze3A_143 = vector.extract %slice3A_142[0] : f32 from vector<1xf32>
        %broadcast_in_dim3A_144 = vector.broadcast %squeeze3A_143 : f32 to vector<16xf32>
        %get3A_145 = arith.index_cast %add3A_141 : i32 to index
        %get3A_146 = arith.constant 0 : index
        %get3A_147 = tpu.vector_load %arg11[%get3A_145, %get3A_146] {strides = array<i32>} : memref<128x64xf32, #tpu.memory_space<vmem>>, vector<1x16xf32>,
        %get3A_148 = vector.shape_cast %get3A_147 : vector<1x16xf32> to vector<16xf32>
        %add3A_149 = arith.addf %get3A_148, %broadcast_in_dim3A_144 : vector<16xf32>
        %swap3A_150 = arith.index_cast %add3A_141 : i32 to index
        %swap3A_151 = arith.constant 0 : index
        %swap3A_152 = tpu.vector_load %arg13[%swap3A_150, %swap3A_151] {strides = array<i32>} : memref<128x64xf32, #tpu.memory_space<vmem>>, vector<1x16xf32>,
        %swap3A_153 = vector.shape_cast %swap3A_152 : vector<1x16xf32> to vector<16xf32>
        %swap3A_154 = vector.shape_cast %add3A_149 : vector<16xf32> to vector<1x16xf32>
        tpu.vector_store %arg13[%swap3A_150, %swap3A_151], %swap3A_154 {strides = array<i32>} : memref<128x64xf32, #tpu.memory_space<vmem>>, vector<1x16xf32>,
        %get3A_155 = arith.index_cast %add3A_141 : i32 to index
        %get3A_156 = arith.constant 16 : index
        %get3A_157 = tpu.vector_load %arg11[%get3A_155, %get3A_156] {strides = array<i32>} : memref<128x64xf32, #tpu.memory_space<vmem>>, vector<1x16xf32>,
        %get3A_158 = vector.shape_cast %get3A_157 : vector<1x16xf32> to vector<16xf32>
        %add3A_159 = arith.addf %get3A_158, %broadcast_in_dim3A_144 : vector<16xf32>
        %swap3A_160 = arith.index_cast %add3A_141 : i32 to index
        %swap3A_161 = arith.constant 16 : index
        %swap3A_162 = tpu.vector_load %arg13[%swap3A_160, %swap3A_161] {strides = array<i32>} : memref<128x64xf32, #tpu.memory_space<vmem>>, vector<1x16xf32>,
        %swap3A_163 = vector.shape_cast %swap3A_162 : vector<1x16xf32> to vector<16xf32>
        %swap3A_164 = vector.shape_cast %add3A_159 : vector<16xf32> to vector<1x16xf32>
        tpu.vector_store %arg13[%swap3A_160, %swap3A_161], %swap3A_164 {strides = array<i32>} : memref<128x64xf32, #tpu.memory_space<vmem>>, vector<1x16xf32>,
        %get3A_165 = arith.index_cast %add3A_141 : i32 to index
        %get3A_166 = arith.constant 32 : index
        %get3A_167 = tpu.vector_load %arg11[%get3A_165, %get3A_166] {strides = array<i32>} : memref<128x64xf32, #tpu.memory_space<vmem>>, vector<1x16xf32>,
        %get3A_168 = vector.shape_cast %get3A_167 : vector<1x16xf32> to vector<16xf32>
        %add3A_169 = arith.addf %get3A_168, %broadcast_in_dim3A_144 : vector<16xf32>
        %swap3A_170 = arith.index_cast %add3A_141 : i32 to index
        %swap3A_171 = arith.constant 32 : index
        %swap3A_172 = tpu.vector_load %arg13[%swap3A_170, %swap3A_171] {strides = array<i32>} : memref<128x64xf32, #tpu.memory_space<vmem>>, vector<1x16xf32>,
        %swap3A_173 = vector.shape_cast %swap3A_172 : vector<1x16xf32> to vector<16xf32>
        %swap3A_174 = vector.shape_cast %add3A_169 : vector<16xf32> to vector<1x16xf32>
        tpu.vector_store %arg13[%swap3A_170, %swap3A_171], %swap3A_174 {strides = array<i32>} : memref<128x64xf32, #tpu.memory_space<vmem>>, vector<1x16xf32>,
        %get3A_175 = arith.index_cast %add3A_141 : i32 to index
        %get3A_176 = arith.constant 48 : index
        %get3A_177 = tpu.vector_load %arg11[%get3A_175, %get3A_176] {strides = array<i32>} : memref<128x64xf32, #tpu.memory_space<vmem>>, vector<1x16xf32>,
        %get3A_178 = vector.shape_cast %get3A_177 : vector<1x16xf32> to vector<16xf32>
        %add3A_179 = arith.addf %get3A_178, %broadcast_in_dim3A_144 : vector<16xf32>
        %swap3A_180 = arith.index_cast %add3A_141 : i32 to index
        %swap3A_181 = arith.constant 48 : index
        %swap3A_182 = tpu.vector_load %arg13[%swap3A_180, %swap3A_181] {strides = array<i32>} : memref<128x64xf32, #tpu.memory_space<vmem>>, vector<1x16xf32>,
        %swap3A_183 = vector.shape_cast %swap3A_182 : vector<1x16xf32> to vector<16xf32>
        %swap3A_184 = vector.shape_cast %add3A_179 : vector<16xf32> to vector<1x16xf32>
        tpu.vector_store %arg13[%swap3A_180, %swap3A_181], %swap3A_184 {strides = array<i32>} : memref<128x64xf32, #tpu.memory_space<vmem>>, vector<1x16xf32>,
        %mul3A_185 = arith.constant 16 : i32
        %mul3A_186 = arith.muli %scan3A_89, %mul3A_185 : i32
        %add3A_187 = arith.constant 2 : i32
        %add3A_188 = arith.addi %mul3A_186, %add3A_187 : i32
        %slice3A_189 = vector.extract_strided_slice %get3A_94 {offsets = [2], sizes = [1], strides = [1]} : vector<16xf32> to vector<1xf32>
        %squeeze3A_190 = vector.extract %slice3A_189[0] : f32 from vector<1xf32>
        %broadcast_in_dim3A_191 = vector.broadcast %squeeze3A_190 : f32 to vector<16xf32>
        %get3A_192 = arith.index_cast %add3A_188 : i32 to index
        %get3A_193 = arith.constant 0 : index
        %get3A_194 = tpu.vector_load %arg11[%get3A_192, %get3A_193] {strides = array<i32>} : memref<128x64xf32, #tpu.memory_space<vmem>>, vector<1x16xf32>,
        %get3A_195 = vector.shape_cast %get3A_194 : vector<1x16xf32> to vector<16xf32>
        %add3A_196 = arith.addf %get3A_195, %broadcast_in_dim3A_191 : vector<16xf32>
        %swap3A_197 = arith.index_cast %add3A_188 : i32 to index
        %swap3A_198 = arith.constant 0 : index
        %swap3A_199 = tpu.vector_load %arg13[%swap3A_197, %swap3A_198] {strides = array<i32>} : memref<128x64xf32, #tpu.memory_space<vmem>>, vector<1x16xf32>,
        %swap3A_200 = vector.shape_cast %swap3A_199 : vector<1x16xf32> to vector<16xf32>
        %swap3A_201 = vector.shape_cast %add3A_196 : vector<16xf32> to vector<1x16xf32>
        tpu.vector_store %arg13[%swap3A_197, %swap3A_198], %swap3A_201 {strides = array<i32>} : memref<128x64xf32, #tpu.memory_space<vmem>>, vector<1x16xf32>,
        %get3A_202 = arith.index_cast %add3A_188 : i32 to index
        %get3A_203 = arith.constant 16 : index
        %get3A_204 = tpu.vector_load %arg11[%get3A_202, %get3A_203] {strides = array<i32>} : memref<128x64xf32, #tpu.memory_space<vmem>>, vector<1x16xf32>,
        %get3A_205 = vector.shape_cast %get3A_204 : vector<1x16xf32> to vector<16xf32>
        %add3A_206 = arith.addf %get3A_205, %broadcast_in_dim3A_191 : vector<16xf32>
        %swap3A_207 = arith.index_cast %add3A_188 : i32 to index
        %swap3A_208 = arith.constant 16 : index
        %swap3A_209 = tpu.vector_load %arg13[%swap3A_207, %swap3A_208] {strides = array<i32>} : memref<128x64xf32, #tpu.memory_space<vmem>>, vector<1x16xf32>,
        %swap3A_210 = vector.shape_cast %swap3A_209 : vector<1x16xf32> to vector<16xf32>
        %swap3A_211 = vector.shape_cast %add3A_206 : vector<16xf32> to vector<1x16xf32>
        tpu.vector_store %arg13[%swap3A_207, %swap3A_208], %swap3A_211 {strides = array<i32>} : memref<128x64xf32, #tpu.memory_space<vmem>>, vector<1x16xf32>,
        %get3A_212 = arith.index_cast %add3A_188 : i32 to index
        %get3A_213 = arith.constant 32 : index
        %get3A_214 = tpu.vector_load %arg11[%get3A_212, %get3A_213] {strides = array<i32>} : memref<128x64xf32, #tpu.memory_space<vmem>>, vector<1x16xf32>,
        %get3A_215 = vector.shape_cast %get3A_214 : vector<1x16xf32> to vector<16xf32>
        %add3A_216 = arith.addf %get3A_215, %broadcast_in_dim3A_191 : vector<16xf32>
        %swap3A_217 = arith.index_cast %add3A_188 : i32 to index
        %swap3A_218 = arith.constant 32 : index
        %swap3A_219 = tpu.vector_load %arg13[%swap3A_217, %swap3A_218] {strides = array<i32>} : memref<128x64xf32, #tpu.memory_space<vmem>>, vector<1x16xf32>,
        %swap3A_220 = vector.shape_cast %swap3A_219 : vector<1x16xf32> to vector<16xf32>
        %swap3A_221 = vector.shape_cast %add3A_216 : vector<16xf32> to vector<1x16xf32>
        tpu.vector_store %arg13[%swap3A_217, %swap3A_218], %swap3A_221 {strides = array<i32>} : memref<128x64xf32, #tpu.memory_space<vmem>>, vector<1x16xf32>,
        %get3A_222 = arith.index_cast %add3A_188 : i32 to index
        %get3A_223 = arith.constant 48 : index
        %get3A_224 = tpu.vector_load %arg11[%get3A_222, %get3A_223] {strides = array<i32>} : memref<128x64xf32, #tpu.memory_space<vmem>>, vector<1x16xf32>,
        %get3A_225 = vector.shape_cast %get3A_224 : vector<1x16xf32> to vector<16xf32>
        %add3A_226 = arith.addf %get3A_225, %broadcast_in_dim3A_191 : vector<16xf32>
        %swap3A_227 = arith.index_cast %add3A_188 : i32 to index
        %swap3A_228 = arith.constant 48 : index
        %swap3A_229 = tpu.vector_load %arg13[%swap3A_227, %swap3A_228] {strides = array<i32>} : memref<128x64xf32, #tpu.memory_space<vmem>>, vector<1x16xf32>,
        %swap3A_230 = vector.shape_cast %swap3A_229 : vector<1x16xf32> to vector<16xf32>
        %swap3A_231 = vector.shape_cast %add3A_226 : vector<16xf32> to vector<1x16xf32>
        tpu.vector_store %arg13[%swap3A_227, %swap3A_228], %swap3A_231 {strides = array<i32>} : memref<128x64xf32, #tpu.memory_space<vmem>>, vector<1x16xf32>,
        %mul3A_232 = arith.constant 16 : i32
        %mul3A_233 = arith.muli %scan3A_89, %mul3A_232 : i32
        %add3A_234 = arith.constant 3 : i32
        %add3A_235 = arith.addi %mul3A_233, %add3A_234 : i32
        %slice3A_236 = vector.extract_strided_slice %get3A_94 {offsets = [3], sizes = [1], strides = [1]} : vector<16xf32> to vector<1xf32>
        %squeeze3A_237 = vector.extract %slice3A_236[0] : f32 from vector<1xf32>
        %broadcast_in_dim3A_238 = vector.broadcast %squeeze3A_237 : f32 to vector<16xf32>
        %get3A_239 = arith.index_cast %add3A_235 : i32 to index
        %get3A_240 = arith.constant 0 : index
        %get3A_241 = tpu.vector_load %arg11[%get3A_239, %get3A_240] {strides = array<i32>} : memref<128x64xf32, #tpu.memory_space<vmem>>, vector<1x16xf32>,
        %get3A_242 = vector.shape_cast %get3A_241 : vector<1x16xf32> to vector<16xf32>
        %add3A_243 = arith.addf %get3A_242, %broadcast_in_dim3A_238 : vector<16xf32>
        %swap3A_244 = arith.index_cast %add3A_235 : i32 to index
        %swap3A_245 = arith.constant 0 : index
        %swap3A_246 = tpu.vector_load %arg13[%swap3A_244, %swap3A_245] {strides = array<i32>} : memref<128x64xf32, #tpu.memory_space<vmem>>, vector<1x16xf32>,
        %swap3A_247 = vector.shape_cast %swap3A_246 : vector<1x16xf32> to vector<16xf32>
        %swap3A_248 = vector.shape_cast %add3A_243 : vector<16xf32> to vector<1x16xf32>
        tpu.vector_store %arg13[%swap3A_244, %swap3A_245], %swap3A_248 {strides = array<i32>} : memref<128x64xf32, #tpu.memory_space<vmem>>, vector<1x16xf32>,
        %get3A_249 = arith.index_cast %add3A_235 : i32 to index
        %get3A_250 = arith.constant 16 : index
        %get3A_251 = tpu.vector_load %arg11[%get3A_249, %get3A_250] {strides = array<i32>} : memref<128x64xf32, #tpu.memory_space<vmem>>, vector<1x16xf32>,
        %get3A_252 = vector.shape_cast %get3A_251 : vector<1x16xf32> to vector<16xf32>
        %add3A_253 = arith.addf %get3A_252, %broadcast_in_dim3A_238 : vector<16xf32>
        %swap3A_254 = arith.index_cast %add3A_235 : i32 to index
        %swap3A_255 = arith.constant 16 : index
        %swap3A_256 = tpu.vector_load %arg13[%swap3A_254, %swap3A_255] {strides = array<i32>} : memref<128x64xf32, #tpu.memory_space<vmem>>, vector<1x16xf32>,
        %swap3A_257 = vector.shape_cast %swap3A_256 : vector<1x16xf32> to vector<16xf32>
        %swap3A_258 = vector.shape_cast %add3A_253 : vector<16xf32> to vector<1x16xf32>
        tpu.vector_store %arg13[%swap3A_254, %swap3A_255], %swap3A_258 {strides = array<i32>} : memref<128x64xf32, #tpu.memory_space<vmem>>, vector<1x16xf32>,
        %get3A_259 = arith.index_cast %add3A_235 : i32 to index
        %get3A_260 = arith.constant 32 : index
        %get3A_261 = tpu.vector_load %arg11[%get3A_259, %get3A_260] {strides = array<i32>} : memref<128x64xf32, #tpu.memory_space<vmem>>, vector<1x16xf32>,
        %get3A_262 = vector.shape_cast %get3A_261 : vector<1x16xf32> to vector<16xf32>
        %add3A_263 = arith.addf %get3A_262, %broadcast_in_dim3A_238 : vector<16xf32>
        %swap3A_264 = arith.index_cast %add3A_235 : i32 to index
        %swap3A_265 = arith.constant 32 : index
        %swap3A_266 = tpu.vector_load %arg13[%swap3A_264, %swap3A_265] {strides = array<i32>} : memref<128x64xf32, #tpu.memory_space<vmem>>, vector<1x16xf32>,
        %swap3A_267 = vector.shape_cast %swap3A_266 : vector<1x16xf32> to vector<16xf32>
        %swap3A_268 = vector.shape_cast %add3A_263 : vector<16xf32> to vector<1x16xf32>
        tpu.vector_store %arg13[%swap3A_264, %swap3A_265], %swap3A_268 {strides = array<i32>} : memref<128x64xf32, #tpu.memory_space<vmem>>, vector<1x16xf32>,
        %get3A_269 = arith.index_cast %add3A_235 : i32 to index
        %get3A_270 = arith.constant 48 : index
        %get3A_271 = tpu.vector_load %arg11[%get3A_269, %get3A_270] {strides = array<i32>} : memref<128x64xf32, #tpu.memory_space<vmem>>, vector<1x16xf32>,
        %get3A_272 = vector.shape_cast %get3A_271 : vector<1x16xf32> to vector<16xf32>
        %add3A_273 = arith.addf %get3A_272, %broadcast_in_dim3A_238 : vector<16xf32>
        %swap3A_274 = arith.index_cast %add3A_235 : i32 to index
        %swap3A_275 = arith.constant 48 : index
        %swap3A_276 = tpu.vector_load %arg13[%swap3A_274, %swap3A_275] {strides = array<i32>} : memref<128x64xf32, #tpu.memory_space<vmem>>, vector<1x16xf32>,
        %swap3A_277 = vector.shape_cast %swap3A_276 : vector<1x16xf32> to vector<16xf32>
        %swap3A_278 = vector.shape_cast %add3A_273 : vector<16xf32> to vector<1x16xf32>
        tpu.vector_store %arg13[%swap3A_274, %swap3A_275], %swap3A_278 {strides = array<i32>} : memref<128x64xf32, #tpu.memory_space<vmem>>, vector<1x16xf32>,
        %mul3A_279 = arith.constant 16 : i32
        %mul3A_280 = arith.muli %scan3A_89, %mul3A_279 : i32
        %add3A_281 = arith.constant 4 : i32
        %add3A_282 = arith.addi %mul3A_280, %add3A_281 : i32
        %slice3A_283 = vector.extract_strided_slice %get3A_94 {offsets = [4], sizes = [1], strides = [1]} : vector<16xf32> to vector<1xf32>
        %squeeze3A_284 = vector.extract %slice3A_283[0] : f32 from vector<1xf32>
        %broadcast_in_dim3A_285 = vector.broadcast %squeeze3A_284 : f32 to vector<16xf32>
        %get3A_286 = arith.index_cast %add3A_282 : i32 to index
        %get3A_287 = arith.constant 0 : index
        %get3A_288 = tpu.vector_load %arg11[%get3A_286, %get3A_287] {strides = array<i32>} : memref<128x64xf32, #tpu.memory_space<vmem>>, vector<1x16xf32>,
        %get3A_289 = vector.shape_cast %get3A_288 : vector<1x16xf32> to vector<16xf32>
        %add3A_290 = arith.addf %get3A_289, %broadcast_in_dim3A_285 : vector<16xf32>
        %swap3A_291 = arith.index_cast %add3A_282 : i32 to index
        %swap3A_292 = arith.constant 0 : index
        %swap3A_293 = tpu.vector_load %arg13[%swap3A_291, %swap3A_292] {strides = array<i32>} : memref<128x64xf32, #tpu.memory_space<vmem>>, vector<1x16xf32>,
        %swap3A_294 = vector.shape_cast %swap3A_293 : vector<1x16xf32> to vector<16xf32>
        %swap3A_295 = vector.shape_cast %add3A_290 : vector<16xf32> to vector<1x16xf32>
        tpu.vector_store %arg13[%swap3A_291, %swap3A_292], %swap3A_295 {strides = array<i32>} : memref<128x64xf32, #tpu.memory_space<vmem>>, vector<1x16xf32>,
        %get3A_296 = arith.index_cast %add3A_282 : i32 to index
        %get3A_297 = arith.constant 16 : index
        %get3A_298 = tpu.vector_load %arg11[%get3A_296, %get3A_297] {strides = array<i32>} : memref<128x64xf32, #tpu.memory_space<vmem>>, vector<1x16xf32>,
        %get3A_299 = vector.shape_cast %get3A_298 : vector<1x16xf32> to vector<16xf32>
        %add3A_300 = arith.addf %get3A_299, %broadcast_in_dim3A_285 : vector<16xf32>
        %swap3A_301 = arith.index_cast %add3A_282 : i32 to index
        %swap3A_302 = arith.constant 16 : index
        %swap3A_303 = tpu.vector_load %arg13[%swap3A_301, %swap3A_302] {strides = array<i32>} : memref<128x64xf32, #tpu.memory_space<vmem>>, vector<1x16xf32>,
        %swap3A_304 = vector.shape_cast %swap3A_303 : vector<1x16xf32> to vector<16xf32>
        %swap3A_305 = vector.shape_cast %add3A_300 : vector<16xf32> to vector<1x16xf32>
        tpu.vector_store %arg13[%swap3A_301, %swap3A_302], %swap3A_305 {strides = array<i32>} : memref<128x64xf32, #tpu.memory_space<vmem>>, vector<1x16xf32>,
        %get3A_306 = arith.index_cast %add3A_282 : i32 to index
        %get3A_307 = arith.constant 32 : index
        %get3A_308 = tpu.vector_load %arg11[%get3A_306, %get3A_307] {strides = array<i32>} : memref<128x64xf32, #tpu.memory_space<vmem>>, vector<1x16xf32>,
        %get3A_309 = vector.shape_cast %get3A_308 : vector<1x16xf32> to vector<16xf32>
        %add3A_310 = arith.addf %get3A_309, %broadcast_in_dim3A_285 : vector<16xf32>
        %swap3A_311 = arith.index_cast %add3A_282 : i32 to index
        %swap3A_312 = arith.constant 32 : index
        %swap3A_313 = tpu.vector_load %arg13[%swap3A_311, %swap3A_312] {strides = array<i32>} : memref<128x64xf32, #tpu.memory_space<vmem>>, vector<1x16xf32>,
        %swap3A_314 = vector.shape_cast %swap3A_313 : vector<1x16xf32> to vector<16xf32>
        %swap3A_315 = vector.shape_cast %add3A_310 : vector<16xf32> to vector<1x16xf32>
        tpu.vector_store %arg13[%swap3A_311, %swap3A_312], %swap3A_315 {strides = array<i32>} : memref<128x64xf32, #tpu.memory_space<vmem>>, vector<1x16xf32>,
        %get3A_316 = arith.index_cast %add3A_282 : i32 to index
        %get3A_317 = arith.constant 48 : index
        %get3A_318 = tpu.vector_load %arg11[%get3A_316, %get3A_317] {strides = array<i32>} : memref<128x64xf32, #tpu.memory_space<vmem>>, vector<1x16xf32>,
        %get3A_319 = vector.shape_cast %get3A_318 : vector<1x16xf32> to vector<16xf32>
        %add3A_320 = arith.addf %get3A_319, %broadcast_in_dim3A_285 : vector<16xf32>
        %swap3A_321 = arith.index_cast %add3A_282 : i32 to index
        %swap3A_322 = arith.constant 48 : index
        %swap3A_323 = tpu.vector_load %arg13[%swap3A_321, %swap3A_322] {strides = array<i32>} : memref<128x64xf32, #tpu.memory_space<vmem>>, vector<1x16xf32>,
        %swap3A_324 = vector.shape_cast %swap3A_323 : vector<1x16xf32> to vector<16xf32>
        %swap3A_325 = vector.shape_cast %add3A_320 : vector<16xf32> to vector<1x16xf32>
        tpu.vector_store %arg13[%swap3A_321, %swap3A_322], %swap3A_325 {strides = array<i32>} : memref<128x64xf32, #tpu.memory_space<vmem>>, vector<1x16xf32>,
        %mul3A_326 = arith.constant 16 : i32
        %mul3A_327 = arith.muli %scan3A_89, %mul3A_326 : i32
        %add3A_328 = arith.constant 5 : i32
        %add3A_329 = arith.addi %mul3A_327, %add3A_328 : i32
        %slice3A_330 = vector.extract_strided_slice %get3A_94 {offsets = [5], sizes = [1], strides = [1]} : vector<16xf32> to vector<1xf32>
        %squeeze3A_331 = vector.extract %slice3A_330[0] : f32 from vector<1xf32>
        %broadcast_in_dim3A_332 = vector.broadcast %squeeze3A_331 : f32 to vector<16xf32>
        %get3A_333 = arith.index_cast %add3A_329 : i32 to index
        %get3A_334 = arith.constant 0 : index
        %get3A_335 = tpu.vector_load %arg11[%get3A_333, %get3A_334] {strides = array<i32>} : memref<128x64xf32, #tpu.memory_space<vmem>>, vector<1x16xf32>,
        %get3A_336 = vector.shape_cast %get3A_335 : vector<1x16xf32> to vector<16xf32>
        %add3A_337 = arith.addf %get3A_336, %broadcast_in_dim3A_332 : vector<16xf32>
        %swap3A_338 = arith.index_cast %add3A_329 : i32 to index
        %swap3A_339 = arith.constant 0 : index
        %swap3A_340 = tpu.vector_load %arg13[%swap3A_338, %swap3A_339] {strides = array<i32>} : memref<128x64xf32, #tpu.memory_space<vmem>>, vector<1x16xf32>,
        %swap3A_341 = vector.shape_cast %swap3A_340 : vector<1x16xf32> to vector<16xf32>
        %swap3A_342 = vector.shape_cast %add3A_337 : vector<16xf32> to vector<1x16xf32>
        tpu.vector_store %arg13[%swap3A_338, %swap3A_339], %swap3A_342 {strides = array<i32>} : memref<128x64xf32, #tpu.memory_space<vmem>>, vector<1x16xf32>,
        %get3A_343 = arith.index_cast %add3A_329 : i32 to index
        %get3A_344 = arith.constant 16 : index
        %get3A_345 = tpu.vector_load %arg11[%get3A_343, %get3A_344] {strides = array<i32>} : memref<128x64xf32, #tpu.memory_space<vmem>>, vector<1x16xf32>,
        %get3A_346 = vector.shape_cast %get3A_345 : vector<1x16xf32> to vector<16xf32>
        %add3A_347 = arith.addf %get3A_346, %broadcast_in_dim3A_332 : vector<16xf32>
        %swap3A_348 = arith.index_cast %add3A_329 : i32 to index
        %swap3A_349 = arith.constant 16 : index
        %swap3A_350 = tpu.vector_load %arg13[%swap3A_348, %swap3A_349] {strides = array<i32>} : memref<128x64xf32, #tpu.memory_space<vmem>>, vector<1x16xf32>,
        %swap3A_351 = vector.shape_cast %swap3A_350 : vector<1x16xf32> to vector<16xf32>
        %swap3A_352 = vector.shape_cast %add3A_347 : vector<16xf32> to vector<1x16xf32>
        tpu.vector_store %arg13[%swap3A_348, %swap3A_349], %swap3A_352 {strides = array<i32>} : memref<128x64xf32, #tpu.memory_space<vmem>>, vector<1x16xf32>,
        %get3A_353 = arith.index_cast %add3A_329 : i32 to index
        %get3A_354 = arith.constant 32 : index
        %get3A_355 = tpu.vector_load %arg11[%get3A_353, %get3A_354] {strides = array<i32>} : memref<128x64xf32, #tpu.memory_space<vmem>>, vector<1x16xf32>,
        %get3A_356 = vector.shape_cast %get3A_355 : vector<1x16xf32> to vector<16xf32>
        %add3A_357 = arith.addf %get3A_356, %broadcast_in_dim3A_332 : vector<16xf32>
        %swap3A_358 = arith.index_cast %add3A_329 : i32 to index
        %swap3A_359 = arith.constant 32 : index
        %swap3A_360 = tpu.vector_load %arg13[%swap3A_358, %swap3A_359] {strides = array<i32>} : memref<128x64xf32, #tpu.memory_space<vmem>>, vector<1x16xf32>,
        %swap3A_361 = vector.shape_cast %swap3A_360 : vector<1x16xf32> to vector<16xf32>
        %swap3A_362 = vector.shape_cast %add3A_357 : vector<16xf32> to vector<1x16xf32>
        tpu.vector_store %arg13[%swap3A_358, %swap3A_359], %swap3A_362 {strides = array<i32>} : memref<128x64xf32, #tpu.memory_space<vmem>>, vector<1x16xf32>,
        %get3A_363 = arith.index_cast %add3A_329 : i32 to index
        %get3A_364 = arith.constant 48 : index
        %get3A_365 = tpu.vector_load %arg11[%get3A_363, %get3A_364] {strides = array<i32>} : memref<128x64xf32, #tpu.memory_space<vmem>>, vector<1x16xf32>,
        %get3A_366 = vector.shape_cast %get3A_365 : vector<1x16xf32> to vector<16xf32>
        %add3A_367 = arith.addf %get3A_366, %broadcast_in_dim3A_332 : vector<16xf32>
        %swap3A_368 = arith.index_cast %add3A_329 : i32 to index
        %swap3A_369 = arith.constant 48 : index
        %swap3A_370 = tpu.vector_load %arg13[%swap3A_368, %swap3A_369] {strides = array<i32>} : memref<128x64xf32, #tpu.memory_space<vmem>>, vector<1x16xf32>,
        %swap3A_371 = vector.shape_cast %swap3A_370 : vector<1x16xf32> to vector<16xf32>
        %swap3A_372 = vector.shape_cast %add3A_367 : vector<16xf32> to vector<1x16xf32>
        tpu.vector_store %arg13[%swap3A_368, %swap3A_369], %swap3A_372 {strides = array<i32>} : memref<128x64xf32, #tpu.memory_space<vmem>>, vector<1x16xf32>,
        %mul3A_373 = arith.constant 16 : i32
        %mul3A_374 = arith.muli %scan3A_89, %mul3A_373 : i32
        %add3A_375 = arith.constant 6 : i32
        %add3A_376 = arith.addi %mul3A_374, %add3A_375 : i32
        %slice3A_377 = vector.extract_strided_slice %get3A_94 {offsets = [6], sizes = [1], strides = [1]} : vector<16xf32> to vector<1xf32>
        %squeeze3A_378 = vector.extract %slice3A_377[0] : f32 from vector<1xf32>
        %broadcast_in_dim3A_379 = vector.broadcast %squeeze3A_378 : f32 to vector<16xf32>
        %get3A_380 = arith.index_cast %add3A_376 : i32 to index
        %get3A_381 = arith.constant 0 : index
        %get3A_382 = tpu.vector_load %arg11[%get3A_380, %get3A_381] {strides = array<i32>} : memref<128x64xf32, #tpu.memory_space<vmem>>, vector<1x16xf32>,
        %get3A_383 = vector.shape_cast %get3A_382 : vector<1x16xf32> to vector<16xf32>
        %add3A_384 = arith.addf %get3A_383, %broadcast_in_dim3A_379 : vector<16xf32>
        %swap3A_385 = arith.index_cast %add3A_376 : i32 to index
        %swap3A_386 = arith.constant 0 : index
        %swap3A_387 = tpu.vector_load %arg13[%swap3A_385, %swap3A_386] {strides = array<i32>} : memref<128x64xf32, #tpu.memory_space<vmem>>, vector<1x16xf32>,
        %swap3A_388 = vector.shape_cast %swap3A_387 : vector<1x16xf32> to vector<16xf32>
        %swap3A_389 = vector.shape_cast %add3A_384 : vector<16xf32> to vector<1x16xf32>
        tpu.vector_store %arg13[%swap3A_385, %swap3A_386], %swap3A_389 {strides = array<i32>} : memref<128x64xf32, #tpu.memory_space<vmem>>, vector<1x16xf32>,
        %get3A_390 = arith.index_cast %add3A_376 : i32 to index
        %get3A_391 = arith.constant 16 : index
        %get3A_392 = tpu.vector_load %arg11[%get3A_390, %get3A_391] {strides = array<i32>} : memref<128x64xf32, #tpu.memory_space<vmem>>, vector<1x16xf32>,
        %get3A_393 = vector.shape_cast %get3A_392 : vector<1x16xf32> to vector<16xf32>
        %add3A_394 = arith.addf %get3A_393, %broadcast_in_dim3A_379 : vector<16xf32>
        %swap3A_395 = arith.index_cast %add3A_376 : i32 to index
        %swap3A_396 = arith.constant 16 : index
        %swap3A_397 = tpu.vector_load %arg13[%swap3A_395, %swap3A_396] {strides = array<i32>} : memref<128x64xf32, #tpu.memory_space<vmem>>, vector<1x16xf32>,
        %swap3A_398 = vector.shape_cast %swap3A_397 : vector<1x16xf32> to vector<16xf32>
        %swap3A_399 = vector.shape_cast %add3A_394 : vector<16xf32> to vector<1x16xf32>
        tpu.vector_store %arg13[%swap3A_395, %swap3A_396], %swap3A_399 {strides = array<i32>} : memref<128x64xf32, #tpu.memory_space<vmem>>, vector<1x16xf32>,
        %get3A_400 = arith.index_cast %add3A_376 : i32 to index
        %get3A_401 = arith.constant 32 : index
        %get3A_402 = tpu.vector_load %arg11[%get3A_400, %get3A_401] {strides = array<i32>} : memref<128x64xf32, #tpu.memory_space<vmem>>, vector<1x16xf32>,
        %get3A_403 = vector.shape_cast %get3A_402 : vector<1x16xf32> to vector<16xf32>
        %add3A_404 = arith.addf %get3A_403, %broadcast_in_dim3A_379 : vector<16xf32>
        %swap3A_405 = arith.index_cast %add3A_376 : i32 to index
        %swap3A_406 = arith.constant 32 : index
        %swap3A_407 = tpu.vector_load %arg13[%swap3A_405, %swap3A_406] {strides = array<i32>} : memref<128x64xf32, #tpu.memory_space<vmem>>, vector<1x16xf32>,
        %swap3A_408 = vector.shape_cast %swap3A_407 : vector<1x16xf32> to vector<16xf32>
        %swap3A_409 = vector.shape_cast %add3A_404 : vector<16xf32> to vector<1x16xf32>
        tpu.vector_store %arg13[%swap3A_405, %swap3A_406], %swap3A_409 {strides = array<i32>} : memref<128x64xf32, #tpu.memory_space<vmem>>, vector<1x16xf32>,
        %get3A_410 = arith.index_cast %add3A_376 : i32 to index
        %get3A_411 = arith.constant 48 : index
        %get3A_412 = tpu.vector_load %arg11[%get3A_410, %get3A_411] {strides = array<i32>} : memref<128x64xf32, #tpu.memory_space<vmem>>, vector<1x16xf32>,
        %get3A_413 = vector.shape_cast %get3A_412 : vector<1x16xf32> to vector<16xf32>
        %add3A_414 = arith.addf %get3A_413, %broadcast_in_dim3A_379 : vector<16xf32>
        %swap3A_415 = arith.index_cast %add3A_376 : i32 to index
        %swap3A_416 = arith.constant 48 : index
        %swap3A_417 = tpu.vector_load %arg13[%swap3A_415, %swap3A_416] {strides = array<i32>} : memref<128x64xf32, #tpu.memory_space<vmem>>, vector<1x16xf32>,
        %swap3A_418 = vector.shape_cast %swap3A_417 : vector<1x16xf32> to vector<16xf32>
        %swap3A_419 = vector.shape_cast %add3A_414 : vector<16xf32> to vector<1x16xf32>
        tpu.vector_store %arg13[%swap3A_415, %swap3A_416], %swap3A_419 {strides = array<i32>} : memref<128x64xf32, #tpu.memory_space<vmem>>, vector<1x16xf32>,
        %mul3A_420 = arith.constant 16 : i32
        %mul3A_421 = arith.muli %scan3A_89, %mul3A_420 : i32
        %add3A_422 = arith.constant 7 : i32
        %add3A_423 = arith.addi %mul3A_421, %add3A_422 : i32
        %slice3A_424 = vector.extract_strided_slice %get3A_94 {offsets = [7], sizes = [1], strides = [1]} : vector<16xf32> to vector<1xf32>
        %squeeze3A_425 = vector.extract %slice3A_424[0] : f32 from vector<1xf32>
        %broadcast_in_dim3A_426 = vector.broadcast %squeeze3A_425 : f32 to vector<16xf32>
        %get3A_427 = arith.index_cast %add3A_423 : i32 to index
        %get3A_428 = arith.constant 0 : index
        %get3A_429 = tpu.vector_load %arg11[%get3A_427, %get3A_428] {strides = array<i32>} : memref<128x64xf32, #tpu.memory_space<vmem>>, vector<1x16xf32>,
        %get3A_430 = vector.shape_cast %get3A_429 : vector<1x16xf32> to vector<16xf32>
        %add3A_431 = arith.addf %get3A_430, %broadcast_in_dim3A_426 : vector<16xf32>
        %swap3A_432 = arith.index_cast %add3A_423 : i32 to index
        %swap3A_433 = arith.constant 0 : index
        %swap3A_434 = tpu.vector_load %arg13[%swap3A_432, %swap3A_433] {strides = array<i32>} : memref<128x64xf32, #tpu.memory_space<vmem>>, vector<1x16xf32>,
        %swap3A_435 = vector.shape_cast %swap3A_434 : vector<1x16xf32> to vector<16xf32>
        %swap3A_436 = vector.shape_cast %add3A_431 : vector<16xf32> to vector<1x16xf32>
        tpu.vector_store %arg13[%swap3A_432, %swap3A_433], %swap3A_436 {strides = array<i32>} : memref<128x64xf32, #tpu.memory_space<vmem>>, vector<1x16xf32>,
        %get3A_437 = arith.index_cast %add3A_423 : i32 to index
        %get3A_438 = arith.constant 16 : index
        %get3A_439 = tpu.vector_load %arg11[%get3A_437, %get3A_438] {strides = array<i32>} : memref<128x64xf32, #tpu.memory_space<vmem>>, vector<1x16xf32>,
        %get3A_440 = vector.shape_cast %get3A_439 : vector<1x16xf32> to vector<16xf32>
        %add3A_441 = arith.addf %get3A_440, %broadcast_in_dim3A_426 : vector<16xf32>
        %swap3A_442 = arith.index_cast %add3A_423 : i32 to index
        %swap3A_443 = arith.constant 16 : index
        %swap3A_444 = tpu.vector_load %arg13[%swap3A_442, %swap3A_443] {strides = array<i32>} : memref<128x64xf32, #tpu.memory_space<vmem>>, vector<1x16xf32>,
        %swap3A_445 = vector.shape_cast %swap3A_444 : vector<1x16xf32> to vector<16xf32>
        %swap3A_446 = vector.shape_cast %add3A_441 : vector<16xf32> to vector<1x16xf32>
        tpu.vector_store %arg13[%swap3A_442, %swap3A_443], %swap3A_446 {strides = array<i32>} : memref<128x64xf32, #tpu.memory_space<vmem>>, vector<1x16xf32>,
        %get3A_447 = arith.index_cast %add3A_423 : i32 to index
        %get3A_448 = arith.constant 32 : index
        %get3A_449 = tpu.vector_load %arg11[%get3A_447, %get3A_448] {strides = array<i32>} : memref<128x64xf32, #tpu.memory_space<vmem>>, vector<1x16xf32>,
        %get3A_450 = vector.shape_cast %get3A_449 : vector<1x16xf32> to vector<16xf32>
        %add3A_451 = arith.addf %get3A_450, %broadcast_in_dim3A_426 : vector<16xf32>
        %swap3A_452 = arith.index_cast %add3A_423 : i32 to index
        %swap3A_453 = arith.constant 32 : index
        %swap3A_454 = tpu.vector_load %arg13[%swap3A_452, %swap3A_453] {strides = array<i32>} : memref<128x64xf32, #tpu.memory_space<vmem>>, vector<1x16xf32>,
        %swap3A_455 = vector.shape_cast %swap3A_454 : vector<1x16xf32> to vector<16xf32>
        %swap3A_456 = vector.shape_cast %add3A_451 : vector<16xf32> to vector<1x16xf32>
        tpu.vector_store %arg13[%swap3A_452, %swap3A_453], %swap3A_456 {strides = array<i32>} : memref<128x64xf32, #tpu.memory_space<vmem>>, vector<1x16xf32>,
        %get3A_457 = arith.index_cast %add3A_423 : i32 to index
        %get3A_458 = arith.constant 48 : index
        %get3A_459 = tpu.vector_load %arg11[%get3A_457, %get3A_458] {strides = array<i32>} : memref<128x64xf32, #tpu.memory_space<vmem>>, vector<1x16xf32>,
        %get3A_460 = vector.shape_cast %get3A_459 : vector<1x16xf32> to vector<16xf32>
        %add3A_461 = arith.addf %get3A_460, %broadcast_in_dim3A_426 : vector<16xf32>
        %swap3A_462 = arith.index_cast %add3A_423 : i32 to index
        %swap3A_463 = arith.constant 48 : index
        %swap3A_464 = tpu.vector_load %arg13[%swap3A_462, %swap3A_463] {strides = array<i32>} : memref<128x64xf32, #tpu.memory_space<vmem>>, vector<1x16xf32>,
        %swap3A_465 = vector.shape_cast %swap3A_464 : vector<1x16xf32> to vector<16xf32>
        %swap3A_466 = vector.shape_cast %add3A_461 : vector<16xf32> to vector<1x16xf32>
        tpu.vector_store %arg13[%swap3A_462, %swap3A_463], %swap3A_466 {strides = array<i32>} : memref<128x64xf32, #tpu.memory_space<vmem>>, vector<1x16xf32>,
        %mul3A_467 = arith.constant 16 : i32
        %mul3A_468 = arith.muli %scan3A_89, %mul3A_467 : i32
        %add3A_469 = arith.constant 8 : i32
        %add3A_470 = arith.addi %mul3A_468, %add3A_469 : i32
        %slice3A_471 = vector.extract_strided_slice %get3A_94 {offsets = [8], sizes = [1], strides = [1]} : vector<16xf32> to vector<1xf32>
        %squeeze3A_472 = vector.extract %slice3A_471[0] : f32 from vector<1xf32>
        %broadcast_in_dim3A_473 = vector.broadcast %squeeze3A_472 : f32 to vector<16xf32>
        %get3A_474 = arith.index_cast %add3A_470 : i32 to index
        %get3A_475 = arith.constant 0 : index
        %get3A_476 = tpu.vector_load %arg11[%get3A_474, %get3A_475] {strides = array<i32>} : memref<128x64xf32, #tpu.memory_space<vmem>>, vector<1x16xf32>,
        %get3A_477 = vector.shape_cast %get3A_476 : vector<1x16xf32> to vector<16xf32>
        %add3A_478 = arith.addf %get3A_477, %broadcast_in_dim3A_473 : vector<16xf32>
        %swap3A_479 = arith.index_cast %add3A_470 : i32 to index
        %swap3A_480 = arith.constant 0 : index
        %swap3A_481 = tpu.vector_load %arg13[%swap3A_479, %swap3A_480] {strides = array<i32>} : memref<128x64xf32, #tpu.memory_space<vmem>>, vector<1x16xf32>,
        %swap3A_482 = vector.shape_cast %swap3A_481 : vector<1x16xf32> to vector<16xf32>
        %swap3A_483 = vector.shape_cast %add3A_478 : vector<16xf32> to vector<1x16xf32>
        tpu.vector_store %arg13[%swap3A_479, %swap3A_480], %swap3A_483 {strides = array<i32>} : memref<128x64xf32, #tpu.memory_space<vmem>>, vector<1x16xf32>,
        %get3A_484 = arith.index_cast %add3A_470 : i32 to index
        %get3A_485 = arith.constant 16 : index
        %get3A_486 = tpu.vector_load %arg11[%get3A_484, %get3A_485] {strides = array<i32>} : memref<128x64xf32, #tpu.memory_space<vmem>>, vector<1x16xf32>,
        %get3A_487 = vector.shape_cast %get3A_486 : vector<1x16xf32> to vector<16xf32>
        %add3A_488 = arith.addf %get3A_487, %broadcast_in_dim3A_473 : vector<16xf32>
        %swap3A_489 = arith.index_cast %add3A_470 : i32 to index
        %swap3A_490 = arith.constant 16 : index
        %swap3A_491 = tpu.vector_load %arg13[%swap3A_489, %swap3A_490] {strides = array<i32>} : memref<128x64xf32, #tpu.memory_space<vmem>>, vector<1x16xf32>,
        %swap3A_492 = vector.shape_cast %swap3A_491 : vector<1x16xf32> to vector<16xf32>
        %swap3A_493 = vector.shape_cast %add3A_488 : vector<16xf32> to vector<1x16xf32>
        tpu.vector_store %arg13[%swap3A_489, %swap3A_490], %swap3A_493 {strides = array<i32>} : memref<128x64xf32, #tpu.memory_space<vmem>>, vector<1x16xf32>,
        %get3A_494 = arith.index_cast %add3A_470 : i32 to index
        %get3A_495 = arith.constant 32 : index
        %get3A_496 = tpu.vector_load %arg11[%get3A_494, %get3A_495] {strides = array<i32>} : memref<128x64xf32, #tpu.memory_space<vmem>>, vector<1x16xf32>,
        %get3A_497 = vector.shape_cast %get3A_496 : vector<1x16xf32> to vector<16xf32>
        %add3A_498 = arith.addf %get3A_497, %broadcast_in_dim3A_473 : vector<16xf32>
        %swap3A_499 = arith.index_cast %add3A_470 : i32 to index
        %swap3A_500 = arith.constant 32 : index
        %swap3A_501 = tpu.vector_load %arg13[%swap3A_499, %swap3A_500] {strides = array<i32>} : memref<128x64xf32, #tpu.memory_space<vmem>>, vector<1x16xf32>,
        %swap3A_502 = vector.shape_cast %swap3A_501 : vector<1x16xf32> to vector<16xf32>
        %swap3A_503 = vector.shape_cast %add3A_498 : vector<16xf32> to vector<1x16xf32>
        tpu.vector_store %arg13[%swap3A_499, %swap3A_500], %swap3A_503 {strides = array<i32>} : memref<128x64xf32, #tpu.memory_space<vmem>>, vector<1x16xf32>,
        %get3A_504 = arith.index_cast %add3A_470 : i32 to index
        %get3A_505 = arith.constant 48 : index
        %get3A_506 = tpu.vector_load %arg11[%get3A_504, %get3A_505] {strides = array<i32>} : memref<128x64xf32, #tpu.memory_space<vmem>>, vector<1x16xf32>,
        %get3A_507 = vector.shape_cast %get3A_506 : vector<1x16xf32> to vector<16xf32>
        %add3A_508 = arith.addf %get3A_507, %broadcast_in_dim3A_473 : vector<16xf32>
        %swap3A_509 = arith.index_cast %add3A_470 : i32 to index
        %swap3A_510 = arith.constant 48 : index
        %swap3A_511 = tpu.vector_load %arg13[%swap3A_509, %swap3A_510] {strides = array<i32>} : memref<128x64xf32, #tpu.memory_space<vmem>>, vector<1x16xf32>,
        %swap3A_512 = vector.shape_cast %swap3A_511 : vector<1x16xf32> to vector<16xf32>
        %swap3A_513 = vector.shape_cast %add3A_508 : vector<16xf32> to vector<1x16xf32>
        tpu.vector_store %arg13[%swap3A_509, %swap3A_510], %swap3A_513 {strides = array<i32>} : memref<128x64xf32, #tpu.memory_space<vmem>>, vector<1x16xf32>,
        %mul3A_514 = arith.constant 16 : i32
        %mul3A_515 = arith.muli %scan3A_89, %mul3A_514 : i32
        %add3A_516 = arith.constant 9 : i32
        %add3A_517 = arith.addi %mul3A_515, %add3A_516 : i32
        %slice3A_518 = vector.extract_strided_slice %get3A_94 {offsets = [9], sizes = [1], strides = [1]} : vector<16xf32> to vector<1xf32>
        %squeeze3A_519 = vector.extract %slice3A_518[0] : f32 from vector<1xf32>
        %broadcast_in_dim3A_520 = vector.broadcast %squeeze3A_519 : f32 to vector<16xf32>
        %get3A_521 = arith.index_cast %add3A_517 : i32 to index
        %get3A_522 = arith.constant 0 : index
        %get3A_523 = tpu.vector_load %arg11[%get3A_521, %get3A_522] {strides = array<i32>} : memref<128x64xf32, #tpu.memory_space<vmem>>, vector<1x16xf32>,
        %get3A_524 = vector.shape_cast %get3A_523 : vector<1x16xf32> to vector<16xf32>
        %add3A_525 = arith.addf %get3A_524, %broadcast_in_dim3A_520 : vector<16xf32>
        %swap3A_526 = arith.index_cast %add3A_517 : i32 to index
        %swap3A_527 = arith.constant 0 : index
        %swap3A_528 = tpu.vector_load %arg13[%swap3A_526, %swap3A_527] {strides = array<i32>} : memref<128x64xf32, #tpu.memory_space<vmem>>, vector<1x16xf32>,
        %swap3A_529 = vector.shape_cast %swap3A_528 : vector<1x16xf32> to vector<16xf32>
        %swap3A_530 = vector.shape_cast %add3A_525 : vector<16xf32> to vector<1x16xf32>
        tpu.vector_store %arg13[%swap3A_526, %swap3A_527], %swap3A_530 {strides = array<i32>} : memref<128x64xf32, #tpu.memory_space<vmem>>, vector<1x16xf32>,
        %get3A_531 = arith.index_cast %add3A_517 : i32 to index
        %get3A_532 = arith.constant 16 : index
        %get3A_533 = tpu.vector_load %arg11[%get3A_531, %get3A_532] {strides = array<i32>} : memref<128x64xf32, #tpu.memory_space<vmem>>, vector<1x16xf32>,
        %get3A_534 = vector.shape_cast %get3A_533 : vector<1x16xf32> to vector<16xf32>
        %add3A_535 = arith.addf %get3A_534, %broadcast_in_dim3A_520 : vector<16xf32>
        %swap3A_536 = arith.index_cast %add3A_517 : i32 to index
        %swap3A_537 = arith.constant 16 : index
        %swap3A_538 = tpu.vector_load %arg13[%swap3A_536, %swap3A_537] {strides = array<i32>} : memref<128x64xf32, #tpu.memory_space<vmem>>, vector<1x16xf32>,
        %swap3A_539 = vector.shape_cast %swap3A_538 : vector<1x16xf32> to vector<16xf32>
        %swap3A_540 = vector.shape_cast %add3A_535 : vector<16xf32> to vector<1x16xf32>
        tpu.vector_store %arg13[%swap3A_536, %swap3A_537], %swap3A_540 {strides = array<i32>} : memref<128x64xf32, #tpu.memory_space<vmem>>, vector<1x16xf32>,
        %get3A_541 = arith.index_cast %add3A_517 : i32 to index
        %get3A_542 = arith.constant 32 : index
        %get3A_543 = tpu.vector_load %arg11[%get3A_541, %get3A_542] {strides = array<i32>} : memref<128x64xf32, #tpu.memory_space<vmem>>, vector<1x16xf32>,
        %get3A_544 = vector.shape_cast %get3A_543 : vector<1x16xf32> to vector<16xf32>
        %add3A_545 = arith.addf %get3A_544, %broadcast_in_dim3A_520 : vector<16xf32>
        %swap3A_546 = arith.index_cast %add3A_517 : i32 to index
        %swap3A_547 = arith.constant 32 : index
        %swap3A_548 = tpu.vector_load %arg13[%swap3A_546, %swap3A_547] {strides = array<i32>} : memref<128x64xf32, #tpu.memory_space<vmem>>, vector<1x16xf32>,
        %swap3A_549 = vector.shape_cast %swap3A_548 : vector<1x16xf32> to vector<16xf32>
        %swap3A_550 = vector.shape_cast %add3A_545 : vector<16xf32> to vector<1x16xf32>
        tpu.vector_store %arg13[%swap3A_546, %swap3A_547], %swap3A_550 {strides = array<i32>} : memref<128x64xf32, #tpu.memory_space<vmem>>, vector<1x16xf32>,
        %get3A_551 = arith.index_cast %add3A_517 : i32 to index
        %get3A_552 = arith.constant 48 : index
        %get3A_553 = tpu.vector_load %arg11[%get3A_551, %get3A_552] {strides = array<i32>} : memref<128x64xf32, #tpu.memory_space<vmem>>, vector<1x16xf32>,
        %get3A_554 = vector.shape_cast %get3A_553 : vector<1x16xf32> to vector<16xf32>
        %add3A_555 = arith.addf %get3A_554, %broadcast_in_dim3A_520 : vector<16xf32>
        %swap3A_556 = arith.index_cast %add3A_517 : i32 to index
        %swap3A_557 = arith.constant 48 : index
        %swap3A_558 = tpu.vector_load %arg13[%swap3A_556, %swap3A_557] {strides = array<i32>} : memref<128x64xf32, #tpu.memory_space<vmem>>, vector<1x16xf32>,
        %swap3A_559 = vector.shape_cast %swap3A_558 : vector<1x16xf32> to vector<16xf32>
        %swap3A_560 = vector.shape_cast %add3A_555 : vector<16xf32> to vector<1x16xf32>
        tpu.vector_store %arg13[%swap3A_556, %swap3A_557], %swap3A_560 {strides = array<i32>} : memref<128x64xf32, #tpu.memory_space<vmem>>, vector<1x16xf32>,
        %mul3A_561 = arith.constant 16 : i32
        %mul3A_562 = arith.muli %scan3A_89, %mul3A_561 : i32
        %add3A_563 = arith.constant 10 : i32
        %add3A_564 = arith.addi %mul3A_562, %add3A_563 : i32
        %slice3A_565 = vector.extract_strided_slice %get3A_94 {offsets = [10], sizes = [1], strides = [1]} : vector<16xf32> to vector<1xf32>
        %squeeze3A_566 = vector.extract %slice3A_565[0] : f32 from vector<1xf32>
        %broadcast_in_dim3A_567 = vector.broadcast %squeeze3A_566 : f32 to vector<16xf32>
        %get3A_568 = arith.index_cast %add3A_564 : i32 to index
        %get3A_569 = arith.constant 0 : index
        %get3A_570 = tpu.vector_load %arg11[%get3A_568, %get3A_569] {strides = array<i32>} : memref<128x64xf32, #tpu.memory_space<vmem>>, vector<1x16xf32>,
        %get3A_571 = vector.shape_cast %get3A_570 : vector<1x16xf32> to vector<16xf32>
        %add3A_572 = arith.addf %get3A_571, %broadcast_in_dim3A_567 : vector<16xf32>
        %swap3A_573 = arith.index_cast %add3A_564 : i32 to index
        %swap3A_574 = arith.constant 0 : index
        %swap3A_575 = tpu.vector_load %arg13[%swap3A_573, %swap3A_574] {strides = array<i32>} : memref<128x64xf32, #tpu.memory_space<vmem>>, vector<1x16xf32>,
        %swap3A_576 = vector.shape_cast %swap3A_575 : vector<1x16xf32> to vector<16xf32>
        %swap3A_577 = vector.shape_cast %add3A_572 : vector<16xf32> to vector<1x16xf32>
        tpu.vector_store %arg13[%swap3A_573, %swap3A_574], %swap3A_577 {strides = array<i32>} : memref<128x64xf32, #tpu.memory_space<vmem>>, vector<1x16xf32>,
        %get3A_578 = arith.index_cast %add3A_564 : i32 to index
        %get3A_579 = arith.constant 16 : index
        %get3A_580 = tpu.vector_load %arg11[%get3A_578, %get3A_579] {strides = array<i32>} : memref<128x64xf32, #tpu.memory_space<vmem>>, vector<1x16xf32>,
        %get3A_581 = vector.shape_cast %get3A_580 : vector<1x16xf32> to vector<16xf32>
        %add3A_582 = arith.addf %get3A_581, %broadcast_in_dim3A_567 : vector<16xf32>
        %swap3A_583 = arith.index_cast %add3A_564 : i32 to index
        %swap3A_584 = arith.constant 16 : index
        %swap3A_585 = tpu.vector_load %arg13[%swap3A_583, %swap3A_584] {strides = array<i32>} : memref<128x64xf32, #tpu.memory_space<vmem>>, vector<1x16xf32>,
        %swap3A_586 = vector.shape_cast %swap3A_585 : vector<1x16xf32> to vector<16xf32>
        %swap3A_587 = vector.shape_cast %add3A_582 : vector<16xf32> to vector<1x16xf32>
        tpu.vector_store %arg13[%swap3A_583, %swap3A_584], %swap3A_587 {strides = array<i32>} : memref<128x64xf32, #tpu.memory_space<vmem>>, vector<1x16xf32>,
        %get3A_588 = arith.index_cast %add3A_564 : i32 to index
        %get3A_589 = arith.constant 32 : index
        %get3A_590 = tpu.vector_load %arg11[%get3A_588, %get3A_589] {strides = array<i32>} : memref<128x64xf32, #tpu.memory_space<vmem>>, vector<1x16xf32>,
        %get3A_591 = vector.shape_cast %get3A_590 : vector<1x16xf32> to vector<16xf32>
        %add3A_592 = arith.addf %get3A_591, %broadcast_in_dim3A_567 : vector<16xf32>
        %swap3A_593 = arith.index_cast %add3A_564 : i32 to index
        %swap3A_594 = arith.constant 32 : index
        %swap3A_595 = tpu.vector_load %arg13[%swap3A_593, %swap3A_594] {strides = array<i32>} : memref<128x64xf32, #tpu.memory_space<vmem>>, vector<1x16xf32>,
        %swap3A_596 = vector.shape_cast %swap3A_595 : vector<1x16xf32> to vector<16xf32>
        %swap3A_597 = vector.shape_cast %add3A_592 : vector<16xf32> to vector<1x16xf32>
        tpu.vector_store %arg13[%swap3A_593, %swap3A_594], %swap3A_597 {strides = array<i32>} : memref<128x64xf32, #tpu.memory_space<vmem>>, vector<1x16xf32>,
        %get3A_598 = arith.index_cast %add3A_564 : i32 to index
        %get3A_599 = arith.constant 48 : index
        %get3A_600 = tpu.vector_load %arg11[%get3A_598, %get3A_599] {strides = array<i32>} : memref<128x64xf32, #tpu.memory_space<vmem>>, vector<1x16xf32>,
        %get3A_601 = vector.shape_cast %get3A_600 : vector<1x16xf32> to vector<16xf32>
        %add3A_602 = arith.addf %get3A_601, %broadcast_in_dim3A_567 : vector<16xf32>
        %swap3A_603 = arith.index_cast %add3A_564 : i32 to index
        %swap3A_604 = arith.constant 48 : index
        %swap3A_605 = tpu.vector_load %arg13[%swap3A_603, %swap3A_604] {strides = array<i32>} : memref<128x64xf32, #tpu.memory_space<vmem>>, vector<1x16xf32>,
        %swap3A_606 = vector.shape_cast %swap3A_605 : vector<1x16xf32> to vector<16xf32>
        %swap3A_607 = vector.shape_cast %add3A_602 : vector<16xf32> to vector<1x16xf32>
        tpu.vector_store %arg13[%swap3A_603, %swap3A_604], %swap3A_607 {strides = array<i32>} : memref<128x64xf32, #tpu.memory_space<vmem>>, vector<1x16xf32>,
        %mul3A_608 = arith.constant 16 : i32
        %mul3A_609 = arith.muli %scan3A_89, %mul3A_608 : i32
        %add3A_610 = arith.constant 11 : i32
        %add3A_611 = arith.addi %mul3A_609, %add3A_610 : i32
        %slice3A_612 = vector.extract_strided_slice %get3A_94 {offsets = [11], sizes = [1], strides = [1]} : vector<16xf32> to vector<1xf32>
        %squeeze3A_613 = vector.extract %slice3A_612[0] : f32 from vector<1xf32>
        %broadcast_in_dim3A_614 = vector.broadcast %squeeze3A_613 : f32 to vector<16xf32>
        %get3A_615 = arith.index_cast %add3A_611 : i32 to index
        %get3A_616 = arith.constant 0 : index
        %get3A_617 = tpu.vector_load %arg11[%get3A_615, %get3A_616] {strides = array<i32>} : memref<128x64xf32, #tpu.memory_space<vmem>>, vector<1x16xf32>,
        %get3A_618 = vector.shape_cast %get3A_617 : vector<1x16xf32> to vector<16xf32>
        %add3A_619 = arith.addf %get3A_618, %broadcast_in_dim3A_614 : vector<16xf32>
        %swap3A_620 = arith.index_cast %add3A_611 : i32 to index
        %swap3A_621 = arith.constant 0 : index
        %swap3A_622 = tpu.vector_load %arg13[%swap3A_620, %swap3A_621] {strides = array<i32>} : memref<128x64xf32, #tpu.memory_space<vmem>>, vector<1x16xf32>,
        %swap3A_623 = vector.shape_cast %swap3A_622 : vector<1x16xf32> to vector<16xf32>
        %swap3A_624 = vector.shape_cast %add3A_619 : vector<16xf32> to vector<1x16xf32>
        tpu.vector_store %arg13[%swap3A_620, %swap3A_621], %swap3A_624 {strides = array<i32>} : memref<128x64xf32, #tpu.memory_space<vmem>>, vector<1x16xf32>,
        %get3A_625 = arith.index_cast %add3A_611 : i32 to index
        %get3A_626 = arith.constant 16 : index
        %get3A_627 = tpu.vector_load %arg11[%get3A_625, %get3A_626] {strides = array<i32>} : memref<128x64xf32, #tpu.memory_space<vmem>>, vector<1x16xf32>,
        %get3A_628 = vector.shape_cast %get3A_627 : vector<1x16xf32> to vector<16xf32>
        %add3A_629 = arith.addf %get3A_628, %broadcast_in_dim3A_614 : vector<16xf32>
        %swap3A_630 = arith.index_cast %add3A_611 : i32 to index
        %swap3A_631 = arith.constant 16 : index
        %swap3A_632 = tpu.vector_load %arg13[%swap3A_630, %swap3A_631] {strides = array<i32>} : memref<128x64xf32, #tpu.memory_space<vmem>>, vector<1x16xf32>,
        %swap3A_633 = vector.shape_cast %swap3A_632 : vector<1x16xf32> to vector<16xf32>
        %swap3A_634 = vector.shape_cast %add3A_629 : vector<16xf32> to vector<1x16xf32>
        tpu.vector_store %arg13[%swap3A_630, %swap3A_631], %swap3A_634 {strides = array<i32>} : memref<128x64xf32, #tpu.memory_space<vmem>>, vector<1x16xf32>,
        %get3A_635 = arith.index_cast %add3A_611 : i32 to index
        %get3A_636 = arith.constant 32 : index
        %get3A_637 = tpu.vector_load %arg11[%get3A_635, %get3A_636] {strides = array<i32>} : memref<128x64xf32, #tpu.memory_space<vmem>>, vector<1x16xf32>,
        %get3A_638 = vector.shape_cast %get3A_637 : vector<1x16xf32> to vector<16xf32>
        %add3A_639 = arith.addf %get3A_638, %broadcast_in_dim3A_614 : vector<16xf32>
        %swap3A_640 = arith.index_cast %add3A_611 : i32 to index
        %swap3A_641 = arith.constant 32 : index
        %swap3A_642 = tpu.vector_load %arg13[%swap3A_640, %swap3A_641] {strides = array<i32>} : memref<128x64xf32, #tpu.memory_space<vmem>>, vector<1x16xf32>,
        %swap3A_643 = vector.shape_cast %swap3A_642 : vector<1x16xf32> to vector<16xf32>
        %swap3A_644 = vector.shape_cast %add3A_639 : vector<16xf32> to vector<1x16xf32>
        tpu.vector_store %arg13[%swap3A_640, %swap3A_641], %swap3A_644 {strides = array<i32>} : memref<128x64xf32, #tpu.memory_space<vmem>>, vector<1x16xf32>,
        %get3A_645 = arith.index_cast %add3A_611 : i32 to index
        %get3A_646 = arith.constant 48 : index
        %get3A_647 = tpu.vector_load %arg11[%get3A_645, %get3A_646] {strides = array<i32>} : memref<128x64xf32, #tpu.memory_space<vmem>>, vector<1x16xf32>,
        %get3A_648 = vector.shape_cast %get3A_647 : vector<1x16xf32> to vector<16xf32>
        %add3A_649 = arith.addf %get3A_648, %broadcast_in_dim3A_614 : vector<16xf32>
        %swap3A_650 = arith.index_cast %add3A_611 : i32 to index
        %swap3A_651 = arith.constant 48 : index
        %swap3A_652 = tpu.vector_load %arg13[%swap3A_650, %swap3A_651] {strides = array<i32>} : memref<128x64xf32, #tpu.memory_space<vmem>>, vector<1x16xf32>,
        %swap3A_653 = vector.shape_cast %swap3A_652 : vector<1x16xf32> to vector<16xf32>
        %swap3A_654 = vector.shape_cast %add3A_649 : vector<16xf32> to vector<1x16xf32>
        tpu.vector_store %arg13[%swap3A_650, %swap3A_651], %swap3A_654 {strides = array<i32>} : memref<128x64xf32, #tpu.memory_space<vmem>>, vector<1x16xf32>,
        %mul3A_655 = arith.constant 16 : i32
        %mul3A_656 = arith.muli %scan3A_89, %mul3A_655 : i32
        %add3A_657 = arith.constant 12 : i32
        %add3A_658 = arith.addi %mul3A_656, %add3A_657 : i32
        %slice3A_659 = vector.extract_strided_slice %get3A_94 {offsets = [12], sizes = [1], strides = [1]} : vector<16xf32> to vector<1xf32>
        %squeeze3A_660 = vector.extract %slice3A_659[0] : f32 from vector<1xf32>
        %broadcast_in_dim3A_661 = vector.broadcast %squeeze3A_660 : f32 to vector<16xf32>
        %get3A_662 = arith.index_cast %add3A_658 : i32 to index
        %get3A_663 = arith.constant 0 : index
        %get3A_664 = tpu.vector_load %arg11[%get3A_662, %get3A_663] {strides = array<i32>} : memref<128x64xf32, #tpu.memory_space<vmem>>, vector<1x16xf32>,
        %get3A_665 = vector.shape_cast %get3A_664 : vector<1x16xf32> to vector<16xf32>
        %add3A_666 = arith.addf %get3A_665, %broadcast_in_dim3A_661 : vector<16xf32>
        %swap3A_667 = arith.index_cast %add3A_658 : i32 to index
        %swap3A_668 = arith.constant 0 : index
        %swap3A_669 = tpu.vector_load %arg13[%swap3A_667, %swap3A_668] {strides = array<i32>} : memref<128x64xf32, #tpu.memory_space<vmem>>, vector<1x16xf32>,
        %swap3A_670 = vector.shape_cast %swap3A_669 : vector<1x16xf32> to vector<16xf32>
        %swap3A_671 = vector.shape_cast %add3A_666 : vector<16xf32> to vector<1x16xf32>
        tpu.vector_store %arg13[%swap3A_667, %swap3A_668], %swap3A_671 {strides = array<i32>} : memref<128x64xf32, #tpu.memory_space<vmem>>, vector<1x16xf32>,
        %get3A_672 = arith.index_cast %add3A_658 : i32 to index
        %get3A_673 = arith.constant 16 : index
        %get3A_674 = tpu.vector_load %arg11[%get3A_672, %get3A_673] {strides = array<i32>} : memref<128x64xf32, #tpu.memory_space<vmem>>, vector<1x16xf32>,
        %get3A_675 = vector.shape_cast %get3A_674 : vector<1x16xf32> to vector<16xf32>
        %add3A_676 = arith.addf %get3A_675, %broadcast_in_dim3A_661 : vector<16xf32>
        %swap3A_677 = arith.index_cast %add3A_658 : i32 to index
        %swap3A_678 = arith.constant 16 : index
        %swap3A_679 = tpu.vector_load %arg13[%swap3A_677, %swap3A_678] {strides = array<i32>} : memref<128x64xf32, #tpu.memory_space<vmem>>, vector<1x16xf32>,
        %swap3A_680 = vector.shape_cast %swap3A_679 : vector<1x16xf32> to vector<16xf32>
        %swap3A_681 = vector.shape_cast %add3A_676 : vector<16xf32> to vector<1x16xf32>
        tpu.vector_store %arg13[%swap3A_677, %swap3A_678], %swap3A_681 {strides = array<i32>} : memref<128x64xf32, #tpu.memory_space<vmem>>, vector<1x16xf32>,
        %get3A_682 = arith.index_cast %add3A_658 : i32 to index
        %get3A_683 = arith.constant 32 : index
        %get3A_684 = tpu.vector_load %arg11[%get3A_682, %get3A_683] {strides = array<i32>} : memref<128x64xf32, #tpu.memory_space<vmem>>, vector<1x16xf32>,
        %get3A_685 = vector.shape_cast %get3A_684 : vector<1x16xf32> to vector<16xf32>
        %add3A_686 = arith.addf %get3A_685, %broadcast_in_dim3A_661 : vector<16xf32>
        %swap3A_687 = arith.index_cast %add3A_658 : i32 to index
        %swap3A_688 = arith.constant 32 : index
        %swap3A_689 = tpu.vector_load %arg13[%swap3A_687, %swap3A_688] {strides = array<i32>} : memref<128x64xf32, #tpu.memory_space<vmem>>, vector<1x16xf32>,
        %swap3A_690 = vector.shape_cast %swap3A_689 : vector<1x16xf32> to vector<16xf32>
        %swap3A_691 = vector.shape_cast %add3A_686 : vector<16xf32> to vector<1x16xf32>
        tpu.vector_store %arg13[%swap3A_687, %swap3A_688], %swap3A_691 {strides = array<i32>} : memref<128x64xf32, #tpu.memory_space<vmem>>, vector<1x16xf32>,
        %get3A_692 = arith.index_cast %add3A_658 : i32 to index
        %get3A_693 = arith.constant 48 : index
        %get3A_694 = tpu.vector_load %arg11[%get3A_692, %get3A_693] {strides = array<i32>} : memref<128x64xf32, #tpu.memory_space<vmem>>, vector<1x16xf32>,
        %get3A_695 = vector.shape_cast %get3A_694 : vector<1x16xf32> to vector<16xf32>
        %add3A_696 = arith.addf %get3A_695, %broadcast_in_dim3A_661 : vector<16xf32>
        %swap3A_697 = arith.index_cast %add3A_658 : i32 to index
        %swap3A_698 = arith.constant 48 : index
        %swap3A_699 = tpu.vector_load %arg13[%swap3A_697, %swap3A_698] {strides = array<i32>} : memref<128x64xf32, #tpu.memory_space<vmem>>, vector<1x16xf32>,
        %swap3A_700 = vector.shape_cast %swap3A_699 : vector<1x16xf32> to vector<16xf32>
        %swap3A_701 = vector.shape_cast %add3A_696 : vector<16xf32> to vector<1x16xf32>
        tpu.vector_store %arg13[%swap3A_697, %swap3A_698], %swap3A_701 {strides = array<i32>} : memref<128x64xf32, #tpu.memory_space<vmem>>, vector<1x16xf32>,
        %mul3A_702 = arith.constant 16 : i32
        %mul3A_703 = arith.muli %scan3A_89, %mul3A_702 : i32
        %add3A_704 = arith.constant 13 : i32
        %add3A_705 = arith.addi %mul3A_703, %add3A_704 : i32
        %slice3A_706 = vector.extract_strided_slice %get3A_94 {offsets = [13], sizes = [1], strides = [1]} : vector<16xf32> to vector<1xf32>
        %squeeze3A_707 = vector.extract %slice3A_706[0] : f32 from vector<1xf32>
        %broadcast_in_dim3A_708 = vector.broadcast %squeeze3A_707 : f32 to vector<16xf32>
        %get3A_709 = arith.index_cast %add3A_705 : i32 to index
        %get3A_710 = arith.constant 0 : index
        %get3A_711 = tpu.vector_load %arg11[%get3A_709, %get3A_710] {strides = array<i32>} : memref<128x64xf32, #tpu.memory_space<vmem>>, vector<1x16xf32>,
        %get3A_712 = vector.shape_cast %get3A_711 : vector<1x16xf32> to vector<16xf32>
        %add3A_713 = arith.addf %get3A_712, %broadcast_in_dim3A_708 : vector<16xf32>
        %swap3A_714 = arith.index_cast %add3A_705 : i32 to index
        %swap3A_715 = arith.constant 0 : index
        %swap3A_716 = tpu.vector_load %arg13[%swap3A_714, %swap3A_715] {strides = array<i32>} : memref<128x64xf32, #tpu.memory_space<vmem>>, vector<1x16xf32>,
        %swap3A_717 = vector.shape_cast %swap3A_716 : vector<1x16xf32> to vector<16xf32>
        %swap3A_718 = vector.shape_cast %add3A_713 : vector<16xf32> to vector<1x16xf32>
        tpu.vector_store %arg13[%swap3A_714, %swap3A_715], %swap3A_718 {strides = array<i32>} : memref<128x64xf32, #tpu.memory_space<vmem>>, vector<1x16xf32>,
        %get3A_719 = arith.index_cast %add3A_705 : i32 to index
        %get3A_720 = arith.constant 16 : index
        %get3A_721 = tpu.vector_load %arg11[%get3A_719, %get3A_720] {strides = array<i32>} : memref<128x64xf32, #tpu.memory_space<vmem>>, vector<1x16xf32>,
        %get3A_722 = vector.shape_cast %get3A_721 : vector<1x16xf32> to vector<16xf32>
        %add3A_723 = arith.addf %get3A_722, %broadcast_in_dim3A_708 : vector<16xf32>
        %swap3A_724 = arith.index_cast %add3A_705 : i32 to index
        %swap3A_725 = arith.constant 16 : index
        %swap3A_726 = tpu.vector_load %arg13[%swap3A_724, %swap3A_725] {strides = array<i32>} : memref<128x64xf32, #tpu.memory_space<vmem>>, vector<1x16xf32>,
        %swap3A_727 = vector.shape_cast %swap3A_726 : vector<1x16xf32> to vector<16xf32>
        %swap3A_728 = vector.shape_cast %add3A_723 : vector<16xf32> to vector<1x16xf32>
        tpu.vector_store %arg13[%swap3A_724, %swap3A_725], %swap3A_728 {strides = array<i32>} : memref<128x64xf32, #tpu.memory_space<vmem>>, vector<1x16xf32>,
        %get3A_729 = arith.index_cast %add3A_705 : i32 to index
        %get3A_730 = arith.constant 32 : index
        %get3A_731 = tpu.vector_load %arg11[%get3A_729, %get3A_730] {strides = array<i32>} : memref<128x64xf32, #tpu.memory_space<vmem>>, vector<1x16xf32>,
        %get3A_732 = vector.shape_cast %get3A_731 : vector<1x16xf32> to vector<16xf32>
        %add3A_733 = arith.addf %get3A_732, %broadcast_in_dim3A_708 : vector<16xf32>
        %swap3A_734 = arith.index_cast %add3A_705 : i32 to index
        %swap3A_735 = arith.constant 32 : index
        %swap3A_736 = tpu.vector_load %arg13[%swap3A_734, %swap3A_735] {strides = array<i32>} : memref<128x64xf32, #tpu.memory_space<vmem>>, vector<1x16xf32>,
        %swap3A_737 = vector.shape_cast %swap3A_736 : vector<1x16xf32> to vector<16xf32>
        %swap3A_738 = vector.shape_cast %add3A_733 : vector<16xf32> to vector<1x16xf32>
        tpu.vector_store %arg13[%swap3A_734, %swap3A_735], %swap3A_738 {strides = array<i32>} : memref<128x64xf32, #tpu.memory_space<vmem>>, vector<1x16xf32>,
        %get3A_739 = arith.index_cast %add3A_705 : i32 to index
        %get3A_740 = arith.constant 48 : index
        %get3A_741 = tpu.vector_load %arg11[%get3A_739, %get3A_740] {strides = array<i32>} : memref<128x64xf32, #tpu.memory_space<vmem>>, vector<1x16xf32>,
        %get3A_742 = vector.shape_cast %get3A_741 : vector<1x16xf32> to vector<16xf32>
        %add3A_743 = arith.addf %get3A_742, %broadcast_in_dim3A_708 : vector<16xf32>
        %swap3A_744 = arith.index_cast %add3A_705 : i32 to index
        %swap3A_745 = arith.constant 48 : index
        %swap3A_746 = tpu.vector_load %arg13[%swap3A_744, %swap3A_745] {strides = array<i32>} : memref<128x64xf32, #tpu.memory_space<vmem>>, vector<1x16xf32>,
        %swap3A_747 = vector.shape_cast %swap3A_746 : vector<1x16xf32> to vector<16xf32>
        %swap3A_748 = vector.shape_cast %add3A_743 : vector<16xf32> to vector<1x16xf32>
        tpu.vector_store %arg13[%swap3A_744, %swap3A_745], %swap3A_748 {strides = array<i32>} : memref<128x64xf32, #tpu.memory_space<vmem>>, vector<1x16xf32>,
        %mul3A_749 = arith.constant 16 : i32
        %mul3A_750 = arith.muli %scan3A_89, %mul3A_749 : i32
        %add3A_751 = arith.constant 14 : i32
        %add3A_752 = arith.addi %mul3A_750, %add3A_751 : i32
        %slice3A_753 = vector.extract_strided_slice %get3A_94 {offsets = [14], sizes = [1], strides = [1]} : vector<16xf32> to vector<1xf32>
        %squeeze3A_754 = vector.extract %slice3A_753[0] : f32 from vector<1xf32>
        %broadcast_in_dim3A_755 = vector.broadcast %squeeze3A_754 : f32 to vector<16xf32>
        %get3A_756 = arith.index_cast %add3A_752 : i32 to index
        %get3A_757 = arith.constant 0 : index
        %get3A_758 = tpu.vector_load %arg11[%get3A_756, %get3A_757] {strides = array<i32>} : memref<128x64xf32, #tpu.memory_space<vmem>>, vector<1x16xf32>,
        %get3A_759 = vector.shape_cast %get3A_758 : vector<1x16xf32> to vector<16xf32>
        %add3A_760 = arith.addf %get3A_759, %broadcast_in_dim3A_755 : vector<16xf32>
        %swap3A_761 = arith.index_cast %add3A_752 : i32 to index
        %swap3A_762 = arith.constant 0 : index
        %swap3A_763 = tpu.vector_load %arg13[%swap3A_761, %swap3A_762] {strides = array<i32>} : memref<128x64xf32, #tpu.memory_space<vmem>>, vector<1x16xf32>,
        %swap3A_764 = vector.shape_cast %swap3A_763 : vector<1x16xf32> to vector<16xf32>
        %swap3A_765 = vector.shape_cast %add3A_760 : vector<16xf32> to vector<1x16xf32>
        tpu.vector_store %arg13[%swap3A_761, %swap3A_762], %swap3A_765 {strides = array<i32>} : memref<128x64xf32, #tpu.memory_space<vmem>>, vector<1x16xf32>,
        %get3A_766 = arith.index_cast %add3A_752 : i32 to index
        %get3A_767 = arith.constant 16 : index
        %get3A_768 = tpu.vector_load %arg11[%get3A_766, %get3A_767] {strides = array<i32>} : memref<128x64xf32, #tpu.memory_space<vmem>>, vector<1x16xf32>,
        %get3A_769 = vector.shape_cast %get3A_768 : vector<1x16xf32> to vector<16xf32>
        %add3A_770 = arith.addf %get3A_769, %broadcast_in_dim3A_755 : vector<16xf32>
        %swap3A_771 = arith.index_cast %add3A_752 : i32 to index
        %swap3A_772 = arith.constant 16 : index
        %swap3A_773 = tpu.vector_load %arg13[%swap3A_771, %swap3A_772] {strides = array<i32>} : memref<128x64xf32, #tpu.memory_space<vmem>>, vector<1x16xf32>,
        %swap3A_774 = vector.shape_cast %swap3A_773 : vector<1x16xf32> to vector<16xf32>
        %swap3A_775 = vector.shape_cast %add3A_770 : vector<16xf32> to vector<1x16xf32>
        tpu.vector_store %arg13[%swap3A_771, %swap3A_772], %swap3A_775 {strides = array<i32>} : memref<128x64xf32, #tpu.memory_space<vmem>>, vector<1x16xf32>,
        %get3A_776 = arith.index_cast %add3A_752 : i32 to index
        %get3A_777 = arith.constant 32 : index
        %get3A_778 = tpu.vector_load %arg11[%get3A_776, %get3A_777] {strides = array<i32>} : memref<128x64xf32, #tpu.memory_space<vmem>>, vector<1x16xf32>,
        %get3A_779 = vector.shape_cast %get3A_778 : vector<1x16xf32> to vector<16xf32>
        %add3A_780 = arith.addf %get3A_779, %broadcast_in_dim3A_755 : vector<16xf32>
        %swap3A_781 = arith.index_cast %add3A_752 : i32 to index
        %swap3A_782 = arith.constant 32 : index
        %swap3A_783 = tpu.vector_load %arg13[%swap3A_781, %swap3A_782] {strides = array<i32>} : memref<128x64xf32, #tpu.memory_space<vmem>>, vector<1x16xf32>,
        %swap3A_784 = vector.shape_cast %swap3A_783 : vector<1x16xf32> to vector<16xf32>
        %swap3A_785 = vector.shape_cast %add3A_780 : vector<16xf32> to vector<1x16xf32>
        tpu.vector_store %arg13[%swap3A_781, %swap3A_782], %swap3A_785 {strides = array<i32>} : memref<128x64xf32, #tpu.memory_space<vmem>>, vector<1x16xf32>,
        %get3A_786 = arith.index_cast %add3A_752 : i32 to index
        %get3A_787 = arith.constant 48 : index
        %get3A_788 = tpu.vector_load %arg11[%get3A_786, %get3A_787] {strides = array<i32>} : memref<128x64xf32, #tpu.memory_space<vmem>>, vector<1x16xf32>,
        %get3A_789 = vector.shape_cast %get3A_788 : vector<1x16xf32> to vector<16xf32>
        %add3A_790 = arith.addf %get3A_789, %broadcast_in_dim3A_755 : vector<16xf32>
        %swap3A_791 = arith.index_cast %add3A_752 : i32 to index
        %swap3A_792 = arith.constant 48 : index
        %swap3A_793 = tpu.vector_load %arg13[%swap3A_791, %swap3A_792] {strides = array<i32>} : memref<128x64xf32, #tpu.memory_space<vmem>>, vector<1x16xf32>,
        %swap3A_794 = vector.shape_cast %swap3A_793 : vector<1x16xf32> to vector<16xf32>
        %swap3A_795 = vector.shape_cast %add3A_790 : vector<16xf32> to vector<1x16xf32>
        tpu.vector_store %arg13[%swap3A_791, %swap3A_792], %swap3A_795 {strides = array<i32>} : memref<128x64xf32, #tpu.memory_space<vmem>>, vector<1x16xf32>,
        %mul3A_796 = arith.constant 16 : i32
        %mul3A_797 = arith.muli %scan3A_89, %mul3A_796 : i32
        %add3A_798 = arith.constant 15 : i32
        %add3A_799 = arith.addi %mul3A_797, %add3A_798 : i32
        %slice3A_800 = vector.extract_strided_slice %get3A_94 {offsets = [15], sizes = [1], strides = [1]} : vector<16xf32> to vector<1xf32>
        %squeeze3A_801 = vector.extract %slice3A_800[0] : f32 from vector<1xf32>
        %broadcast_in_dim3A_802 = vector.broadcast %squeeze3A_801 : f32 to vector<16xf32>
        %get3A_803 = arith.index_cast %add3A_799 : i32 to index
        %get3A_804 = arith.constant 0 : index
        %get3A_805 = tpu.vector_load %arg11[%get3A_803, %get3A_804] {strides = array<i32>} : memref<128x64xf32, #tpu.memory_space<vmem>>, vector<1x16xf32>,
        %get3A_806 = vector.shape_cast %get3A_805 : vector<1x16xf32> to vector<16xf32>
        %add3A_807 = arith.addf %get3A_806, %broadcast_in_dim3A_802 : vector<16xf32>
        %swap3A_808 = arith.index_cast %add3A_799 : i32 to index
        %swap3A_809 = arith.constant 0 : index
        %swap3A_810 = tpu.vector_load %arg13[%swap3A_808, %swap3A_809] {strides = array<i32>} : memref<128x64xf32, #tpu.memory_space<vmem>>, vector<1x16xf32>,
        %swap3A_811 = vector.shape_cast %swap3A_810 : vector<1x16xf32> to vector<16xf32>
        %swap3A_812 = vector.shape_cast %add3A_807 : vector<16xf32> to vector<1x16xf32>
        tpu.vector_store %arg13[%swap3A_808, %swap3A_809], %swap3A_812 {strides = array<i32>} : memref<128x64xf32, #tpu.memory_space<vmem>>, vector<1x16xf32>,
        %get3A_813 = arith.index_cast %add3A_799 : i32 to index
        %get3A_814 = arith.constant 16 : index
        %get3A_815 = tpu.vector_load %arg11[%get3A_813, %get3A_814] {strides = array<i32>} : memref<128x64xf32, #tpu.memory_space<vmem>>, vector<1x16xf32>,
        %get3A_816 = vector.shape_cast %get3A_815 : vector<1x16xf32> to vector<16xf32>
        %add3A_817 = arith.addf %get3A_816, %broadcast_in_dim3A_802 : vector<16xf32>
        %swap3A_818 = arith.index_cast %add3A_799 : i32 to index
        %swap3A_819 = arith.constant 16 : index
        %swap3A_820 = tpu.vector_load %arg13[%swap3A_818, %swap3A_819] {strides = array<i32>} : memref<128x64xf32, #tpu.memory_space<vmem>>, vector<1x16xf32>,
        %swap3A_821 = vector.shape_cast %swap3A_820 : vector<1x16xf32> to vector<16xf32>
        %swap3A_822 = vector.shape_cast %add3A_817 : vector<16xf32> to vector<1x16xf32>
        tpu.vector_store %arg13[%swap3A_818, %swap3A_819], %swap3A_822 {strides = array<i32>} : memref<128x64xf32, #tpu.memory_space<vmem>>, vector<1x16xf32>,
        %get3A_823 = arith.index_cast %add3A_799 : i32 to index
        %get3A_824 = arith.constant 32 : index
        %get3A_825 = tpu.vector_load %arg11[%get3A_823, %get3A_824] {strides = array<i32>} : memref<128x64xf32, #tpu.memory_space<vmem>>, vector<1x16xf32>,
        %get3A_826 = vector.shape_cast %get3A_825 : vector<1x16xf32> to vector<16xf32>
        %add3A_827 = arith.addf %get3A_826, %broadcast_in_dim3A_802 : vector<16xf32>
        %swap3A_828 = arith.index_cast %add3A_799 : i32 to index
        %swap3A_829 = arith.constant 32 : index
        %swap3A_830 = tpu.vector_load %arg13[%swap3A_828, %swap3A_829] {strides = array<i32>} : memref<128x64xf32, #tpu.memory_space<vmem>>, vector<1x16xf32>,
        %swap3A_831 = vector.shape_cast %swap3A_830 : vector<1x16xf32> to vector<16xf32>
        %swap3A_832 = vector.shape_cast %add3A_827 : vector<16xf32> to vector<1x16xf32>
        tpu.vector_store %arg13[%swap3A_828, %swap3A_829], %swap3A_832 {strides = array<i32>} : memref<128x64xf32, #tpu.memory_space<vmem>>, vector<1x16xf32>,
        %get3A_833 = arith.index_cast %add3A_799 : i32 to index
        %get3A_834 = arith.constant 48 : index
        %get3A_835 = tpu.vector_load %arg11[%get3A_833, %get3A_834] {strides = array<i32>} : memref<128x64xf32, #tpu.memory_space<vmem>>, vector<1x16xf32>,
        %get3A_836 = vector.shape_cast %get3A_835 : vector<1x16xf32> to vector<16xf32>
        %add3A_837 = arith.addf %get3A_836, %broadcast_in_dim3A_802 : vector<16xf32>
        %swap3A_838 = arith.index_cast %add3A_799 : i32 to index
        %swap3A_839 = arith.constant 48 : index
        %swap3A_840 = tpu.vector_load %arg13[%swap3A_838, %swap3A_839] {strides = array<i32>} : memref<128x64xf32, #tpu.memory_space<vmem>>, vector<1x16xf32>,
        %swap3A_841 = vector.shape_cast %swap3A_840 : vector<1x16xf32> to vector<16xf32>
        %swap3A_842 = vector.shape_cast %add3A_837 : vector<16xf32> to vector<1x16xf32>
        tpu.vector_store %arg13[%swap3A_838, %swap3A_839], %swap3A_842 {strides = array<i32>} : memref<128x64xf32, #tpu.memory_space<vmem>>, vector<1x16xf32>,
        %scan3A_843 = arith.constant 0 : i32
        scf.yield %scan3A_843 : i32
      }
      %scan3A_80 = arith.constant 8 : i32
      %mul3A_81 = arith.constant 128 : i32
      %mul3A_82 = arith.muli %add3A_58, %mul3A_81 : i32
      %add3A_83 = arith.addi %mul3A_2, %mul3A_82 : i32
      %dma_start3A_84 = arith.constant 0 : i32
      %dma_start3A_85 = tpu.memref_slice %arg5[%add3A_83, %dma_start3A_84] : memref<425984x64xf32, #tpu.memory_space<hbm>> -> memref<128x64xf32, #tpu.memory_space<hbm>>
      %dma_start3A_86 = arith.constant 0 : i32
      %dma_start3A_87 = tpu.memref_slice %arg5[%add3A_83, %dma_start3A_86] : memref<425984x64xf32, #tpu.memory_space<hbm>> -> memref<128x64xf32, #tpu.memory_space<hbm>>
      tpu.enqueue_dma source(%arg13 : memref<128x64xf32, #tpu.memory_space<vmem>>) target(%dma_start3A_87 : memref<128x64xf32, #tpu.memory_space<hbm>>) target_semaphore(%arg17 : memref<!tpu.dma_semaphore, #tpu.memory_space<semaphore_mem>>)
      %scan3A_88 = arith.constant 0 : i32
      scf.yield %scan3A_88 : i32
    }
    %scan3A_14 = arith.constant 52 : i32
    %add3A_15 = arith.constant 13056 : i32
    %add3A_16 = arith.addi %mul3A_2, %add3A_15 : i32
    %dma_wait3A = arith.constant 0 : i32
    %dma_wait3A_17 = tpu.memref_slice %arg5[%add3A_16, %dma_wait3A] : memref<425984x64xf32, #tpu.memory_space<hbm>> -> memref<128x64xf32, #tpu.memory_space<hbm>>
    %dma_wait3A_18 = arith.constant 0 : i32
    %dma_wait3A_19 = tpu.memref_slice %arg5[%add3A_16, %dma_wait3A_18] : memref<425984x64xf32, #tpu.memory_space<hbm>> -> memref<128x64xf32, #tpu.memory_space<hbm>>
    tpu.wait_dma2 semaphore(%arg16 : memref<!tpu.dma_semaphore, #tpu.memory_space<semaphore_mem>>) src(%arg12 : memref<128x64xf32, #tpu.memory_space<vmem>>) dst(%dma_wait3A_19 : memref<128x64xf32, #tpu.memory_space<hbm>>)
    %add3A_20 = arith.constant 13184 : i32
    %add3A_21 = arith.addi %mul3A_2, %add3A_20 : i32
    %dma_wait3A_22 = arith.constant 0 : i32
    %dma_wait3A_23 = tpu.memref_slice %arg5[%add3A_21, %dma_wait3A_22] : memref<425984x64xf32, #tpu.memory_space<hbm>> -> memref<128x64xf32, #tpu.memory_space<hbm>>
    %dma_wait3A_24 = arith.constant 0 : i32
    %dma_wait3A_25 = tpu.memref_slice %arg5[%add3A_21, %dma_wait3A_24] : memref<425984x64xf32, #tpu.memory_space<hbm>> -> memref<128x64xf32, #tpu.memory_space<hbm>>
    tpu.wait_dma2 semaphore(%arg17 : memref<!tpu.dma_semaphore, #tpu.memory_space<semaphore_mem>>) src(%arg13 : memref<128x64xf32, #tpu.memory_space<vmem>>) dst(%dma_wait3A_25 : memref<128x64xf32, #tpu.memory_space<hbm>>)
    return
  }
}

</mosaic_0001>

<sc_bundles>
// kernel: kernel.3.cloned.1.call-start
scs
__scs_entry_jumppad:
0x0: {  	(pc) =	sbr.rel $0x88, $3  }
0x1: {  	(tag) =	ssettag $0x0;
	lr =	simm.s32 $0x1  }
0x2: {  	[smem:$0x3F9E] =	sst lr;
	_ =	strace $0xD0000000  }
0x3: {  	_ = 	snop  }
0x4: {  	_ = 	snop  }
0x5: {  	_ = 	snop  }
0x6: {  	_ = 	snop  }
0x7: {  	_ = 	snop  }
__scs_overlays_trampoline_lowered:
0x8: {  	[smem:$0x3FAD] =	sst s0  }
0x9: {  	[smem:$0x3FAE] =	sst s1  }
0xa: {  	[smem:$0x3FAF] =	sst s2  }
0xb: {  	[smem:$0x3FB0] =	sst s3  }
0xc: {  	[smem:$0x3FB1] =	sst s4  }
0xd: {  	[smem:$0x3FB2] =	sst s5  }
0xe: {  	[smem:$0x3FB3] =	sst s6  }
0xf: {  	[smem:$0x3FB4] =	sst s7  }
0x10: {  	[smem:$0x3FB5] =	sst s8  }
0x11: {  	[smem:$0x3FB6] =	sst s9;
	s0 =	simm.s32 @!p0 $0x0  }
0x12: {  	s1 =	sld [smem:$0x3F9C];
	s0 =	simm.s32 @p0 $0x1  }
0x13: {  	[smem:$0x3FB7] =	sst s0;
	s0 =	simm.s32 @!p1 $0x0  }
0x14: {  	s2 =	sld [smem:$0x3F9B];
	s0 =	simm.s32 @p1 $0x1  }
0x15: {  	[smem:$0x3FB8] =	sst s0;
	s0 =	simm.s32 @!p2 $0x0  }
0x16: {  	s3 =	sld [smem:$0x3FDB];
	s0 =	simm.s32 @p2 $0x1  }
0x17: {  	s4 =	simm.s32 $0x1BF5;
	[smem:$0x3FBA] =	sst s0  }
0x18: {  	s0 =	sld [smem:$0x3F9D];
	_ =	swait.ge [sflag:s4], $0x0  }
0x19: {  	s7 =	sld [smem:$0x3F9E]  }
0x1a: {  	s8 =	sadd.s32 $0xFFFFE003, lr  }
0x1b: {  	s9 =	sadd.s32 $0xFFFFFEF7, lr;
	s5 =	simm.s32 $0xFFFFFFFF;
	p2 =	slt.u32 s8, $0xFFFFF086  }
0x1c: {  	p1 =	slt.u32 s9, $0xF7A;
	s5 =	simm.s32 @!p2 $0x0  }
0x1d: {  	s5 =	simm.s32 @p1 $0x1;
	p0 =	seq.s32 s7, s2  }
0x1e: {  	s7 =	smul.u32 @!p0 $0xF7A, s2;
	p2 =	seq.s32 @!p0 s5, $0x0  }
0x1f: {  	s9 =	smul.u32 $0xF7A, s1;
	s8 =	simm.s32 @!p0 $0x1BF5;
	p2 =	por !p2, p0  }
0x20: {  	[sflag:s8] =	ssyncset.s32 @!p0 $0xFFFFF086;
	s6 =	sadd.s32 @!p0 s3, s7;
	s7 =	simm.s32 @!p0 $0x108  }
0x21: {  	s3 =	sadd.s32 s3, s9;
	s6 =	sadd.s32 @!p0 $0x88, s6;
	s7 =	simm.s32 @p2 $0x1082  }
0x22: {  	[simem:s7], [sflag:s8] =	dma.local @!p0 [hbm:s6], $0xF7A  }
0x23: {  	s9 =	sor.u32 $0xD0000000, s2;
	s6 =	simm.s32 $0x108;
	_ =	swait.ge @!p0 [sflag:s8], $0x0  }
0x24: {  	s3 =	sadd.s32 $0x88, s3;
	s6 =	simm.s32 @!p1 $0x1082;
	[sflag:s4] =	ssyncset.s32 $0xFFFFF086  }
0x25: {  	[simem:s6], [sflag:s4] =	dma.local [hbm:s3], $0xF7A  }
0x26: {  	[smem:$0x3F9E] =	sst s1;
	(tag) =	ssettag s2;
	_ =	strace s9  }
0x27: {  	s1 =	sld [smem:$0x3FAE]  }
0x28: {  	s2 =	sld [smem:$0x3FAF]  }
0x29: {  	s4 =	sld [smem:$0x3FB1]  }
0x2a: {  	p0 =	seq.s32 s5, $0x0;
	s5 =	sld [smem:$0x3FB2]  }
0x2b: {  	s6 =	sld [smem:$0x3FB3]  }
0x2c: {  	s7 =	sld [smem:$0x3FB4]  }
0x2d: {  	s3 =	simm.s32 $0x108;
	s8 =	sld [smem:$0x3FB5]  }
0x2e: {  	s3 =	simm.s32 @!p0 $0x1082;
	s9 =	sld [smem:$0x3FB6]  }
0x2f: {  	lr =	sadd.s32 s0, s3;
	s0 =	sld [smem:$0x3FAD]  }
0x30: {  	s3 =	sld [smem:$0x3FB0]  }
0x31: {  	[smem:$0x3FB9] =	sst s10  }
0x32: {  	s10 =	sld [smem:$0x3FB7];
	_ =	sdelay $0x3  }
0x33: {  	p0 =	seq.s32 s10, $0x1;
	s10 =	sld [smem:$0x3FB9];
	_ =	sdelay $0x3  }
0x34: {  	[smem:$0x3FB9] =	sst s10  }
0x35: {  	s10 =	sld [smem:$0x3FB8];
	_ =	sdelay $0x3  }
0x36: {  	p1 =	seq.s32 s10, $0x1;
	s10 =	sld [smem:$0x3FB9];
	_ =	sdelay $0x3  }
0x37: {  	[smem:$0x3FB9] =	sst s10  }
0x38: {  	s10 =	sld [smem:$0x3FBA]  }
0x39: {  	_ = 	snop;
	(pc) =	sbr.ind lr, $3  }
0x3a: {  	_ = 	snop  }
0x3b: {  	_ = 	snop  }
0x3c: {  	p2 =	seq.s32 s10, $0x1;
	s10 =	sld [smem:$0x3FB9]  }
0x3d: {  	_ =	shalt  }
0x3e: {  	_ =	shalt  }
0x3f: {  	_ =	shalt  }
0x40: {  	_ =	shalt  }
0x41: {  	_ =	shalt  }
0x42: {  	_ =	shalt  }
0x43: {  	_ =	shalt  }
0x44: {  	_ =	shalt  }
0x45: {  	_ =	shalt  }
0x46: {  	_ =	shalt  }
0x47: {  	_ =	shalt  }
0x48: {  	_ =	shalt  }
0x49: {  	_ =	shalt  }
0x4a: {  	_ =	shalt  }
0x4b: {  	_ =	shalt  }
0x4c: {  	_ =	shalt  }
0x4d: {  	_ =	shalt  }
0x4e: {  	_ =	shalt  }
0x4f: {  	_ =	shalt  }
0x50: {  	_ =	shalt  }
0x51: {  	_ =	shalt  }
0x52: {  	_ =	shalt  }
0x53: {  	_ =	shalt  }
0x54: {  	_ =	shalt  }
0x55: {  	_ =	shalt  }
0x56: {  	_ =	shalt  }
0x57: {  	_ =	shalt  }
0x58: {  	_ =	shalt  }
0x59: {  	_ =	shalt  }
0x5a: {  	_ =	shalt  }
0x5b: {  	_ =	shalt  }
0x5c: {  	_ =	shalt  }
0x5d: {  	_ =	shalt  }
0x5e: {  	_ =	shalt  }
0x5f: {  	_ =	shalt  }
0x60: {  	_ =	shalt  }
0x61: {  	_ =	shalt  }
0x62: {  	_ =	shalt  }
0x63: {  	_ =	shalt  }
0x64: {  	_ =	shalt  }
0x65: {  	_ =	shalt  }
0x66: {  	_ =	shalt  }
0x67: {  	_ =	shalt  }
0x68: {  	_ =	shalt  }
0x69: {  	_ =	shalt  }
0x6a: {  	_ =	shalt  }
0x6b: {  	_ =	shalt  }
0x6c: {  	_ =	shalt  }
0x6d: {  	_ =	shalt  }
0x6e: {  	_ =	shalt  }
0x6f: {  	_ =	shalt  }
0x70: {  	_ =	shalt  }
0x71: {  	_ =	shalt  }
0x72: {  	_ =	shalt  }
0x73: {  	_ =	shalt  }
0x74: {  	_ =	shalt  }
0x75: {  	_ =	shalt  }
0x76: {  	_ =	shalt  }
0x77: {  	_ =	shalt  }
0x78: {  	_ =	shalt  }
0x79: {  	_ =	shalt  }
0x7a: {  	_ =	shalt  }
0x7b: {  	_ =	shalt  }
0x7c: {  	_ =	shalt  }
0x7d: {  	_ =	shalt  }
0x7e: {  	_ =	shalt  }
0x7f: {  	_ =	shalt  }
0x80: {  	_ =	shalt  }
0x81: {  	_ =	shalt  }
0x82: {  	_ =	shalt  }
0x83: {  	_ =	shalt  }
0x84: {  	_ =	shalt  }
0x85: {  	_ =	shalt  }
0x86: {  	_ =	shalt  }
0x87: {  	_ =	shalt  }
.Lfunc_end0:
.L_simem_size_0:
called_computation.1_lowered:
.L_overlay_start_0:
0x88: {  	s2 =	sld [smem:$0x3FD9]  }
0x89: {  	s3 =	sld [smem:$0x3FFE];
	_ =	sdelay $0x1  }
0x8a: {  	s1 =	srdreg.scid  }
0x8b: {  	s0 =	sand.u32 $0x1, s1  }
0x8c: {  	s17 =	sshll.u32 s0, $0xA;
	s2 =	sadd.s32 s3, s2  }
0x8d: {  	s2 =	sadd.s32 s2, s17  }
0x8e: {  	[smem:$0x3FC5] =	sst s2  }
0x8f: {  	_ = 	snop  }
0x90: {  	s2 =	sld [smem:$0x3FD0];
	(tm) =	ssettm $0x1  }
0x91: {  	s18 =	sld [smem:$0x3FFB];
	_ =	sdelay $0x3  }
0x92: {  	_ =	strace s18  }
0x93: {  	s3 =	sld [smem:$0x3FFC];
	_ =	sdelay $0x3  }
0x94: {  	_ =	strace s3  }
0x95: {  	s3 =	sld [smem:$0x3FFD];
	_ =	sdelay $0x3  }
0x96: {  	_ =	strace s3  }
0x97: {  	_ =	strace $0x8FFFFFFF  }
0x98: {  	s19 =	sld [smem:$0x3FDB];
	_ =	sdelay $0x1  }
0x99: {  	s4 =	simm.s32 $_scs_section_size  }
0x9a: {  	s5 =	simm.s32 $_size__tile_overlayer_lowered;
	s6 =	simm.s32 $_tile_overlayer_lowered  }
0x9b: {  	s22 =	simm.s32 $0x1BFF;
	s21 =	sshll.u32 s6, $0x1;
	s3 =	sadd.s32 s4, s19  }
0x9c: {  	s7 =	simm.s32 $0x0;
	s20 =	sshll.u32 s5, $0x1;
	s5 =	sadd.s32 s21, s3  }
0x9d: {  	[timem:s7], [sflag:s22] =	dma.local [hbm:s5], s20  }
0x9e: {  	_ =	swait.ge [sflag:s22], s20  }
0x9f: {  	s4 =	ssub.s32 $0x0, s20;
	[sflag:s22] =	ssyncset.done $0x0  }
0xa0: {  	[sflag:s22] =	ssyncadd.s32 s4;
	_ =	sdelay $0x1  }
0xa1: {  	s23 =	simm.s32 $0x1B8B  }
0xa2: {  	_ =	swait.ge [sflag:s23], $0x1  }
0xa3: {  	[sflag:s23] =	ssyncset.done $0x0  }
0xa4: {  	s25 =	simm.s32 $0x1B8E;
	s24 =	sld [smem:$0x3FFE];
	[sflag:s23] =	ssyncadd.s32 $0xFFFFFFFF  }
0xa5: {  	s26 =	simm.s32 $execute0_lowered;
	[smem:$0x3FD2] =	sst s25  }
0xa6: {  	s5 =	sshll.u32 s26, $0x1;
	_ =	strace $0x80000046;
	[dreg:$0x1] =	wrdreg $0xFFFFFFFF  }
0xa7: {  	s28 =	simm.s32 $_size_execute0_lowered;
	s3 =	sadd.s32 s3, s5;
	[dreg:$0x0] =	wrdreg $0x0  }
0xa8: {  	s5 =	sshll.u32 s28, $0x1;
	[dreg:$0x2] =	wrdreg s3  }
0xa9: {  	[dreg:$0x3] =	wrdreg s5  }
0xaa: {  	[dreg:$0x4] =	wrdreg $0xC0  }
0xab: {  	_ =	task [dreg:s7], $0x5FFFF  }
0xac: {  	[dreg:$0x1] =	wrdreg $0xFFFFFFFF  }
0xad: {  	[dreg:$0x0] =	wrdreg $0x60  }
0xae: {  	[dreg:$0x2] =	wrdreg s24  }
0xaf: {  	[dreg:$0x3] =	wrdreg s2  }
0xb0: {  	[dreg:$0x4] =	wrdreg $0x9  }
0xb1: {  	_ =	task.clear_ibuf [dreg:s7], $0x5FFFF;
	_ =	strace $0x90000046  }
0xb2: {  	s29 =	simm.s32 $0x9;
	_ =	strace $0x80000048  }
0xb3: {  	_ =	swait.ge [sflag:s29], $0x1  }
0xb4: {  	[sflag:s29] =	ssyncadd.s32 $0xFFFFFFFF  }
0xb5: {  	_ =	strace $0x90000048  }
0xb6: {  	_ =	sfence  }
0xb7: {  	s30 =	sld [smem:$0x0];
	_ =	sdelay $0x2  }
0xb8: {  	s31 =	sshll.u32 s1, $0xD;
	s1 =	sshrl.u32 s1, $0x2  }
0xb9: {  	s3 =	sand.u32 $0x4000, s31;
	s1 =	sadd.s32 s1, s30  }
0xba: {  	s0 =	sor.u32 s3, s0;
	s1 =	sshll.u32 s1, $0x11  }
0xbb: {  	s0 =	sor.u32 s1, s0  }
0xbc: {  	s0 =	sadd.s32 $0x8F2B, s0  }
0xbd: {  	[sflag:s0] =	ssyncadd.remote.s32 $0x1  }
0xbe: {  	_ =	sfence.sel $0xFFFF  }
0xbf: {  	[dreg:$0x0] =	wrdreg $0xFFFFFFFF;
	(pc) =	sbr.abs _section_cstart, $3  }
0xc0: {  	[dreg:$0x1] =	wrdreg $0xFFFFFFFF  }
0xc1: {  	_ =	task.clear_ibuf [dreg:s7], $0x2FFFF;
	_ =	strace $0x9FFFFFFF  }
0xc2: {  	(tm) =	ssettm $0x7FFFFFFF  }
0xc3: {  	_ =	shalt  }
tec
execute0_lowered:
.L_overlay_start_1:
0x0: {  	(tag) =	ssettag $0x1  }
0x1: {  	s0 =	rddreg [dreg:$0x0]  }
0x2: {  	s2 =	rddreg [dreg:$0x1];
	s4 =	srdreg.scid  }
0x3: {  	s1 =	stileid.u32;
	s3 =	simm.s32 $0x0;
	s12 =	simm.s32 $0x5  }
0x4: {  	s13 =	simm.s32 $0x80;
	s14 =	simm.s32 $0x200;
	s15 =	simm.s32 $0x100  }
0x5: {  	s16 =	simm.s32 $0x2200;
	s17 =	simm.s32 $0x180;
	s18 =	simm.s32 $0x1  }
0x6: {  	s19 =	simm.s32 $0x4200;
	s20 =	simm.s32 $0x2;
	s21 =	simm.s32 $0x6200  }
0x7: {  	s22 =	simm.s32 $0x3;
	s23 =	simm.s32 $0x4;
	s24 =	simm.s32 $0x0  }
0x8: {  	s4 =	sand.u32 $0x1, s4;
	s5 =	sshll.u32 s1, $0x1;
	[smem:$0x7FF] =	sst s3  }
0x9: {  	s6 =	sadd.s32 $0xD800, s0;
	s9 =	sor.u32 s4, s5;
	_ =	strace $0x80000047  }
0xa: {  	s7 =	ssub.s32 $0x2, s4;
	s4 =	sadd.s32 $0x800, s0;
	s10 =	smul.u32 $0x3400, s9  }
0xb: {  	s5 =	sadd.s32 $0xF42C00, s0;
	s8 =	sshrl.u32 s7, $0x1;
	s9 =	smul.u32 $0xD0000, s9  }
0xc: {  	s30 =	ssub.s32 s7, s8;
	s31 =	sshrl.u32 s10, $0x3;
	s8 =	sor.u32 $0x80, s10  }
0xd: {  	s10 =	sor.u32 $0x100, s10;
	s11 =	smax.u32 s30, $0x1;
	s7 =	sadd.s32 s4, s31  }
.LBB2_1:
0xe: {  	[tilespmem:s3], [sflag:$0x5] =	stream.linear.gather [hbm4b:s7+s3], $0x80, $0x38;
	[tilespmem:$0x8200] =	vst v63  }
0xf: {  	_ =	swait.ge [sflag:s12], $0x80  }
0x10: {  	[sflag:s12] =	ssyncset.done $0x0  }
0x11: {  	[sflag:s12] =	ssyncadd.s32 $0xFFFFFF80  }
0x12: {  	[tilespmem:s14], [sflag:$0x1] =	stream.indirect.gather [hbm4b:s5+s13], $0x40, s3, s13, $0xb8;
	[tilespmem:$0x8200] =	vst v63  }
0x13: {  	s25 =	simm.s32 $0x0  }
0x14: {  	[tilespmem:s15], [sflag:$0x1] =	stream.indirect.gather [hbm4b:s6+s13], $0x1, s3, s13, $0xb8;
	[tilespmem:$0x8200] =	vst v63  }
.LBB2_2:
0x15: {  	s26 =	sshll.u32 s25, $0x8  }
0x16: {  	s0 =	sadd.s32 s26, s8  }
0x17: {  	s0 =	sshrl.u32 s0, $0x3  }
0x18: {  	s0 =	sadd.s32 s4, s0  }
0x19: {  	[tilespmem:s13], [sflag:$0x5] =	stream.linear.gather [hbm4b:s0+s3], $0x80, $0x38;
	[tilespmem:$0x8200] =	vst v63  }
0x1a: {  	_ =	swait.ge [sflag:s12], $0x80  }
0x1b: {  	[sflag:s12] =	ssyncset.done $0x0  }
0x1c: {  	[sflag:s12] =	ssyncadd.s32 $0xFFFFFF80  }
0x1d: {  	[tilespmem:s16], [sflag:$0x2] =	stream.indirect.gather [hbm4b:s5+s13], $0x40, s13, s13, $0xb8;
	[tilespmem:$0x8200] =	vst v63  }
0x1e: {  	_ = 	snop  }
0x1f: {  	[tilespmem:s17], [sflag:$0x2] =	stream.indirect.gather [hbm4b:s6+s13], $0x1, s13, s13, $0xb8;
	[tilespmem:$0x8200] =	vst v63  }
0x20: {  	_ =	swait.ge [sflag:s18], $0x2000  }
0x21: {  	[sflag:s18] =	ssyncset.done $0x0  }
0x22: {  	[sflag:s18] =	ssyncadd.s32 $0xFFFFE000  }
0x23: {  	_ =	swait.ge [sflag:s18], $0x80  }
0x24: {  	p0 =	seq.s32 s25, $0x0;
	[sflag:s18] =	ssyncset.done $0x0  }
0x25: {  	s0 =	simm.s32 @!p0 $0x3;
	[sflag:s18] =	ssyncadd.s32 $0xFFFFFF80  }
0x26: {  	_ =	swait.ge @!p0 [sflag:s0], $0x2000  }
0x27: {  	[sflag:s0] =	ssyncset.done @!p0 $0x0  }
0x28: {  	s28 =	simm.s32 $0x0;
	[sflag:s0] =	ssyncadd.s32 @!p0 $0xFFFFE000  }
0x29: {  	v30 =	vld [tilespmem:s28+$0x200]  }
0x2a: {  	v31 =	vld [tilespmem:s28+$0x210]  }
0x2b: {  	v29 =	vld [tilespmem:s28+$0x220]  }
0x2c: {  	v28 =	vld [tilespmem:s28+$0x230]  }
0x2d: {  	v26 =	vld [tilespmem:s28+$0x240]  }
0x2e: {  	v27 =	vld [tilespmem:s28+$0x250]  }
0x2f: {  	v25 =	vld [tilespmem:s28+$0x260]  }
0x30: {  	v24 =	vld [tilespmem:s28+$0x270]  }
0x31: {  	v22 =	vld [tilespmem:s28+$0x280]  }
0x32: {  	v23 =	vld [tilespmem:s28+$0x290]  }
0x33: {  	v21 =	vld [tilespmem:s28+$0x2A0]  }
0x34: {  	v20 =	vld [tilespmem:s28+$0x2B0]  }
0x35: {  	v18 =	vld [tilespmem:s28+$0x2C0]  }
0x36: {  	v19 =	vld [tilespmem:s28+$0x2D0]  }
0x37: {  	v17 =	vld [tilespmem:s28+$0x2E0]  }
0x38: {  	v16 =	vld [tilespmem:s28+$0x2F0]  }
0x39: {  	v14 =	vld [tilespmem:s28+$0x300]  }
0x3a: {  	v15 =	vld [tilespmem:s28+$0x310]  }
0x3b: {  	v13 =	vld [tilespmem:s28+$0x320]  }
0x3c: {  	v12 =	vld [tilespmem:s28+$0x330]  }
0x3d: {  	v10 =	vld [tilespmem:s28+$0x340]  }
0x3e: {  	v11 =	vld [tilespmem:s28+$0x350]  }
0x3f: {  	v9 =	vld [tilespmem:s28+$0x360]  }
0x40: {  	v8 =	vld [tilespmem:s28+$0x370]  }
0x41: {  	v6 =	vld [tilespmem:s28+$0x380]  }
0x42: {  	v7 =	vld [tilespmem:s28+$0x390]  }
0x43: {  	v3 =	vld [tilespmem:s28+$0x3A0]  }
0x44: {  	v5 =	vld [tilespmem:s28+$0x3B0]  }
0x45: {  	v2 =	vld [tilespmem:s28+$0x3C0]  }
0x46: {  	v4 =	vld [tilespmem:s28+$0x3D0]  }
0x47: {  	s30 =	simm.s32 $0x100;
	v1 =	vld [tilespmem:s28+$0x3E0]  }
0x48: {  	s29 =	sshll.u32 s25, $0x1;
	s31 =	simm.s32 $0x1000;
	v0 =	vld [tilespmem:s30+$0x0]  }
.LBB2_3:
0x49: {  	p1 =	sne.s32 s31, $0x7000;
	v32 =	vld [tilespmem:s28+$0x3F0]  }
0x4a: {  	v33 =	vld [tilespmem:s28+$0x400]  }
0x4b: {  	v34 =	vld [tilespmem:s28+$0x410]  }
0x4c: {  	v35 =	vld [tilespmem:s28+$0x420]  }
0x4d: {  	v36 =	vbroadcast v0, $0x0;
	v37 =	vbroadcast v0, $0x1;
	v38 =	vld [tilespmem:s28+$0x430]  }
0x4e: {  	v39 =	vbroadcast v0, $0x2;
	v40 =	vbroadcast v0, $0x3;
	v41 =	vld [tilespmem:s28+$0x440]  }
0x4f: {  	v42 =	vbroadcast v0, $0x4;
	v30 =	vadd.f32 v36, v30;
	v31 =	vadd.f32 v31, v36;
	v43 =	vld [tilespmem:s28+$0x450]  }
0x50: {  	v29 =	vadd.f32 v29, v36;
	v28 =	vadd.f32 v28, v36;
	v36 =	vbroadcast v0, $0x5;
	v44 =	vld [tilespmem:s28+$0x460]  }
0x51: {  	v26 =	vadd.f32 v26, v37;
	v27 =	vadd.f32 v27, v37;
	[tilespmem:s28+$0x4200] =	vst v30;
	v30 =	vbroadcast v0, $0x6;
	v45 =	vld [tilespmem:s28+$0x470]  }
0x52: {  	v25 =	vadd.f32 v25, v37;
	v24 =	vadd.f32 v24, v37;
	[tilespmem:s28+$0x4210] =	vst v31;
	v31 =	vbroadcast v0, $0x7;
	v37 =	vld [tilespmem:s28+$0x480]  }
0x53: {  	v22 =	vadd.f32 v22, v39;
	v23 =	vadd.f32 v23, v39;
	[tilespmem:s28+$0x4220] =	vst v29;
	v29 =	vbroadcast v0, $0x8;
	v46 =	vld [tilespmem:s28+$0x490]  }
0x54: {  	v21 =	vadd.f32 v21, v39;
	v20 =	vadd.f32 v20, v39;
	[tilespmem:s28+$0x4230] =	vst v28;
	v28 =	vbroadcast v0, $0x9;
	v39 =	vld [tilespmem:s28+$0x4A0]  }
0x55: {  	v18 =	vadd.f32 v18, v40;
	v19 =	vadd.f32 v19, v40;
	[tilespmem:s28+$0x4240] =	vst v26;
	v26 =	vbroadcast v0, $0xA;
	v47 =	vld [tilespmem:s28+$0x4B0]  }
0x56: {  	v17 =	vadd.f32 v17, v40;
	v16 =	vadd.f32 v16, v40;
	[tilespmem:s28+$0x4250] =	vst v27;
	v27 =	vbroadcast v0, $0xB;
	v40 =	vld [tilespmem:s28+$0x4C0]  }
0x57: {  	v48 =	vbroadcast v0, $0xC;
	v14 =	vadd.f32 v14, v42;
	v15 =	vadd.f32 v15, v42;
	[tilespmem:s28+$0x4260] =	vst v25;
	v25 =	vld [tilespmem:s28+$0x4D0]  }
0x58: {  	v13 =	vadd.f32 v13, v42;
	v12 =	vadd.f32 v12, v42;
	v42 =	vbroadcast v0, $0xD;
	[tilespmem:s28+$0x4270] =	vst v24;
	v24 =	vld [tilespmem:s28+$0x4E0]  }
0x59: {  	v49 =	vbroadcast v0, $0xE;
	v10 =	vadd.f32 v10, v36;
	v11 =	vadd.f32 v11, v36;
	[tilespmem:s28+$0x4280] =	vst v22;
	v22 =	vld [tilespmem:s28+$0x4F0]  }
0x5a: {  	v9 =	vadd.f32 v9, v36;
	v8 =	vadd.f32 v8, v36;
	v0 =	vbroadcast v0, $0xF;
	[tilespmem:s28+$0x4290] =	vst v23;
	v23 =	vld [tilespmem:s28+$0x500]  }
0x5b: {  	v6 =	vadd.f32 v6, v30;
	v7 =	vadd.f32 v7, v30;
	[tilespmem:s28+$0x42A0] =	vst v21;
	v21 =	vld [tilespmem:s28+$0x510]  }
0x5c: {  	v3 =	vadd.f32 v3, v30;
	v5 =	vadd.f32 v5, v30;
	[tilespmem:s28+$0x42B0] =	vst v20;
	v20 =	vld [tilespmem:s28+$0x520]  }
0x5d: {  	v2 =	vadd.f32 v2, v31;
	v4 =	vadd.f32 v4, v31;
	[tilespmem:s28+$0x42C0] =	vst v18;
	v18 =	vld [tilespmem:s28+$0x530]  }
0x5e: {  	v1 =	vadd.f32 v1, v31;
	[tilespmem:s28+$0x42D0] =	vst v19;
	v19 =	vadd.f32 v32, v31;
	v30 =	vld [tilespmem:s28+$0x540]  }
0x5f: {  	v31 =	vadd.f32 v34, v29;
	[tilespmem:s28+$0x42E0] =	vst v17;
	v17 =	vadd.f32 v33, v29;
	v32 =	vld [tilespmem:s28+$0x550]  }
0x60: {  	v33 =	vadd.f32 v38, v29;
	[tilespmem:s28+$0x42F0] =	vst v16;
	v16 =	vadd.f32 v35, v29;
	v29 =	vld [tilespmem:s28+$0x560]  }
0x61: {  	v34 =	vadd.f32 v43, v28;
	[tilespmem:s28+$0x4300] =	vst v14;
	v14 =	vadd.f32 v41, v28;
	v35 =	vld [tilespmem:s28+$0x570]  }
0x62: {  	v36 =	vadd.f32 v45, v28;
	[tilespmem:s28+$0x4310] =	vst v15;
	v15 =	vadd.f32 v44, v28;
	v28 =	vld [tilespmem:s28+$0x580]  }
0x63: {  	[tilespmem:s28+$0x4320] =	vst v13;
	v13 =	vadd.f32 v37, v26;
	v37 =	vadd.f32 v46, v26;
	v38 =	vld [tilespmem:s28+$0x590]  }
0x64: {  	[tilespmem:s28+$0x4330] =	vst v12;
	v12 =	vadd.f32 v39, v26;
	v39 =	vadd.f32 v47, v26;
	v26 =	vld [tilespmem:s28+$0x5A0]  }
0x65: {  	[tilespmem:s28+$0x4340] =	vst v10;
	v10 =	vadd.f32 v40, v27;
	v40 =	vadd.f32 v25, v27;
	v25 =	vld [tilespmem:s28+$0x5B0]  }
0x66: {  	v41 =	vadd.f32 v22, v27;
	[tilespmem:s28+$0x4350] =	vst v11;
	v11 =	vadd.f32 v24, v27;
	v22 =	vld [tilespmem:s28+$0x5C0]  }
0x67: {  	v43 =	vadd.f32 v21, v48;
	[tilespmem:s28+$0x4360] =	vst v9;
	v9 =	vadd.f32 v23, v48;
	v21 =	vld [tilespmem:s28+$0x5D0]  }
0x68: {  	v44 =	vadd.f32 v18, v48;
	[tilespmem:s28+$0x4370] =	vst v8;
	v8 =	vadd.f32 v20, v48;
	v18 =	vld [tilespmem:s28+$0x5E0]  }
0x69: {  	v32 =	vadd.f32 v32, v42;
	[tilespmem:s28+$0x4380] =	vst v6;
	v6 =	vadd.f32 v30, v42;
	v20 =	vld [tilespmem:s28+$0x5F0]  }
0x6a: {  	v35 =	vadd.f32 v35, v42;
	[tilespmem:s28+$0x4390] =	vst v7;
	v7 =	vadd.f32 v29, v42  }
0x6b: {  	v38 =	vadd.f32 v38, v49;
	[tilespmem:s28+$0x43A0] =	vst v3;
	v3 =	vadd.f32 v28, v49  }
0x6c: {  	v42 =	vadd.f32 v25, v49;
	[tilespmem:s28+$0x43B0] =	vst v5;
	v5 =	vadd.f32 v26, v49  }
0x6d: {  	v45 =	vadd.f32 v21, v0;
	[tilespmem:s28+$0x43C0] =	vst v2;
	v2 =	vadd.f32 v22, v0  }
0x6e: {  	v46 =	vadd.f32 v18, v0;
	[tilespmem:s28+$0x43D0] =	vst v4;
	v0 =	vadd.f32 v20, v0  }
0x6f: {  	[tilespmem:s28+$0x43E0] =	vst v1  }
0x70: {  	[tilespmem:s28+$0x43F0] =	vst v19  }
0x71: {  	s0 =	sshra.s32 s31, $0x2;
	[tilespmem:s28+$0x4400] =	vst v17  }
0x72: {  	v30 =	vld [tilespmem:s0+$0x200];
	[tilespmem:s28+$0x4410] =	vst v31  }
0x73: {  	v31 =	vld [tilespmem:s0+$0x210];
	[tilespmem:s28+$0x4420] =	vst v16  }
0x74: {  	v29 =	vld [tilespmem:s0+$0x220];
	[tilespmem:s28+$0x4430] =	vst v33  }
0x75: {  	v28 =	vld [tilespmem:s0+$0x230];
	[tilespmem:s28+$0x4440] =	vst v14  }
0x76: {  	v26 =	vld [tilespmem:s0+$0x240];
	[tilespmem:s28+$0x4450] =	vst v34  }
0x77: {  	v27 =	vld [tilespmem:s0+$0x250];
	[tilespmem:s28+$0x4460] =	vst v15  }
0x78: {  	v25 =	vld [tilespmem:s0+$0x260];
	[tilespmem:s28+$0x4470] =	vst v36  }
0x79: {  	v24 =	vld [tilespmem:s0+$0x270];
	[tilespmem:s28+$0x4480] =	vst v13  }
0x7a: {  	v22 =	vld [tilespmem:s0+$0x280];
	[tilespmem:s28+$0x4490] =	vst v37  }
0x7b: {  	v23 =	vld [tilespmem:s0+$0x290];
	[tilespmem:s28+$0x44A0] =	vst v12  }
0x7c: {  	v21 =	vld [tilespmem:s0+$0x2A0];
	[tilespmem:s28+$0x44B0] =	vst v39  }
0x7d: {  	v20 =	vld [tilespmem:s0+$0x2B0];
	[tilespmem:s28+$0x44C0] =	vst v10  }
0x7e: {  	v18 =	vld [tilespmem:s0+$0x2C0];
	[tilespmem:s28+$0x44D0] =	vst v40  }
0x7f: {  	v19 =	vld [tilespmem:s0+$0x2D0];
	[tilespmem:s28+$0x44E0] =	vst v11  }
0x80: {  	v17 =	vld [tilespmem:s0+$0x2E0];
	[tilespmem:s28+$0x44F0] =	vst v41  }
0x81: {  	v16 =	vld [tilespmem:s0+$0x2F0];
	[tilespmem:s28+$0x4500] =	vst v9  }
0x82: {  	v14 =	vld [tilespmem:s0+$0x300];
	[tilespmem:s28+$0x4510] =	vst v43  }
0x83: {  	v15 =	vld [tilespmem:s0+$0x310];
	[tilespmem:s28+$0x4520] =	vst v8  }
0x84: {  	v13 =	vld [tilespmem:s0+$0x320];
	[tilespmem:s28+$0x4530] =	vst v44  }
0x85: {  	v12 =	vld [tilespmem:s0+$0x330];
	[tilespmem:s28+$0x4540] =	vst v6  }
0x86: {  	v10 =	vld [tilespmem:s0+$0x340];
	[tilespmem:s28+$0x4550] =	vst v32  }
0x87: {  	v11 =	vld [tilespmem:s0+$0x350];
	[tilespmem:s28+$0x4560] =	vst v7  }
0x88: {  	v9 =	vld [tilespmem:s0+$0x360];
	[tilespmem:s28+$0x4570] =	vst v35  }
0x89: {  	v8 =	vld [tilespmem:s0+$0x370];
	[tilespmem:s28+$0x4580] =	vst v3  }
0x8a: {  	v6 =	vld [tilespmem:s0+$0x380];
	[tilespmem:s28+$0x4590] =	vst v38  }
0x8b: {  	v7 =	vld [tilespmem:s0+$0x390];
	[tilespmem:s28+$0x45A0] =	vst v5  }
0x8c: {  	v3 =	vld [tilespmem:s0+$0x3A0];
	[tilespmem:s28+$0x45B0] =	vst v42  }
.Ltmp0:
0x8d: {  	v5 =	vld [tilespmem:s0+$0x3B0];
	[tilespmem:s28+$0x45C0] =	vst v2;
	(pc) =	sbr.rel @p1 .LBB2_3-.Ltmp0, $4  }
0x8e: {  	v2 =	vld [tilespmem:s0+$0x3C0];
	[tilespmem:s28+$0x45D0] =	vst v45  }
0x8f: {  	v4 =	vld [tilespmem:s0+$0x3D0];
	[tilespmem:s28+$0x45E0] =	vst v46  }
0x90: {  	s30 =	sadd.s32 $0x10, s30;
	v1 =	vld [tilespmem:s0+$0x3E0];
	[tilespmem:s28+$0x45F0] =	vst v0;
	s28 =	smov.u32 s0  }
0x91: {  	s31 =	sadd.s32 $0x1000, s31;
	v0 =	vld [tilespmem:s30+$0x0]  }
0x92: {  	_ =	sdelay $0x3  }
0x93: {  	v36 =	vbroadcast v0, $0x0;
	_ =	sdelay $0x1  }
0x94: {  	v30 =	vadd.f32 v36, v30  }
0x95: {  	v31 =	vadd.f32 v31, v36  }
0x96: {  	v41 =	vbroadcast v0, $0x1;
	v29 =	vadd.f32 v29, v36;
	[tilespmem:s28+$0x4200] =	vst v30  }
0x97: {  	v28 =	vadd.f32 v28, v36;
	[tilespmem:s28+$0x4210] =	vst v31  }
0x98: {  	v26 =	vadd.f32 v26, v41;
	[tilespmem:s28+$0x4220] =	vst v29  }
0x99: {  	v27 =	vadd.f32 v27, v41;
	[tilespmem:s28+$0x4230] =	vst v28  }
0x9a: {  	v58 =	vbroadcast v0, $0x2;
	v25 =	vadd.f32 v25, v41;
	[tilespmem:s28+$0x4240] =	vst v26  }
0x9b: {  	v24 =	vadd.f32 v24, v41;
	[tilespmem:s28+$0x4250] =	vst v27  }
0x9c: {  	v22 =	vadd.f32 v22, v58;
	[tilespmem:s28+$0x4260] =	vst v25  }
0x9d: {  	v23 =	vadd.f32 v23, v58;
	[tilespmem:s28+$0x4270] =	vst v24  }
0x9e: {  	v59 =	vbroadcast v0, $0x3;
	v21 =	vadd.f32 v21, v58;
	[tilespmem:s28+$0x4280] =	vst v22  }
0x9f: {  	v20 =	vadd.f32 v20, v58;
	[tilespmem:s28+$0x4290] =	vst v23  }
0xa0: {  	v18 =	vadd.f32 v18, v59;
	[tilespmem:s28+$0x42A0] =	vst v21  }
0xa1: {  	v19 =	vadd.f32 v19, v59;
	[tilespmem:s28+$0x42B0] =	vst v20  }
0xa2: {  	v60 =	vbroadcast v0, $0x4;
	v17 =	vadd.f32 v17, v59;
	[tilespmem:s28+$0x42C0] =	vst v18  }
0xa3: {  	v16 =	vadd.f32 v16, v59;
	[tilespmem:s28+$0x42D0] =	vst v19  }
0xa4: {  	v14 =	vadd.f32 v14, v60;
	[tilespmem:s28+$0x42E0] =	vst v17  }
0xa5: {  	v15 =	vadd.f32 v15, v60;
	[tilespmem:s28+$0x42F0] =	vst v16  }
0xa6: {  	v61 =	vbroadcast v0, $0x5;
	v13 =	vadd.f32 v13, v60;
	[tilespmem:s28+$0x4300] =	vst v14  }
0xa7: {  	v12 =	vadd.f32 v12, v60;
	[tilespmem:s28+$0x4310] =	vst v15  }
0xa8: {  	v10 =	vadd.f32 v10, v61;
	[tilespmem:s28+$0x4320] =	vst v13  }
0xa9: {  	v11 =	vadd.f32 v11, v61;
	[tilespmem:s28+$0x4330] =	vst v12  }
0xaa: {  	v62 =	vbroadcast v0, $0x6;
	v9 =	vadd.f32 v9, v61;
	[tilespmem:s28+$0x4340] =	vst v10  }
0xab: {  	v8 =	vadd.f32 v8, v61;
	[tilespmem:s28+$0x4350] =	vst v11  }
0xac: {  	v6 =	vadd.f32 v6, v62;
	[tilespmem:s28+$0x4360] =	vst v9  }
0xad: {  	v7 =	vadd.f32 v7, v62;
	[tilespmem:s28+$0x4370] =	vst v8  }
0xae: {  	v32 =	vld [tilespmem:s28+$0x3F0];
	v3 =	vadd.f32 v3, v62;
	[tilespmem:s28+$0x4380] =	vst v6;
	v6 =	vbroadcast v0, $0x7  }
0xaf: {  	v33 =	vld [tilespmem:s28+$0x400];
	v5 =	vadd.f32 v5, v62;
	[tilespmem:s28+$0x4390] =	vst v7  }
0xb0: {  	v34 =	vld [tilespmem:s28+$0x410];
	[tilespmem:s28+$0x43A0] =	vst v3;
	v2 =	vadd.f32 v2, v6  }
0xb1: {  	v35 =	vld [tilespmem:s28+$0x420];
	[tilespmem:s28+$0x43B0] =	vst v5;
	v3 =	vadd.f32 v4, v6  }
0xb2: {  	v37 =	vld [tilespmem:s28+$0x430];
	v4 =	vbroadcast v0, $0x8;
	v1 =	vadd.f32 v1, v6;
	[tilespmem:s28+$0x43C0] =	vst v2  }
0xb3: {  	v38 =	vld [tilespmem:s28+$0x440];
	v2 =	vadd.f32 v32, v6;
	[tilespmem:s28+$0x43D0] =	vst v3  }
0xb4: {  	v39 =	vld [tilespmem:s28+$0x450];
	v3 =	vadd.f32 v33, v4;
	[tilespmem:s28+$0x43E0] =	vst v1  }
0xb5: {  	v40 =	vld [tilespmem:s28+$0x460];
	v1 =	vadd.f32 v34, v4;
	[tilespmem:s28+$0x43F0] =	vst v2  }
0xb6: {  	v30 =	vld [tilespmem:s28+$0x470];
	v5 =	vadd.f32 v35, v4;
	v2 =	vbroadcast v0, $0x9;
	[tilespmem:s28+$0x4400] =	vst v3  }
0xb7: {  	v31 =	vld [tilespmem:s28+$0x480];
	v3 =	vadd.f32 v37, v4;
	[tilespmem:s28+$0x4410] =	vst v1  }
0xb8: {  	v29 =	vld [tilespmem:s28+$0x490];
	[tilespmem:s28+$0x4420] =	vst v5;
	v1 =	vadd.f32 v38, v2  }
0xb9: {  	v28 =	vld [tilespmem:s28+$0x4A0];
	v4 =	vadd.f32 v39, v2;
	[tilespmem:s28+$0x4430] =	vst v3  }
0xba: {  	v26 =	vld [tilespmem:s28+$0x4B0];
	v3 =	vbroadcast v0, $0xA;
	v5 =	vadd.f32 v40, v2;
	[tilespmem:s28+$0x4440] =	vst v1  }
0xbb: {  	v27 =	vld [tilespmem:s28+$0x4C0];
	v1 =	vadd.f32 v30, v2;
	[tilespmem:s28+$0x4450] =	vst v4  }
0xbc: {  	v25 =	vld [tilespmem:s28+$0x4D0];
	v2 =	vadd.f32 v31, v3;
	[tilespmem:s28+$0x4460] =	vst v5  }
0xbd: {  	v24 =	vld [tilespmem:s28+$0x4E0];
	v4 =	vadd.f32 v29, v3;
	[tilespmem:s28+$0x4470] =	vst v1  }
0xbe: {  	v22 =	vld [tilespmem:s28+$0x4F0];
	v5 =	vadd.f32 v28, v3;
	v1 =	vbroadcast v0, $0xB;
	[tilespmem:s28+$0x4480] =	vst v2  }
0xbf: {  	v23 =	vld [tilespmem:s28+$0x500];
	v2 =	vadd.f32 v26, v3;
	[tilespmem:s28+$0x4490] =	vst v4  }
0xc0: {  	v21 =	vld [tilespmem:s28+$0x510];
	[tilespmem:s28+$0x44A0] =	vst v5;
	v3 =	vadd.f32 v27, v1  }
0xc1: {  	v20 =	vld [tilespmem:s28+$0x520];
	v4 =	vadd.f32 v25, v1;
	[tilespmem:s28+$0x44B0] =	vst v2  }
0xc2: {  	v18 =	vld [tilespmem:s28+$0x530];
	v2 =	vbroadcast v0, $0xC;
	v5 =	vadd.f32 v24, v1;
	[tilespmem:s28+$0x44C0] =	vst v3  }
0xc3: {  	v19 =	vld [tilespmem:s28+$0x540];
	v1 =	vadd.f32 v22, v1;
	[tilespmem:s28+$0x44D0] =	vst v4  }
0xc4: {  	v17 =	vld [tilespmem:s28+$0x550];
	v3 =	vadd.f32 v23, v2;
	[tilespmem:s28+$0x44E0] =	vst v5  }
0xc5: {  	v16 =	vld [tilespmem:s28+$0x560];
	v4 =	vadd.f32 v21, v2;
	[tilespmem:s28+$0x44F0] =	vst v1  }
0xc6: {  	v14 =	vld [tilespmem:s28+$0x570];
	v1 =	vbroadcast v0, $0xD;
	v5 =	vadd.f32 v20, v2;
	[tilespmem:s28+$0x4500] =	vst v3  }
0xc7: {  	v15 =	vld [tilespmem:s28+$0x580];
	v2 =	vadd.f32 v18, v2;
	[tilespmem:s28+$0x4510] =	vst v4  }
0xc8: {  	v13 =	vld [tilespmem:s28+$0x590];
	v3 =	vadd.f32 v19, v1;
	[tilespmem:s28+$0x4520] =	vst v5  }
0xc9: {  	v12 =	vld [tilespmem:s28+$0x5A0];
	v4 =	vadd.f32 v17, v1;
	[tilespmem:s28+$0x4530] =	vst v2  }
0xca: {  	v10 =	vld [tilespmem:s28+$0x5B0];
	v2 =	vbroadcast v0, $0xE;
	v5 =	vadd.f32 v16, v1;
	[tilespmem:s28+$0x4540] =	vst v3  }
0xcb: {  	v11 =	vld [tilespmem:s28+$0x5C0];
	v1 =	vadd.f32 v14, v1;
	[tilespmem:s28+$0x4550] =	vst v4  }
0xcc: {  	v9 =	vld [tilespmem:s28+$0x5D0];
	v3 =	vadd.f32 v15, v2;
	[tilespmem:s28+$0x4560] =	vst v5  }
0xcd: {  	v8 =	vld [tilespmem:s28+$0x5E0];
	v4 =	vadd.f32 v13, v2;
	[tilespmem:s28+$0x4570] =	vst v1  }
0xce: {  	v63 =	vld [tilespmem:s28+$0x5F0];
	v0 =	vbroadcast v0, $0xF;
	v1 =	vadd.f32 v12, v2;
	[tilespmem:s28+$0x4580] =	vst v3  }
0xcf: {  	v2 =	vadd.f32 v10, v2;
	[tilespmem:s28+$0x4590] =	vst v4  }
0xd0: {  	v3 =	vadd.f32 v11, v0;
	[tilespmem:s28+$0x45A0] =	vst v1  }
0xd1: {  	v1 =	vadd.f32 v9, v0;
	[tilespmem:s28+$0x45B0] =	vst v2  }
0xd2: {  	s0 =	sshll.u32 s25, $0xE;
	v2 =	vadd.f32 v8, v0;
	[tilespmem:s28+$0x45C0] =	vst v3  }
0xd3: {  	s0 =	sadd.s32 s9, s0;
	v0 =	vadd.f32 v63, v0;
	[tilespmem:s28+$0x45D0] =	vst v1  }
0xd4: {  	s0 =	sshrl.u32 s0, $0x3;
	[tilespmem:s28+$0x45E0] =	vst v2  }
0xd5: {  	s0 =	sadd.s32 s2, s0;
	[tilespmem:s28+$0x45F0] =	vst v0;
	s28 =	sor.u32 $0x1, s29  }
0xd6: {  	[hbm4b:s0+s3] =	stream.linear.scatter [tilespmem:s19], [sflag:$0x3], $0x2000, $0x38;
	[tilespmem:$0x8200] =	vst v63  }
0xd7: {  	p1 =	sgt.u32 s28, $0x66  }
0xd8: {  	s0 =	sadd.s32 @!p1 s26, s10  }
0xd9: {  	s0 =	sshrl.u32 @!p1 s0, $0x3  }
0xda: {  	s26 =	simm.s32 @!p1 $0x0;
	s0 =	sadd.s32 @!p1 s4, s0  }
0xdb: {  	[tilespmem:s26], [sflag:$0x5] =	stream.linear.gather @!p1 [hbm4b:s0+s26], $0x80, $0x38;
	[tilespmem:$0x8200] =	vst v63  }
0xdc: {  	s0 =	simm.s32 @!p1 $0x5  }
0xdd: {  	_ =	swait.ge @!p1 [sflag:s0], $0x80  }
0xde: {  	[sflag:s0] =	ssyncset.done @!p1 $0x0  }
0xdf: {  	s29 =	simm.s32 @!p1 $0x200;
	[sflag:s0] =	ssyncadd.s32 @!p1 $0xFFFFFF80;
	s0 =	simm.s32 @!p1 $0x80  }
0xe0: {  	[tilespmem:s29], [sflag:$0x1] =	stream.indirect.gather @!p1 [hbm4b:s5+s0], $0x40, s26, s0, $0xb8;
	[tilespmem:$0x8200] =	vst v63  }
0xe1: {  	s29 =	simm.s32 @!p1 $0x100  }
0xe2: {  	[tilespmem:s29], [sflag:$0x1] =	stream.indirect.gather @!p1 [hbm4b:s6+s0], $0x1, s26, s0, $0xb8;
	[tilespmem:$0x8200] =	vst v63  }
0xe3: {  	_ =	swait.ge [sflag:s20], $0x2000  }
0xe4: {  	[sflag:s20] =	ssyncset.done $0x0  }
0xe5: {  	[sflag:s20] =	ssyncadd.s32 $0xFFFFE000  }
0xe6: {  	_ =	swait.ge [sflag:s20], $0x80  }
0xe7: {  	[sflag:s20] =	ssyncset.done $0x0  }
0xe8: {  	s0 =	simm.s32 @!p0 $0x4;
	[sflag:s20] =	ssyncadd.s32 $0xFFFFFF80  }
0xe9: {  	_ =	swait.ge @!p0 [sflag:s0], $0x2000  }
0xea: {  	[sflag:s0] =	ssyncset.done @!p0 $0x0  }
0xeb: {  	s26 =	simm.s32 $0x0;
	[sflag:s0] =	ssyncadd.s32 @!p0 $0xFFFFE000  }
0xec: {  	v30 =	vld [tilespmem:s26+$0x2200]  }
0xed: {  	v31 =	vld [tilespmem:s26+$0x2210]  }
0xee: {  	v29 =	vld [tilespmem:s26+$0x2220]  }
0xef: {  	v28 =	vld [tilespmem:s26+$0x2230]  }
0xf0: {  	v26 =	vld [tilespmem:s26+$0x2240]  }
0xf1: {  	v27 =	vld [tilespmem:s26+$0x2250]  }
0xf2: {  	v25 =	vld [tilespmem:s26+$0x2260]  }
0xf3: {  	v24 =	vld [tilespmem:s26+$0x2270]  }
0xf4: {  	v22 =	vld [tilespmem:s26+$0x2280]  }
0xf5: {  	v23 =	vld [tilespmem:s26+$0x2290]  }
0xf6: {  	v21 =	vld [tilespmem:s26+$0x22A0]  }
0xf7: {  	v20 =	vld [tilespmem:s26+$0x22B0]  }
0xf8: {  	v18 =	vld [tilespmem:s26+$0x22C0]  }
0xf9: {  	v19 =	vld [tilespmem:s26+$0x22D0]  }
0xfa: {  	v17 =	vld [tilespmem:s26+$0x22E0]  }
0xfb: {  	v16 =	vld [tilespmem:s26+$0x22F0]  }
0xfc: {  	v14 =	vld [tilespmem:s26+$0x2300]  }
0xfd: {  	v15 =	vld [tilespmem:s26+$0x2310]  }
0xfe: {  	v13 =	vld [tilespmem:s26+$0x2320]  }
0xff: {  	v12 =	vld [tilespmem:s26+$0x2330]  }
0x100: {  	v10 =	vld [tilespmem:s26+$0x2340]  }
0x101: {  	v11 =	vld [tilespmem:s26+$0x2350]  }
0x102: {  	v9 =	vld [tilespmem:s26+$0x2360]  }
0x103: {  	v8 =	vld [tilespmem:s26+$0x2370]  }
0x104: {  	v6 =	vld [tilespmem:s26+$0x2380]  }
0x105: {  	v7 =	vld [tilespmem:s26+$0x2390]  }
0x106: {  	v3 =	vld [tilespmem:s26+$0x23A0]  }
0x107: {  	v5 =	vld [tilespmem:s26+$0x23B0]  }
0x108: {  	v2 =	vld [tilespmem:s26+$0x23C0]  }
0x109: {  	v4 =	vld [tilespmem:s26+$0x23D0]  }
0x10a: {  	s29 =	simm.s32 $0x180;
	v1 =	vld [tilespmem:s26+$0x23E0]  }
0x10b: {  	s30 =	simm.s32 $0x1000;
	v0 =	vld [tilespmem:s29+$0x0]  }
.LBB2_5:
0x10c: {  	p0 =	sne.s32 s30, $0x7000;
	v32 =	vld [tilespmem:s26+$0x23F0]  }
0x10d: {  	v33 =	vld [tilespmem:s26+$0x2400]  }
0x10e: {  	v34 =	vld [tilespmem:s26+$0x2410]  }
0x10f: {  	v35 =	vld [tilespmem:s26+$0x2420]  }
0x110: {  	v36 =	vbroadcast v0, $0x0;
	v37 =	vbroadcast v0, $0x1;
	v38 =	vld [tilespmem:s26+$0x2430]  }
0x111: {  	v39 =	vbroadcast v0, $0x2;
	v40 =	vbroadcast v0, $0x3;
	v41 =	vld [tilespmem:s26+$0x2440]  }
0x112: {  	v42 =	vbroadcast v0, $0x4;
	v30 =	vadd.f32 v36, v30;
	v31 =	vadd.f32 v31, v36;
	v43 =	vld [tilespmem:s26+$0x2450]  }
0x113: {  	v29 =	vadd.f32 v29, v36;
	v28 =	vadd.f32 v28, v36;
	v36 =	vbroadcast v0, $0x5;
	v44 =	vld [tilespmem:s26+$0x2460]  }
0x114: {  	v26 =	vadd.f32 v26, v37;
	v27 =	vadd.f32 v27, v37;
	[tilespmem:s26+$0x6200] =	vst v30;
	v30 =	vbroadcast v0, $0x6;
	v45 =	vld [tilespmem:s26+$0x2470]  }
0x115: {  	v25 =	vadd.f32 v25, v37;
	v24 =	vadd.f32 v24, v37;
	[tilespmem:s26+$0x6210] =	vst v31;
	v31 =	vbroadcast v0, $0x7;
	v37 =	vld [tilespmem:s26+$0x2480]  }
0x116: {  	v22 =	vadd.f32 v22, v39;
	v23 =	vadd.f32 v23, v39;
	[tilespmem:s26+$0x6220] =	vst v29;
	v29 =	vbroadcast v0, $0x8;
	v46 =	vld [tilespmem:s26+$0x2490]  }
0x117: {  	v21 =	vadd.f32 v21, v39;
	v20 =	vadd.f32 v20, v39;
	[tilespmem:s26+$0x6230] =	vst v28;
	v28 =	vbroadcast v0, $0x9;
	v39 =	vld [tilespmem:s26+$0x24A0]  }
0x118: {  	v18 =	vadd.f32 v18, v40;
	v19 =	vadd.f32 v19, v40;
	[tilespmem:s26+$0x6240] =	vst v26;
	v26 =	vbroadcast v0, $0xA;
	v47 =	vld [tilespmem:s26+$0x24B0]  }
0x119: {  	v17 =	vadd.f32 v17, v40;
	v16 =	vadd.f32 v16, v40;
	[tilespmem:s26+$0x6250] =	vst v27;
	v27 =	vbroadcast v0, $0xB;
	v40 =	vld [tilespmem:s26+$0x24C0]  }
0x11a: {  	v48 =	vbroadcast v0, $0xC;
	v14 =	vadd.f32 v14, v42;
	v15 =	vadd.f32 v15, v42;
	[tilespmem:s26+$0x6260] =	vst v25;
	v25 =	vld [tilespmem:s26+$0x24D0]  }
0x11b: {  	v13 =	vadd.f32 v13, v42;
	v12 =	vadd.f32 v12, v42;
	v42 =	vbroadcast v0, $0xD;
	[tilespmem:s26+$0x6270] =	vst v24;
	v24 =	vld [tilespmem:s26+$0x24E0]  }
0x11c: {  	v49 =	vbroadcast v0, $0xE;
	v10 =	vadd.f32 v10, v36;
	v11 =	vadd.f32 v11, v36;
	[tilespmem:s26+$0x6280] =	vst v22;
	v22 =	vld [tilespmem:s26+$0x24F0]  }
0x11d: {  	v9 =	vadd.f32 v9, v36;
	v8 =	vadd.f32 v8, v36;
	v0 =	vbroadcast v0, $0xF;
	[tilespmem:s26+$0x6290] =	vst v23;
	v23 =	vld [tilespmem:s26+$0x2500]  }
0x11e: {  	v6 =	vadd.f32 v6, v30;
	v7 =	vadd.f32 v7, v30;
	[tilespmem:s26+$0x62A0] =	vst v21;
	v21 =	vld [tilespmem:s26+$0x2510]  }
0x11f: {  	v3 =	vadd.f32 v3, v30;
	v5 =	vadd.f32 v5, v30;
	[tilespmem:s26+$0x62B0] =	vst v20;
	v20 =	vld [tilespmem:s26+$0x2520]  }
0x120: {  	v2 =	vadd.f32 v2, v31;
	v4 =	vadd.f32 v4, v31;
	[tilespmem:s26+$0x62C0] =	vst v18;
	v18 =	vld [tilespmem:s26+$0x2530]  }
0x121: {  	v1 =	vadd.f32 v1, v31;
	[tilespmem:s26+$0x62D0] =	vst v19;
	v19 =	vadd.f32 v32, v31;
	v30 =	vld [tilespmem:s26+$0x2540]  }
0x122: {  	v31 =	vadd.f32 v34, v29;
	[tilespmem:s26+$0x62E0] =	vst v17;
	v17 =	vadd.f32 v33, v29;
	v32 =	vld [tilespmem:s26+$0x2550]  }
0x123: {  	v33 =	vadd.f32 v38, v29;
	[tilespmem:s26+$0x62F0] =	vst v16;
	v16 =	vadd.f32 v35, v29;
	v29 =	vld [tilespmem:s26+$0x2560]  }
0x124: {  	v34 =	vadd.f32 v43, v28;
	[tilespmem:s26+$0x6300] =	vst v14;
	v14 =	vadd.f32 v41, v28;
	v35 =	vld [tilespmem:s26+$0x2570]  }
0x125: {  	v36 =	vadd.f32 v45, v28;
	[tilespmem:s26+$0x6310] =	vst v15;
	v15 =	vadd.f32 v44, v28;
	v28 =	vld [tilespmem:s26+$0x2580]  }
0x126: {  	[tilespmem:s26+$0x6320] =	vst v13;
	v13 =	vadd.f32 v37, v26;
	v37 =	vadd.f32 v46, v26;
	v38 =	vld [tilespmem:s26+$0x2590]  }
0x127: {  	[tilespmem:s26+$0x6330] =	vst v12;
	v12 =	vadd.f32 v39, v26;
	v39 =	vadd.f32 v47, v26;
	v26 =	vld [tilespmem:s26+$0x25A0]  }
0x128: {  	[tilespmem:s26+$0x6340] =	vst v10;
	v10 =	vadd.f32 v40, v27;
	v40 =	vadd.f32 v25, v27;
	v25 =	vld [tilespmem:s26+$0x25B0]  }
0x129: {  	v41 =	vadd.f32 v22, v27;
	[tilespmem:s26+$0x6350] =	vst v11;
	v11 =	vadd.f32 v24, v27;
	v22 =	vld [tilespmem:s26+$0x25C0]  }
0x12a: {  	v43 =	vadd.f32 v21, v48;
	[tilespmem:s26+$0x6360] =	vst v9;
	v9 =	vadd.f32 v23, v48;
	v21 =	vld [tilespmem:s26+$0x25D0]  }
0x12b: {  	v44 =	vadd.f32 v18, v48;
	[tilespmem:s26+$0x6370] =	vst v8;
	v8 =	vadd.f32 v20, v48;
	v18 =	vld [tilespmem:s26+$0x25E0]  }
0x12c: {  	v32 =	vadd.f32 v32, v42;
	[tilespmem:s26+$0x6380] =	vst v6;
	v6 =	vadd.f32 v30, v42;
	v20 =	vld [tilespmem:s26+$0x25F0]  }
0x12d: {  	v35 =	vadd.f32 v35, v42;
	[tilespmem:s26+$0x6390] =	vst v7;
	v7 =	vadd.f32 v29, v42  }
0x12e: {  	v38 =	vadd.f32 v38, v49;
	[tilespmem:s26+$0x63A0] =	vst v3;
	v3 =	vadd.f32 v28, v49  }
0x12f: {  	v42 =	vadd.f32 v25, v49;
	[tilespmem:s26+$0x63B0] =	vst v5;
	v5 =	vadd.f32 v26, v49  }
0x130: {  	v45 =	vadd.f32 v21, v0;
	[tilespmem:s26+$0x63C0] =	vst v2;
	v2 =	vadd.f32 v22, v0  }
0x131: {  	v46 =	vadd.f32 v18, v0;
	[tilespmem:s26+$0x63D0] =	vst v4;
	v0 =	vadd.f32 v20, v0  }
0x132: {  	[tilespmem:s26+$0x63E0] =	vst v1  }
0x133: {  	[tilespmem:s26+$0x63F0] =	vst v19  }
0x134: {  	s0 =	sshra.s32 s30, $0x2;
	[tilespmem:s26+$0x6400] =	vst v17  }
0x135: {  	v30 =	vld [tilespmem:s0+$0x2200];
	[tilespmem:s26+$0x6410] =	vst v31  }
0x136: {  	v31 =	vld [tilespmem:s0+$0x2210];
	[tilespmem:s26+$0x6420] =	vst v16  }
0x137: {  	v29 =	vld [tilespmem:s0+$0x2220];
	[tilespmem:s26+$0x6430] =	vst v33  }
0x138: {  	v28 =	vld [tilespmem:s0+$0x2230];
	[tilespmem:s26+$0x6440] =	vst v14  }
0x139: {  	v26 =	vld [tilespmem:s0+$0x2240];
	[tilespmem:s26+$0x6450] =	vst v34  }
0x13a: {  	v27 =	vld [tilespmem:s0+$0x2250];
	[tilespmem:s26+$0x6460] =	vst v15  }
0x13b: {  	v25 =	vld [tilespmem:s0+$0x2260];
	[tilespmem:s26+$0x6470] =	vst v36  }
0x13c: {  	v24 =	vld [tilespmem:s0+$0x2270];
	[tilespmem:s26+$0x6480] =	vst v13  }
0x13d: {  	v22 =	vld [tilespmem:s0+$0x2280];
	[tilespmem:s26+$0x6490] =	vst v37  }
0x13e: {  	v23 =	vld [tilespmem:s0+$0x2290];
	[tilespmem:s26+$0x64A0] =	vst v12  }
0x13f: {  	v21 =	vld [tilespmem:s0+$0x22A0];
	[tilespmem:s26+$0x64B0] =	vst v39  }
0x140: {  	v20 =	vld [tilespmem:s0+$0x22B0];
	[tilespmem:s26+$0x64C0] =	vst v10  }
0x141: {  	v18 =	vld [tilespmem:s0+$0x22C0];
	[tilespmem:s26+$0x64D0] =	vst v40  }
0x142: {  	v19 =	vld [tilespmem:s0+$0x22D0];
	[tilespmem:s26+$0x64E0] =	vst v11  }
0x143: {  	v17 =	vld [tilespmem:s0+$0x22E0];
	[tilespmem:s26+$0x64F0] =	vst v41  }
0x144: {  	v16 =	vld [tilespmem:s0+$0x22F0];
	[tilespmem:s26+$0x6500] =	vst v9  }
0x145: {  	v14 =	vld [tilespmem:s0+$0x2300];
	[tilespmem:s26+$0x6510] =	vst v43  }
0x146: {  	v15 =	vld [tilespmem:s0+$0x2310];
	[tilespmem:s26+$0x6520] =	vst v8  }
0x147: {  	v13 =	vld [tilespmem:s0+$0x2320];
	[tilespmem:s26+$0x6530] =	vst v44  }
0x148: {  	v12 =	vld [tilespmem:s0+$0x2330];
	[tilespmem:s26+$0x6540] =	vst v6  }
0x149: {  	v10 =	vld [tilespmem:s0+$0x2340];
	[tilespmem:s26+$0x6550] =	vst v32  }
0x14a: {  	v11 =	vld [tilespmem:s0+$0x2350];
	[tilespmem:s26+$0x6560] =	vst v7  }
0x14b: {  	v9 =	vld [tilespmem:s0+$0x2360];
	[tilespmem:s26+$0x6570] =	vst v35  }
0x14c: {  	v8 =	vld [tilespmem:s0+$0x2370];
	[tilespmem:s26+$0x6580] =	vst v3  }
0x14d: {  	v6 =	vld [tilespmem:s0+$0x2380];
	[tilespmem:s26+$0x6590] =	vst v38  }
0x14e: {  	v7 =	vld [tilespmem:s0+$0x2390];
	[tilespmem:s26+$0x65A0] =	vst v5  }
0x14f: {  	v3 =	vld [tilespmem:s0+$0x23A0];
	[tilespmem:s26+$0x65B0] =	vst v42  }
.Ltmp1:
0x150: {  	v5 =	vld [tilespmem:s0+$0x23B0];
	[tilespmem:s26+$0x65C0] =	vst v2;
	(pc) =	sbr.rel @p0 .LBB2_5-.Ltmp1, $4  }
0x151: {  	v2 =	vld [tilespmem:s0+$0x23C0];
	[tilespmem:s26+$0x65D0] =	vst v45  }
0x152: {  	v4 =	vld [tilespmem:s0+$0x23D0];
	[tilespmem:s26+$0x65E0] =	vst v46  }
0x153: {  	s29 =	sadd.s32 $0x10, s29;
	v1 =	vld [tilespmem:s0+$0x23E0];
	[tilespmem:s26+$0x65F0] =	vst v0;
	s26 =	smov.u32 s0  }
0x154: {  	s30 =	sadd.s32 $0x1000, s30;
	v0 =	vld [tilespmem:s29+$0x0]  }
0x155: {  	_ =	sdelay $0x3  }
0x156: {  	v36 =	vbroadcast v0, $0x0;
	_ =	sdelay $0x1  }
0x157: {  	v30 =	vadd.f32 v36, v30  }
0x158: {  	v31 =	vadd.f32 v31, v36  }
0x159: {  	v41 =	vbroadcast v0, $0x1;
	v29 =	vadd.f32 v29, v36;
	[tilespmem:s26+$0x6200] =	vst v30  }
0x15a: {  	v28 =	vadd.f32 v28, v36;
	[tilespmem:s26+$0x6210] =	vst v31  }
0x15b: {  	v26 =	vadd.f32 v26, v41;
	[tilespmem:s26+$0x6220] =	vst v29  }
0x15c: {  	v27 =	vadd.f32 v27, v41;
	[tilespmem:s26+$0x6230] =	vst v28  }
0x15d: {  	v46 =	vbroadcast v0, $0x2;
	v25 =	vadd.f32 v25, v41;
	[tilespmem:s26+$0x6240] =	vst v26  }
0x15e: {  	v24 =	vadd.f32 v24, v41;
	[tilespmem:s26+$0x6250] =	vst v27  }
0x15f: {  	v22 =	vadd.f32 v22, v46;
	[tilespmem:s26+$0x6260] =	vst v25  }
0x160: {  	v23 =	vadd.f32 v23, v46;
	[tilespmem:s26+$0x6270] =	vst v24  }
0x161: {  	v50 =	vbroadcast v0, $0x3;
	v21 =	vadd.f32 v21, v46;
	[tilespmem:s26+$0x6280] =	vst v22  }
0x162: {  	v20 =	vadd.f32 v20, v46;
	[tilespmem:s26+$0x6290] =	vst v23  }
0x163: {  	v18 =	vadd.f32 v18, v50;
	[tilespmem:s26+$0x62A0] =	vst v21  }
0x164: {  	v19 =	vadd.f32 v19, v50;
	[tilespmem:s26+$0x62B0] =	vst v20  }
0x165: {  	v53 =	vbroadcast v0, $0x4;
	v17 =	vadd.f32 v17, v50;
	[tilespmem:s26+$0x62C0] =	vst v18  }
0x166: {  	v16 =	vadd.f32 v16, v50;
	[tilespmem:s26+$0x62D0] =	vst v19  }
0x167: {  	v14 =	vadd.f32 v14, v53;
	[tilespmem:s26+$0x62E0] =	vst v17  }
0x168: {  	v15 =	vadd.f32 v15, v53;
	[tilespmem:s26+$0x62F0] =	vst v16  }
0x169: {  	v55 =	vbroadcast v0, $0x5;
	v13 =	vadd.f32 v13, v53;
	[tilespmem:s26+$0x6300] =	vst v14  }
0x16a: {  	v12 =	vadd.f32 v12, v53;
	[tilespmem:s26+$0x6310] =	vst v15  }
0x16b: {  	v10 =	vadd.f32 v10, v55;
	[tilespmem:s26+$0x6320] =	vst v13  }
0x16c: {  	v11 =	vadd.f32 v11, v55;
	[tilespmem:s26+$0x6330] =	vst v12  }
0x16d: {  	v56 =	vbroadcast v0, $0x6;
	v9 =	vadd.f32 v9, v55;
	[tilespmem:s26+$0x6340] =	vst v10  }
0x16e: {  	v8 =	vadd.f32 v8, v55;
	[tilespmem:s26+$0x6350] =	vst v11  }
0x16f: {  	v6 =	vadd.f32 v6, v56;
	[tilespmem:s26+$0x6360] =	vst v9  }
0x170: {  	v7 =	vadd.f32 v7, v56;
	[tilespmem:s26+$0x6370] =	vst v8  }
0x171: {  	v32 =	vld [tilespmem:s26+$0x23F0];
	v57 =	vbroadcast v0, $0x7;
	v3 =	vadd.f32 v3, v56;
	[tilespmem:s26+$0x6380] =	vst v6  }
0x172: {  	v33 =	vld [tilespmem:s26+$0x2400];
	v5 =	vadd.f32 v5, v56;
	[tilespmem:s26+$0x6390] =	vst v7  }
0x173: {  	v34 =	vld [tilespmem:s26+$0x2410];
	v2 =	vadd.f32 v2, v57;
	[tilespmem:s26+$0x63A0] =	vst v3  }
0x174: {  	v35 =	vld [tilespmem:s26+$0x2420];
	v58 =	vadd.f32 v4, v57;
	[tilespmem:s26+$0x63B0] =	vst v5  }
0x175: {  	v37 =	vld [tilespmem:s26+$0x2430];
	v59 =	vbroadcast v0, $0x8;
	v1 =	vadd.f32 v1, v57;
	[tilespmem:s26+$0x63C0] =	vst v2  }
0x176: {  	v38 =	vld [tilespmem:s26+$0x2440];
	v60 =	vadd.f32 v32, v57;
	[tilespmem:s26+$0x63D0] =	vst v58  }
0x177: {  	v39 =	vld [tilespmem:s26+$0x2450];
	v61 =	vadd.f32 v33, v59;
	[tilespmem:s26+$0x63E0] =	vst v1  }
0x178: {  	v40 =	vld [tilespmem:s26+$0x2460];
	v62 =	vadd.f32 v34, v59;
	[tilespmem:s26+$0x63F0] =	vst v60  }
0x179: {  	v45 =	vld [tilespmem:s26+$0x24C0];
	v63 =	vbroadcast v0, $0x9;
	v32 =	vadd.f32 v35, v59;
	[tilespmem:s26+$0x6400] =	vst v61  }
0x17a: {  	v47 =	vld [tilespmem:s26+$0x24D0];
	v33 =	vadd.f32 v37, v59;
	[tilespmem:s26+$0x6410] =	vst v62  }
0x17b: {  	v48 =	vld [tilespmem:s26+$0x24E0];
	v34 =	vadd.f32 v38, v63;
	[tilespmem:s26+$0x6420] =	vst v32  }
0x17c: {  	v44 =	vld [tilespmem:s26+$0x24B0];
	v42 =	vbroadcast v0, $0xB;
	v35 =	vadd.f32 v39, v63;
	[tilespmem:s26+$0x6430] =	vst v33  }
0x17d: {  	v49 =	vld [tilespmem:s26+$0x2500];
	v37 =	vadd.f32 v40, v63;
	[tilespmem:s26+$0x6440] =	vst v34  }
0x17e: {  	v51 =	vld [tilespmem:s26+$0x2510];
	v45 =	vadd.f32 v45, v42;
	[tilespmem:s26+$0x6450] =	vst v35  }
0x17f: {  	v52 =	vld [tilespmem:s26+$0x2520];
	v36 =	vbroadcast v0, $0xA;
	v46 =	vadd.f32 v47, v42;
	[tilespmem:s26+$0x6460] =	vst v37  }
0x180: {  	v54 =	vld [tilespmem:s26+$0x2550];
	v47 =	vbroadcast v0, $0xC;
	v48 =	vadd.f32 v48, v42;
	[tilespmem:s26+$0x64C0] =	vst v45  }
0x181: {  	v41 =	vld [tilespmem:s26+$0x25F0];
	v44 =	vadd.f32 v44, v36;
	[tilespmem:s26+$0x64D0] =	vst v46  }
0x182: {  	v30 =	vld [tilespmem:s26+$0x2470];
	v49 =	vadd.f32 v49, v47;
	[tilespmem:s26+$0x64E0] =	vst v48  }
0x183: {  	v31 =	vld [tilespmem:s26+$0x2480];
	v50 =	vadd.f32 v51, v47;
	v51 =	vbroadcast v0, $0xD;
	[tilespmem:s26+$0x64B0] =	vst v44  }
0x184: {  	v59 =	vbroadcast v0, $0xF;
	v29 =	vld [tilespmem:s26+$0x2490];
	v52 =	vadd.f32 v52, v47;
	[tilespmem:s26+$0x6500] =	vst v49  }
0x185: {  	v28 =	vld [tilespmem:s26+$0x24A0];
	[tilespmem:s26+$0x6510] =	vst v50;
	v54 =	vadd.f32 v54, v51  }
0x186: {  	v55 =	vbroadcast v0, $0xE;
	v22 =	vld [tilespmem:s26+$0x24F0];
	[tilespmem:s26+$0x6520] =	vst v52;
	v0 =	vadd.f32 v41, v59  }
0x187: {  	v18 =	vld [tilespmem:s26+$0x2530];
	[tilespmem:s26+$0x6550] =	vst v54;
	v38 =	vadd.f32 v30, v63  }
0x188: {  	v19 =	vld [tilespmem:s26+$0x2540];
	v39 =	vadd.f32 v31, v36;
	[tilespmem:s26+$0x65F0] =	vst v0  }
0x189: {  	v16 =	vld [tilespmem:s26+$0x2560];
	v40 =	vadd.f32 v29, v36;
	[tilespmem:s26+$0x6470] =	vst v38  }
0x18a: {  	v15 =	vld [tilespmem:s26+$0x2580];
	v43 =	vadd.f32 v28, v36;
	[tilespmem:s26+$0x6480] =	vst v39  }
0x18b: {  	v13 =	vld [tilespmem:s26+$0x2590];
	v1 =	vadd.f32 v22, v42;
	[tilespmem:s26+$0x6490] =	vst v40  }
0x18c: {  	v12 =	vld [tilespmem:s26+$0x25A0];
	v2 =	vadd.f32 v18, v47;
	[tilespmem:s26+$0x64A0] =	vst v43  }
0x18d: {  	v11 =	vld [tilespmem:s26+$0x25C0];
	v53 =	vadd.f32 v19, v51;
	[tilespmem:s26+$0x64F0] =	vst v1  }
0x18e: {  	v9 =	vld [tilespmem:s26+$0x25D0];
	v56 =	vadd.f32 v16, v51;
	[tilespmem:s26+$0x6530] =	vst v2  }
0x18f: {  	v8 =	vld [tilespmem:s26+$0x25E0];
	v57 =	vadd.f32 v15, v55;
	[tilespmem:s26+$0x6540] =	vst v53  }
0x190: {  	v14 =	vld [tilespmem:s26+$0x2570];
	v58 =	vadd.f32 v13, v55;
	[tilespmem:s26+$0x6560] =	vst v56  }
0x191: {  	v10 =	vld [tilespmem:s26+$0x25B0];
	v60 =	vadd.f32 v12, v55;
	[tilespmem:s26+$0x6580] =	vst v57  }
0x192: {  	v61 =	vadd.f32 v11, v59;
	[tilespmem:s26+$0x6590] =	vst v58  }
0x193: {  	s25 =	sadd.s32 $0x1, s25;
	v62 =	vadd.f32 v9, v59;
	[tilespmem:s26+$0x65A0] =	vst v60  }
0x194: {  	p0 =	sne.s32 s25, $0x34;
	v63 =	vadd.f32 v8, v59;
	[tilespmem:s26+$0x65C0] =	vst v61  }
.Ltmp2:
0x195: {  	s0 =	sshll.u32 s28, $0xD;
	v1 =	vadd.f32 v14, v51;
	[tilespmem:s26+$0x65D0] =	vst v62;
	(pc) =	sbr.rel @p0 .LBB2_2-.Ltmp2, $4  }
0x196: {  	s0 =	sadd.s32 s9, s0;
	v2 =	vadd.f32 v10, v55;
	[tilespmem:s26+$0x65E0] =	vst v63  }
0x197: {  	s0 =	sshrl.u32 s0, $0x3;
	[tilespmem:s26+$0x6570] =	vst v1  }
0x198: {  	s0 =	sadd.s32 s2, s0;
	[tilespmem:s26+$0x65B0] =	vst v2  }
0x199: {  	[hbm4b:s0+s3] =	stream.linear.scatter [tilespmem:s21], [sflag:$0x4], $0x2000, $0x38;
	[tilespmem:$0x8200] =	vst v63  }
0x19a: {  	s24 =	sadd.s32 $0x1, s24  }
0x19b: {  	_ =	swait.ge [sflag:s22], $0x2000;
	p0 =	sne.s32 s24, s11  }
.Ltmp3:
0x19c: {  	[sflag:s22] =	ssyncset.done $0x0;
	(pc) =	sbr.rel @p0 .LBB2_1-.Ltmp3, $4  }
0x19d: {  	[sflag:s22] =	ssyncadd.s32 $0xFFFFE000  }
0x19e: {  	_ =	swait.ge [sflag:s23], $0x2000  }
0x19f: {  	[sflag:s23] =	ssyncset.done $0x0  }
0x1a0: {  	[sflag:s23] =	ssyncadd.s32 $0xFFFFE000  }
0x1a1: {  	_ =	sfence.sel $0x180000  }
0x1a2: {  	[bflag:$0x0] =	sbarrier.arrive $0xFFFF  }
0x1a3: {  	_ =	strace $0x90000047  }
0x1a4: {  	[bflag:$0x2] =	sbarrier.arrive $0xFFFF  }
0x1a5: {  	p0 =	sne.s32 s1, $0x0;
	s0 =	rddreg [dreg:$0x2]  }
0x1a6: {  	s0 =	sadd.s32 @!p0 $0x100000, s0  }
0x1a7: {  	[sflag:s0] =	ssyncadd.tile.s32 @!p0 $0x1;
	_ =	shalt  }
.Lfunc_end2:
_tile_overlayer_lowered:
.L_overlay_start_2:
0x1a8: {  	(tag) =	ssettag $0x2  }
0x1a9: {  	s0 =	rddreg [dreg:$0x0];
	s2 =	stileid.u32  }
0x1aa: {  	s1 =	rddreg [dreg:$0x1];
	p0 =	sne.s32 s2, $0x0  }
0x1ab: {  	s3 =	rddreg [dreg:$0x2];
	[bflag:$0x3] =	sbarrier.arrive $0xFFFF;
	s2 =	simm.s32 @!p0 $0x1C05  }
0x1ac: {  	[timem:s3], [sflag:s2] =	dma.local @!p0 [hbm:s0], s1  }
0x1ad: {  	s0 =	simm.s32 @!p0 $0x5  }
0x1ae: {  	_ =	swait.ge @!p0 [sflag:s0], s1  }
0x1af: {  	s1 =	ssub.s32 @!p0 $0x0, s1;
	[sflag:s0] =	ssyncset.done @!p0 $0x0  }
0x1b0: {  	[sflag:s0] =	ssyncadd.s32 @!p0 s1  }
0x1b1: {  	[bflag:$0x3] =	sbarrier.arrive $0xFFFF  }
0x1b2: {  	_ =	shalt  }

// kernel: sparse-core-data-format-call.cloned.1.call-start
scs
called_computation_lowered:
.L_overlay_start_0:
0x0: {  	s2 =	sld [smem:$0x3FD9]  }
0x1: {  	s3 =	sld [smem:$0x3FFE];
	_ =	sdelay $0x1  }
0x2: {  	s1 =	srdreg.scid  }
0x3: {  	s0 =	sand.u32 $0x1, s1  }
0x4: {  	s18 =	sshll.u32 s0, $0xA;
	s2 =	sadd.s32 s3, s2  }
0x5: {  	s2 =	sadd.s32 s2, s18  }
0x6: {  	[smem:$0x3FC5] =	sst s2  }
0x7: {  	_ = 	snop  }
0x8: {  	s2 =	sld [smem:$0x3FD0];
	(tm) =	ssettm $0x1  }
0x9: {  	s19 =	sld [smem:$0x3FFB];
	_ =	sdelay $0x3  }
0xa: {  	_ =	strace s19  }
0xb: {  	s3 =	sld [smem:$0x3FFC];
	_ =	sdelay $0x3  }
0xc: {  	_ =	strace s3  }
0xd: {  	s3 =	sld [smem:$0x3FFD];
	_ =	sdelay $0x3  }
0xe: {  	_ =	strace s3  }
0xf: {  	_ =	strace $0x8FFFFFFF  }
0x10: {  	s20 =	sld [smem:$0x3FDB];
	_ =	sdelay $0x1  }
0x11: {  	s4 =	simm.s32 $_scs_section_size  }
0x12: {  	s5 =	simm.s32 $_size__tile_overlayer_lowered;
	s6 =	simm.s32 $_tile_overlayer_lowered  }
0x13: {  	s23 =	simm.s32 $0x1BFF;
	s22 =	sshll.u32 s6, $0x1;
	s3 =	sadd.s32 s4, s20  }
0x14: {  	s7 =	simm.s32 $0x0;
	s21 =	sshll.u32 s5, $0x1;
	s5 =	sadd.s32 s22, s3  }
0x15: {  	[timem:s7], [sflag:s23] =	dma.local [hbm:s5], s21  }
0x16: {  	_ =	swait.ge [sflag:s23], s21  }
0x17: {  	s4 =	ssub.s32 $0x0, s21;
	[sflag:s23] =	ssyncset.done $0x0  }
0x18: {  	[sflag:s23] =	ssyncadd.s32 s4;
	_ =	sdelay $0x1  }
0x19: {  	s24 =	simm.s32 $0x1B8B  }
0x1a: {  	_ =	swait.ge [sflag:s24], $0x1  }
0x1b: {  	[sflag:s24] =	ssyncset.done $0x0  }
0x1c: {  	s26 =	simm.s32 $0x1B8E;
	s25 =	sld [smem:$0x3FFE];
	[sflag:s24] =	ssyncadd.s32 $0xFFFFFFFF  }
0x1d: {  	s27 =	simm.s32 $execute0_lowered;
	[smem:$0x3FD2] =	sst s26  }
0x1e: {  	s5 =	sshll.u32 s27, $0x1;
	_ =	strace $0x80000049;
	[dreg:$0x1] =	wrdreg $0xFFFFFFFF  }
0x1f: {  	s28 =	simm.s32 $_size_execute0_lowered;
	s3 =	sadd.s32 s3, s5;
	[dreg:$0x0] =	wrdreg $0x0  }
0x20: {  	s5 =	sshll.u32 s28, $0x1;
	[dreg:$0x2] =	wrdreg s3  }
0x21: {  	[dreg:$0x3] =	wrdreg s5  }
0x22: {  	[dreg:$0x4] =	wrdreg $0xC0  }
0x23: {  	_ =	task [dreg:s7], $0x5FFFF  }
0x24: {  	[dreg:$0x1] =	wrdreg $0xFFFFFFFF  }
0x25: {  	[dreg:$0x0] =	wrdreg $0x60  }
0x26: {  	[dreg:$0x2] =	wrdreg s25  }
0x27: {  	[dreg:$0x3] =	wrdreg s2  }
0x28: {  	[dreg:$0x4] =	wrdreg $0x9  }
0x29: {  	_ =	task.clear_ibuf [dreg:s7], $0x5FFFF;
	_ =	strace $0x90000049  }
0x2a: {  	s29 =	simm.s32 $0x9;
	_ =	strace $0x8000004B  }
0x2b: {  	_ =	swait.ge [sflag:s29], $0x1  }
0x2c: {  	[sflag:s29] =	ssyncadd.s32 $0xFFFFFFFF  }
0x2d: {  	_ =	strace $0x9000004B  }
0x2e: {  	_ =	sfence  }
0x2f: {  	s30 =	sld [smem:$0x0];
	_ =	sdelay $0x2  }
0x30: {  	s31 =	sshll.u32 s1, $0xD;
	s1 =	sshrl.u32 s1, $0x2  }
0x31: {  	s3 =	sand.u32 $0x4000, s31;
	s1 =	sadd.s32 s1, s30  }
0x32: {  	s0 =	sor.u32 s3, s0;
	s1 =	sshll.u32 s1, $0x11  }
0x33: {  	s0 =	sor.u32 s1, s0  }
0x34: {  	s0 =	sadd.s32 $0x8F2B, s0  }
0x35: {  	[sflag:s0] =	ssyncadd.remote.s32 $0x1  }
0x36: {  	_ =	sfence.sel $0xFFFF  }
0x37: {  	[dreg:$0x0] =	wrdreg $0xFFFFFFFF;
	(pc) =	sbr.abs _section_cstart, $3  }
0x38: {  	[dreg:$0x1] =	wrdreg $0xFFFFFFFF  }
0x39: {  	_ =	task.clear_ibuf [dreg:s7], $0x2FFFF;
	_ =	strace $0x9FFFFFFF  }
0x3a: {  	(tm) =	ssettm $0x7FFFFFFF  }
0x3b: {  	_ =	shalt  }
tec
execute0_lowered:
.L_overlay_start_1:
0x0: {  	(tag) =	ssettag $0x1  }
0x1: {  	s0 =	srdreg.scid  }
0x2: {  	s1 =	sshll.u32 s0, $0x4  }
0x3: {  	s0 =	stileid.u32;
	s1 =	sand.u32 $0x10, s1  }
0x4: {  	s1 =	sor.u32 s0, s1  }
0x5: {  	s6 =	rddreg [dreg:$0x0];
	s4 =	simm.s32 $0x1;
	s2 =	sshll.u32 s1, $0x7  }
0x6: {  	s7 =	simm.s32 $0x2;
	s12 =	simm.s32 $0x0;
	s1 =	ssub.s32 $0x4000, s2  }
0x7: {  	s8 =	simm.s32 $0x20000;
	s13 =	simm.s32 $0x0;
	s3 =	sand.u32 $0xF80, s1  }
0x8: {  	s9 =	simm.s32 $0x0;
	s5 =	sshrl.u32 s1, $0xC;
	p0 =	sne.s32 s3, $0x0  }
.Ltmp0:
0x9: {  	s1 =	rddreg [dreg:$0x2];
	s4 =	simm.s32 @!p0 $0x0;
	(pc) =	sbr.rel .LBB1_1-.Ltmp0, $4  }
0xa: {  	s11 =	simm.s32 $0x0;
	s3 =	rddreg [dreg:$0x1];
	s5 =	sadd.s32 s4, s5  }
0xb: {  	_ =	strace $0x8000004A;
	s4 =	simm.s32 $0x1;
	s5 =	smul.u32 $0x1A, s5  }
0xc: {  	s6 =	sadd.s32 $0x800, s6;
	s10 =	smov.u32 s2;
	[sflag:s4] =	ssyncpa.u1 $0x0  }
0xd: {  	p0 =	por $0x0, $0x0;
	[sflag:s7] =	ssyncpa.u1 $0x0;
	s7 =	sor.u32 $0x1, s5  }
.LBB1_4:
0xe: {  	s16 =	sshll.u32 s13, $0x3;
	s17 =	sand.u32 $0x78, s13  }
0xf: {  	s30 =	sand.u32 $0x1F800, s13;
	s12 =	sshll.u32 s12, $0x11;
	s16 =	sand.u32 $0x3C00, s16  }
0x10: {  	[tilespmem:s15+$0x810 ss:$0x81] =	vst.msk $0xffff, v2;
	s31 =	sand.u32 $0x7, s13;
	s16 =	sor.u32 s17, s16;
	s17 =	sadd.s32 s3, s30  }
0x11: {  	[tilespmem:s15+$0x1020 ss:$0x81] =	vst.msk $0xffff, v0;
	s13 =	sshll.u32 s31, $0x12;
	s12 =	sadd.s32 s12, s17;
	s16 =	sshrl.u32 s16, $0x3  }
0x12: {  	[tilespmem:s15+$0x0 ss:$0x81] =	vst.msk $0xffff, v1;
	s13 =	sor.u32 $0x400, s13;
	s12 =	sadd.s32 s16, s12  }
0x13: {  	[hbm4b:s12+s13] =	stream.strided.scatter [tilespmem:s14], [sflag:$0x2], $0x2000, s8, s13, $0x20;
	[tilespmem:$0x8080] =	vst v63  }
.LBB1_5:
0x14: {  	s14 =	sadd.s32 $0x1, s9  }
0x15: {  	s12 =	sadd.s32 $0x1000, s10;
	s16 =	smov.u32 s10;
	p2 =	sgt.s32 s14, $0x19  }
0x16: {  	s16 =	smov.u32 @p2 s12  }
0x17: {  	s14 =	simm.s32 @p2 $0x0;
	p2 =	sgt.s32 s16, $0x3FFF  }
0x18: {  	s16 =	smov.u32 @p2 s2;
	p2 =	sne.s32 s11, s7  }
.Ltmp1:
0x19: {  	p1 =	slt.u32 s11, $0x2;
	(pc) =	sbr.rel @!p2 .LBB1_6-.Ltmp1, $4  }
0x1a: {  	s15 =	simm.s32 @!p1 $0x2  }
0x1b: {  	s13 =	smov.u32 s10;
	p0 =	por !p0, !p0;
	_ =	swait.ge @!p1 [sflag:s15], $0x2000  }
0x1c: {  	s12 =	smov.u32 s9;
	[sflag:s15] =	ssyncset.done @!p1 $0x0;
	s9 =	smov.u32 s14  }
0x1d: {  	s11 =	sadd.s32 $0x1, s11;
	[sflag:s15] =	ssyncadd.s32 @!p1 $0xFFFFE000;
	s10 =	smov.u32 s16  }
.LBB1_1:
0x1e: {  	p1 =	sge.u32 s11, s5  }
0x1f: {  	s31 =	sadd.s32 $0xFFFFFFFF, s11;
	s14 =	sxor.u32 @!p1 $0xFFFFFFFF, s11  }
0x20: {  	s15 =	sshll.u32 @!p1 s10, $0x9;
	s16 =	sshll.u32 @!p1 s9, $0x4;
	s17 =	simm.s32 @!p1 $0x1000  }
0x21: {  	s14 =	sshll.u32 @!p1 s14, $0xD;
	s16 =	sand.u32 @!p1 $0x1F0, s16;
	s15 =	sadd.s32 @!p1 s6, s15  }
0x22: {  	s14 =	sand.u32 @!p1 $0x2000, s14;
	s15 =	sadd.s32 @!p1 s16, s15;
	s16 =	simm.s32 @!p1 $0x40  }
0x23: {  	[tilespmem:s14], [sflag:$0x1] =	stream.strided.gather @!p1 [hbm4b:s15+s16], $0x2000, s17, s16, $0x38;
	[tilespmem:$0x8080] =	vst v63  }
0x24: {  	p1 =	sge.u32 s31, s5  }
.Ltmp2:
0x25: {  	_ = 	snop;
	(pc) =	sbr.rel @p1 .LBB1_5-.Ltmp2, $1  }
0x26: {  	_ =	sdelay $0x3  }
0x27: {  	s14 =	simm.s32 $0x1  }
0x28: {  	_ =	swait.ge [sflag:s4], $0x2000;
	s14 =	simm.s32 @!p0 $0x0  }
0x29: {  	[sflag:s4] =	ssyncset.done $0x0;
	s15 =	sshll.u32 s14, $0xD  }
0x2a: {  	[sflag:s4] =	ssyncadd.s32 $0xFFFFE000;
	s18 =	sor.u32 $0x20, s15  }
0x2b: {  	s14 =	smul.u32 $0x8100, s14;
	v3 =	vld [tilespmem:s18+$0x10]  }
0x2c: {  	s30 =	sand.u32 $0x1, s11;
	v2 =	vld [tilespmem:s18+$0xFFFFFFF0]  }
0x2d: {  	s15 =	smul.u32 $0x8100, s30;
	s14 =	sshrl.u32 s14, $0x2;
	v0 =	vld [tilespmem:s18+$0x0]  }
0x2e: {  	v1 =	vld [tilespmem:s18+$0xFFFFFFE0];
	s16 =	sor.u32 $0x4000, s14  }
0x2f: {  	s31 =	sshrl.u32 s15, $0x2;
	s15 =	sadd.s32 $0x0, s16  }
0x30: {  	s17 =	simm.s32 $0x4;
	s18 =	sadd.s32 $0x40, s18;
	s14 =	sor.u32 $0x4000, s31;
	[tilespmem:s15+$0x1830 ss:$0x81] =	vst.msk $0xffff, v3  }
.LBB1_3:
0x31: {  	v3 =	vld [tilespmem:s18+$0x10];
	p1 =	sne.s32 s17, $0x1FC;
	[tilespmem:s15+$0x810 ss:$0x81] =	vst.msk $0xffff, v2;
	s19 =	smov.u32 s17;
	s17 =	sadd.s32 $0x4, s17  }
.Ltmp3:
0x32: {  	v2 =	vld [tilespmem:s18+$0xFFFFFFF0];
	[tilespmem:s15+$0x1020 ss:$0x81] =	vst.msk $0xffff, v0;
	(pc) =	sbr.rel @p1 .LBB1_3-.Ltmp3, $4  }
0x33: {  	v0 =	vld [tilespmem:s18+$0x0];
	[tilespmem:s15+$0x0 ss:$0x81] =	vst.msk $0xffff, v1  }
0x34: {  	s15 =	sshra.s32 s19, $0x2;
	v1 =	vld [tilespmem:s18+$0xFFFFFFE0]  }
0x35: {  	s15 =	sadd.s32 s15, s16  }
0x36: {  	s18 =	sadd.s32 $0x40, s18;
	[tilespmem:s15+$0x1830 ss:$0x81] =	vst.msk $0xffff, v3  }
.Ltmp4:
0x37: {  	_ = 	snop;
	(pc) =	sbr.rel .LBB1_4-.Ltmp4, $1  }
0x38: {  	_ =	sdelay $0x3  }
.LBB1_6:
0x39: {  	_ =	sfence.sel $0x180000  }
0x3a: {  	s2 =	simm.s32 $0x1;
	[bflag:$0x0] =	sbarrier.arrive $0xFFFF  }
0x3b: {  	s31 =	simm.s32 $0x2;
	[sflag:s2] =	ssyncpa.u1 $0x1  }
0x3c: {  	[sflag:s31] =	ssyncpa.u1 $0x1  }
0x3d: {  	p0 =	sne.s32 s0, $0x0;
	_ =	strace $0x9000004A  }
0x3e: {  	s0 =	sadd.s32 @!p0 $0x100000, s1;
	[bflag:$0x2] =	sbarrier.arrive $0xFFFF  }
0x3f: {  	[sflag:s0] =	ssyncadd.tile.s32 @!p0 $0x1;
	_ =	shalt  }
.Lfunc_end1:
_tile_overlayer_lowered:
.L_overlay_start_2:
0x40: {  	(tag) =	ssettag $0x2  }
0x41: {  	s0 =	rddreg [dreg:$0x0];
	s2 =	stileid.u32  }
0x42: {  	s1 =	rddreg [dreg:$0x1];
	p0 =	sne.s32 s2, $0x0  }
0x43: {  	s3 =	rddreg [dreg:$0x2];
	[bflag:$0x3] =	sbarrier.arrive $0xFFFF;
	s2 =	simm.s32 @!p0 $0x1C01  }
0x44: {  	[timem:s3], [sflag:s2] =	dma.local @!p0 [hbm:s0], s1  }
0x45: {  	s0 =	simm.s32 @!p0 $0x1  }
0x46: {  	_ =	swait.ge @!p0 [sflag:s0], s1  }
0x47: {  	s1 =	ssub.s32 @!p0 $0x0, s1;
	[sflag:s0] =	ssyncset.done @!p0 $0x0  }
0x48: {  	[sflag:s0] =	ssyncadd.s32 @!p0 s1  }
0x49: {  	[bflag:$0x3] =	sbarrier.arrive $0xFFFF  }
0x4a: {  	_ =	shalt  }

</sc_bundles>
